<compile_context>
chip_gen: v7x
topology: tpu7x:2x2x1
jax: 0.10.2.dev20260603
libtpu: 0.0.44.dev20260713+nightly
codegen_flags: <defaults>
</compile_context>

<pallas_src>
import functools

import jax
import jax.numpy as jnp
from jax import lax
from jax.experimental import pallas as pl
from jax.experimental.pallas import tpu as pltpu
from jax.experimental.pallas import tpu_sc as plsc

_NC = 2
_NS = 16
_NW = _NC * _NS


def _tc_tables(x_node, w1ea, w1eb, b1e):
    n_nodes, d = x_node.shape
    blk = 5000
    grid = (n_nodes // blk,)

    def body(xn_ref, wa_ref, wb_ref, b_ref, pa_ref, pb_ref):
        xn = xn_ref[...]
        f32 = jnp.float32
        pa_ref[...] = (jnp.dot(xn, wa_ref[...], preferred_element_type=f32)
                       + b_ref[0:1, :])
        pb_ref[...] = jnp.dot(xn, wb_ref[...], preferred_element_type=f32)

    return pl.pallas_call(
        body,
        grid=grid,
        in_specs=[
            pl.BlockSpec((blk, d), lambda i: (i, 0)),
            pl.BlockSpec((d, 32), lambda i: (0, 0)),
            pl.BlockSpec((d, 32), lambda i: (0, 0)),
            pl.BlockSpec((8, 32), lambda i: (0, 0)),
        ],
        out_specs=[
            pl.BlockSpec((blk, 32), lambda i: (i, 0)),
            pl.BlockSpec((blk, 32), lambda i: (i, 0)),
        ],
        out_shape=[
            jax.ShapeDtypeStruct((n_nodes, 32), jnp.float32),
            jax.ShapeDtypeStruct((n_nodes, 32), jnp.float32),
        ],
        compiler_params=pltpu.CompilerParams(
            dimension_semantics=("arbitrary",),
        ),
    )(x_node, w1ea, w1eb, b1e)


def _sc_gather(x_node, pa, pb, src, dst, b_mask, e0, e_n):
    n_nodes, d = x_node.shape
    n_edges = e_n
    per_w = n_edges // _NW
    chunk = 80
    n_chunks = per_w // chunk
    ngrp = chunk // 16
    mesh = plsc.VectorSubcoreMesh(core_axis_name="c", subcore_axis_name="s")

    @functools.partial(
        pl.kernel,
        out_type=(
            jax.ShapeDtypeStruct((n_edges, d), jnp.float32),
            jax.ShapeDtypeStruct((n_edges, d), jnp.float32),
        ),
        mesh=mesh,
        scratch_types=[
            pltpu.VMEM((2, chunk), jnp.int32),
            pltpu.VMEM((2, chunk), jnp.int32),
            pltpu.VMEM((2, chunk), jnp.int32),
            pltpu.VMEM((2, chunk, d), jnp.float32),
            pltpu.VMEM((2, chunk, d), jnp.float32),
            pltpu.VMEM((2, chunk, d), jnp.float32),
            pltpu.SemaphoreType.DMA,
            pltpu.SemaphoreType.DMA,
            pltpu.SemaphoreType.DMA,
            pltpu.SemaphoreType.DMA,
        ],
        compiler_params=pltpu.CompilerParams(use_tc_tiling_on_sc=False),
    )
    def gather_kernel(xn, pa_h, pb_h, src_h, dst_h, bm_h, u1_out, xd_out,
                      i1b, i2b, mb, ga, gb, gd, gsem, gsem2, osem, isem):
        wid = lax.axis_index("s") * _NC + lax.axis_index("c")
        base0 = wid * per_w

        def fire_idx(j, slot):
            base = e0 + base0 + j * chunk
            pltpu.async_copy(src_h.at[pl.ds(base, chunk)], i1b.at[slot], isem)
            pltpu.async_copy(dst_h.at[pl.ds(base, chunk)], i2b.at[slot], isem)
            pltpu.async_copy(bm_h.at[pl.ds(base, chunk)], mb.at[slot], isem)

        def wait_idx(j, slot):
            base = e0 + base0 + j * chunk
            pltpu.make_async_copy(src_h.at[pl.ds(base, chunk)], i1b.at[slot],
                                  isem).wait()
            pltpu.make_async_copy(dst_h.at[pl.ds(base, chunk)], i2b.at[slot],
                                  isem).wait()
            pltpu.make_async_copy(bm_h.at[pl.ds(base, chunk)], mb.at[slot],
                                  isem).wait()

        def fire_gathers(j, slot):
            wait_idx(j, slot)
            for k in range(ngrp):
                sl = pl.ds(k * 16, 16)
                s_v = i1b[slot, sl]
                d_v = i2b[slot, sl]
                fwd = mb[slot, sl] == 0
                i1b[slot, sl] = jnp.where(fwd, s_v, d_v)
                mb[slot, sl] = jnp.where(fwd, d_v, s_v)
            pltpu.async_copy(pa_h.at[i1b.at[slot]], ga.at[slot], gsem)
            pltpu.async_copy(pb_h.at[mb.at[slot]], gb.at[slot], gsem)
            pltpu.async_copy(xn.at[i2b.at[slot]], gd.at[slot], gsem2)

        def drain_gather(slot):
            pltpu.make_async_copy(pa_h.at[i1b.at[slot]], ga.at[slot], gsem).wait()
            pltpu.make_async_copy(pb_h.at[mb.at[slot]], gb.at[slot], gsem).wait()
            pltpu.make_async_copy(xn.at[i2b.at[slot]], gd.at[slot], gsem2).wait()

        fire_idx(0, 0)
        fire_idx(1, 1)
        fire_gathers(0, 0)

        def body(j, carry):
            slot = lax.rem(j, 2)
            nslot = lax.rem(j + 1, 2)

            drain_gather(slot)

            @pl.when(j >= 1)
            def _():
                base_p = base0 + (j - 1) * chunk
                pltpu.make_async_copy(
                    ga.at[nslot], u1_out.at[pl.ds(base_p, chunk)], osem
                ).wait()
                pltpu.make_async_copy(
                    gd.at[nslot], xd_out.at[pl.ds(base_p, chunk)], osem
                ).wait()

            @pl.when(j + 1 < n_chunks)
            def _():
                fire_gathers(j + 1, nslot)

            @pl.when(j + 2 < n_chunks)
            def _():
                fire_idx(j + 2, slot)

            def addrow(g, carry2):
                for k in range(4):
                    r = g * 4 + k
                    ga[slot, r, pl.ds(0, 16)] = (
                        ga[slot, r, pl.ds(0, 16)] + gb[slot, r, pl.ds(0, 16)])
                    ga[slot, r, pl.ds(16, 16)] = (
                        ga[slot, r, pl.ds(16, 16)] + gb[slot, r, pl.ds(16, 16)])
                return carry2

            lax.fori_loop(0, chunk // 4, addrow, 0)
            base = base0 + j * chunk
            pltpu.async_copy(ga.at[slot], u1_out.at[pl.ds(base, chunk)], osem)
            pltpu.async_copy(gd.at[slot], xd_out.at[pl.ds(base, chunk)], osem)
            return carry

        lax.fori_loop(0, n_chunks, body, 0)
        base_l = base0 + (n_chunks - 1) * chunk
        slot_l = (n_chunks - 1) % 2
        pltpu.make_async_copy(
            ga.at[slot_l], u1_out.at[pl.ds(base_l, chunk)], osem
        ).wait()
        pltpu.make_async_copy(
            gd.at[slot_l], xd_out.at[pl.ds(base_l, chunk)], osem
        ).wait()

    return gather_kernel(x_node, pa, pb, src, dst, b_mask)


def _tc_mlp(u1p, xdp, xep, xe_blk_off,
            c4, w2e4, b2e4, wna4, wnb4, b1n4, w2n4, b2n4):
    n4 = u1p.shape[0]
    blk4 = 2000
    grid = (n4 // blk4,)

    def body(u1_ref, xd_ref, xe_ref,
             c4_r, w2e4_r, b2e4_r, wna4_r, wnb4_r, b1n4_r, w2n4_r, b2n4_r,
             em_ref, msg_ref):
        f32 = jnp.float32
        h = u1_ref[...] + jnp.dot(xe_ref[...], c4_r[...],
                                  preferred_element_type=f32)
        h = jnp.maximum(h, 0.0)
        em = jnp.dot(h, w2e4_r[...], preferred_element_type=f32) + b2e4_r[0:1, :]
        h2 = (jnp.dot(xd_ref[...], wna4_r[...], preferred_element_type=f32)
              + jnp.dot(em, wnb4_r[...], preferred_element_type=f32)
              + b1n4_r[0:1, :])
        h2 = jnp.maximum(h2, 0.0)
        msg = jnp.dot(h2, w2n4_r[...], preferred_element_type=f32) + b2n4_r[0:1, :]
        em_ref[...] = em
        msg_ref[...] = msg

    def full(r, c):
        return pl.BlockSpec((r, c), lambda i: (0, 0))

    return pl.pallas_call(
        body,
        grid=grid,
        in_specs=[
            pl.BlockSpec((blk4, 128), lambda i: (i, 0)),
            pl.BlockSpec((blk4, 128), lambda i: (i, 0)),
            pl.BlockSpec((blk4, 24), lambda i: (i + xe_blk_off, 0)),
            full(24, 128),
            full(128, 24), full(8, 24),
            full(128, 256), full(24, 256), full(8, 256),
            full(256, 128), full(8, 128),
        ],
        out_specs=[
            pl.BlockSpec((blk4, 24), lambda i: (i, 0)),
            pl.BlockSpec((blk4, 128), lambda i: (i, 0)),
        ],
        out_shape=[
            jax.ShapeDtypeStruct((n4, 24), jnp.float32),
            jax.ShapeDtypeStruct((n4, 128), jnp.float32),
        ],
        compiler_params=pltpu.CompilerParams(
            dimension_semantics=("arbitrary",),
        ),
    )(u1p, xdp, xep,
      c4, w2e4, b2e4, wna4, wnb4, b1n4, w2n4, b2n4)


def _sc_scatter(msg, dst, n_nodes, e0):
    n_edges, d = msg.shape
    half = n_nodes // 2
    acc_rows = 16 * 3128
    per_tile = n_edges // _NS
    chunk = 80
    n_chunks = per_tile // chunk
    zrows = 512
    mesh = plsc.VectorSubcoreMesh(core_axis_name="c", subcore_axis_name="s")

    @functools.partial(
        pl.kernel,
        out_type=jax.ShapeDtypeStruct((n_nodes, d), jnp.float32),
        mesh=mesh,
        scratch_types=[
            pltpu.VMEM((2, chunk), jnp.int32),
            pltpu.VMEM((2, chunk), jnp.int32),
            pltpu.VMEM((2, chunk, d), jnp.float32),
            pltpu.VMEM((zrows, d), jnp.float32),
            pltpu.VMEM_SHARED((acc_rows, d), jnp.float32),
            pltpu.SemaphoreType.DMA,
            pltpu.SemaphoreType.DMA,
            pltpu.SemaphoreType.DMA,
        ],
        compiler_params=pltpu.CompilerParams(use_tc_tiling_on_sc=False),
    )
    def scatter_kernel(msg_h, dst_h, out_h, ridx, didx, mrows, zbuf, acc,
                       msem, ssem, isem):
        ci = lax.axis_index("c")
        si = lax.axis_index("s")
        node_base = ci * half

        zero16 = jnp.zeros((16,), jnp.float32)

        def zrow(i, carry):
            zbuf[i, pl.ds(0, 16)] = zero16
            zbuf[i, pl.ds(16, 16)] = zero16
            return carry

        lax.fori_loop(0, zrows, zrow, 0)
        tile_base = si * 3128
        for k in range(6):
            pltpu.sync_copy(zbuf.at[pl.ds(0, 512)],
                            acc.at[pl.ds(tile_base + k * 512, 512)])
        pltpu.sync_copy(zbuf.at[pl.ds(0, 56)], acc.at[pl.ds(tile_base + 3072, 56)])
        plsc.subcore_barrier()

        edge_base = si * per_tile

        def fire_idx(j, slot):
            base = edge_base + j * chunk
            pltpu.async_copy(dst_h.at[pl.ds(e0 + base, chunk)], ridx.at[slot],
                             isem)

        def prep(j, slot):
            base = edge_base + j * chunk
            pltpu.make_async_copy(
                dst_h.at[pl.ds(e0 + base, chunk)], ridx.at[slot], isem).wait()
            pltpu.async_copy(msg_h.at[pl.ds(base, chunk)], mrows.at[slot], msem)
            for k in range(chunk // 16):
                v = ridx[slot, pl.ds(k * 16, 16)]
                lv = v - node_base
                ok = (lv >= 0) & (lv < half)
                didx[slot, pl.ds(k * 16, 16)] = jnp.where(ok, lv, half)

        fire_idx(0, 0)
        fire_idx(1, 1)
        prep(0, 0)

        def body(j, carry):
            slot = lax.rem(j, 2)
            nslot = lax.rem(j + 1, 2)

            @pl.when(j >= 1)
            def _():
                pltpu.make_async_copy(
                    mrows.at[nslot], acc.at[didx.at[nslot]], ssem
                ).wait()

            @pl.when(j + 1 < n_chunks)
            def _():
                prep(j + 1, nslot)

            @pl.when(j + 2 < n_chunks)
            def _():
                fire_idx(j + 2, slot)

            pltpu.make_async_copy(
                msg_h.at[pl.ds(edge_base + j * chunk, chunk)], mrows.at[slot], msem
            ).wait()
            pltpu.async_copy(mrows.at[slot], acc.at[didx.at[slot]], ssem, add=True)
            return carry

        lax.fori_loop(0, n_chunks, body, 0)
        slot_l = (n_chunks - 1) % 2
        pltpu.make_async_copy(
            mrows.at[slot_l], acc.at[didx.at[slot_l]], ssem
        ).wait()
        plsc.subcore_barrier()

        out_base = si * 3128

        def copy_rows(local_r, rows):
            pltpu.sync_copy(acc.at[pl.ds(local_r, rows)], zbuf.at[pl.ds(0, rows)])
            pltpu.sync_copy(zbuf.at[pl.ds(0, rows)],
                            out_h.at[pl.ds(node_base + local_r, rows)])

        for k in range(6):
            copy_rows(out_base + k * 512, 512)

        @pl.when(si < 15)
        def _():
            copy_rows(out_base + 3072, 56)

        @pl.when(si == 15)
        def _():
            copy_rows(out_base + 3072, 8)

    return scatter_kernel(msg, dst)


def kernel(x_node, x_edge, edge_index, b_mask,
           W1e, b1e, W2e, b2e, W1n, b1n, W2n, b2n):
    n_nodes = x_node.shape[0]
    n_edges = x_edge.shape[0]
    src = edge_index[0]
    dst = edge_index[1]

    bc8 = lambda b: jnp.broadcast_to(b, (8, b.shape[0]))
    eye4 = jnp.eye(4, dtype=jnp.float32)
    kron4 = lambda w: jnp.kron(eye4, w)
    tile4 = lambda b: jnp.tile(b, 4)

    pa, pb = _tc_tables(x_node, W1e[0:32], W1e[32:64], bc8(b1e))

    xep = x_edge.reshape(n_edges // 4, 24)
    wk = (kron4(W1e[64:70]),
          kron4(W2e), bc8(tile4(b2e)),
          kron4(W1n[0:32]), kron4(W1n[32:38]), bc8(tile4(b1n)),
          kron4(W2n), bc8(tile4(b2n)))

    u1, xd = _sc_gather(x_node, pa, pb, src, dst, b_mask, 0, n_edges)
    em4, msg4 = _tc_mlp(
        u1.reshape(n_edges // 4, 128),
        xd.reshape(n_edges // 4, 128),
        xep, 0,
        *wk,
    )
    nm = _sc_scatter(msg4.reshape(n_edges, 32), dst, n_nodes, 0)
    return (nm, em4.reshape(n_edges, 6))

# --- scband reference (transcript-rebuilt; emitter-appended) ---
"""Pipeline reference for scband-mpn-28561532518942 (READ-ONLY COPY).

The authoritative reference and input builder live on the scoring server;
editing this copy changes nothing except your own understanding.
"""

import jax, jax.numpy as jnp
import numpy as np


def _mlp2(x, W1, b1, W2, b2):
    h = jnp.maximum(x @ W1 + b1, 0.0)
    return h @ W2 + b2


def setup_inputs(seed: int = 0) -> dict:
    key = jax.random.key(seed)
    ks = jax.random.split(key, 12)
    N, E = 100000, 1600000
    x_node = jax.random.normal(ks[0], (N, 32), dtype=jnp.float32)
    x_edge = jax.random.normal(ks[1], (E, 6), dtype=jnp.float32)
    edge_index = jax.random.randint(ks[2], (2, E), 0, N, dtype=jnp.int32)
    b_mask = jax.random.randint(ks[3], (E,), 0, 2, dtype=jnp.int32)
    # edge_msg_encoder: Linear(70,32) -> ReLU -> Linear(32,6)
    W1e = jax.random.normal(ks[4], (70, 32), dtype=jnp.float32) * 0.1
    b1e = jnp.zeros((32,), dtype=jnp.float32)
    W2e = jax.random.normal(ks[5], (32, 6), dtype=jnp.float32) * 0.1
    b2e = jnp.zeros((6,), dtype=jnp.float32)
    # node_msg_encoder: Linear(38,64) -> ReLU -> Linear(64,32)
    W1n = jax.random.normal(ks[6], (38, 64), dtype=jnp.float32) * 0.1
    b1n = jnp.zeros((64,), dtype=jnp.float32)
    W2n = jax.random.normal(ks[7], (64, 32), dtype=jnp.float32) * 0.1
    b2n = jnp.zeros((32,), dtype=jnp.float32)
    return {"x_node": x_node, "x_edge": x_edge, "edge_index": edge_index,
            "b_mask": b_mask, "W1e": W1e, "b1e": b1e, "W2e": W2e, "b2e": b2e,
            "W1n": W1n, "b1n": b1n, "W2n": W2n, "b2n": b2n}


def reference(x_node, x_edge, edge_index, b_mask,
              W1e, b1e, W2e, b2e, W1n, b1n, W2n, b2n):
    src = edge_index[0]
    dst = edge_index[1]
    xs = jnp.take(x_node, src, axis=0)  # src['x'] gather
    xd = jnp.take(x_node, dst, axis=0)  # dst['x'] gather
    # forward edges (b_mask==0): cat(src, dst, edata); backward edges: cat(dst, src, edata)
    is_fwd = (b_mask == 0)[:, None]
    first = jnp.where(is_fwd, xs, xd)
    second = jnp.where(is_fwd, xd, xs)
    e_in = jnp.concatenate([first, second, x_edge], axis=1)  # [E, 70]
    em = _mlp2(e_in, W1e, b1e, W2e, b2e)  # [E, 6]
    # per-edge node message uses dst['x'] cat edge message, reduced by sum into dst node
    n_in = jnp.concatenate([xd, em], axis=1)  # [E, 38]
    msg = _mlp2(n_in, W1n, b1n, W2n, b2n)  # [E, 32]
    nm = jax.ops.segment_sum(msg, dst, num_segments=x_node.shape[0])  # [N, 32]
    return (nm, em)

if __name__ == "__main__":
    import jax
    _d = setup_inputs()
    print(jax.jit(kernel)(*tuple(_d.values())))

</pallas_src>

<mosaic_0001>
#map = affine_map<(d0, d1) -> (0, 0)>
#map1 = affine_map<(d0, d1) -> (0)>
module attributes {stable_mosaic.version = 14 : i64} {
  func.func @gather_kernel(%arg0: i32, %arg1: i32, %arg2: memref<100000x32xf32, #tpu.memory_space<hbm>>, %arg3: memref<100000x32xf32, #tpu.memory_space<hbm>>, %arg4: memref<100000x32xf32, #tpu.memory_space<hbm>>, %arg5: memref<1600000xi32, #tpu.memory_space<hbm>>, %arg6: memref<1600000xi32, #tpu.memory_space<hbm>>, %arg7: memref<1600000xi32, #tpu.memory_space<hbm>>, %arg8: memref<1600000x32xf32, #tpu.memory_space<hbm>>, %arg9: memref<1600000x32xf32, #tpu.memory_space<hbm>>, %arg10: memref<2x80xi32, #tpu.memory_space<vmem>>, %arg11: memref<2x80xi32, #tpu.memory_space<vmem>>, %arg12: memref<2x80xi32, #tpu.memory_space<vmem>>, %arg13: memref<2x80x32xf32, #tpu.memory_space<vmem>>, %arg14: memref<2x80x32xf32, #tpu.memory_space<vmem>>, %arg15: memref<2x80x32xf32, #tpu.memory_space<vmem>>, %arg16: memref<!tpu.dma_semaphore, #tpu.memory_space<semaphore_mem>>, %arg17: memref<!tpu.dma_semaphore, #tpu.memory_space<semaphore_mem>>, %arg18: memref<!tpu.dma_semaphore, #tpu.memory_space<semaphore_mem>>, %arg19: memref<!tpu.dma_semaphore, #tpu.memory_space<semaphore_mem>>) attributes {dimension_semantics = [#tpu.dimension_semantics<core_parallel>, #tpu.dimension_semantics<subcore_parallel>], iteration_bounds = array<i64: 2, 16>, scalar_prefetch = 0 : i64, scratch_operands = 10 : i64, tpu.core_type = #tpu.core_type<sc_vector_subcore>, window_params = [{transform_indices = #map}, {transform_indices = #map}, {transform_indices = #map}, {transform_indices = #map1}, {transform_indices = #map1}, {transform_indices = #map1}, {transform_indices = #map}, {transform_indices = #map}]} {
    %mul3A = arith.constant 2 : i32
    %mul3A_0 = arith.muli %arg1, %mul3A : i32
    %add3A = arith.addi %mul3A_0, %arg0 : i32
    %mul3A_1 = arith.constant 50000 : i32
    %mul3A_2 = arith.muli %add3A, %mul3A_1 : i32
    %add3A_3 = arith.constant 0 : i32
    %add3A_4 = arith.addi %add3A_3, %mul3A_2 : i32
    %add3A_5 = arith.constant 0 : i32
    %add3A_6 = arith.addi %add3A_4, %add3A_5 : i32
    %dma_start3A = arith.constant 0 : i32
    %dma_start3A_7 = arith.constant 0 : i32
    %dma_start3A_8 = tpu.memref_slice %arg10[%dma_start3A, %dma_start3A_7] : memref<2x80xi32, #tpu.memory_space<vmem>> -> memref<1x80xi32, #tpu.memory_space<vmem>>
    %dma_start3A_9 = tpu.memref_squeeze %dma_start3A_8 : memref<1x80xi32, #tpu.memory_space<vmem>> -> memref<80xi32, #tpu.memory_space<vmem>>
    %dma_start3A_10 = tpu.memref_slice %arg5[%add3A_6] : memref<1600000xi32, #tpu.memory_space<hbm>> -> memref<80xi32, #tpu.memory_space<hbm>>
    %dma_start3A_11 = arith.constant 0 : i32
    %dma_start3A_12 = tpu.memref_slice %arg10[%dma_start3A, %dma_start3A_11] : memref<2x80xi32, #tpu.memory_space<vmem>> -> memref<1x80xi32, #tpu.memory_space<vmem>>
    %dma_start3A_13 = tpu.memref_squeeze %dma_start3A_12 : memref<1x80xi32, #tpu.memory_space<vmem>> -> memref<80xi32, #tpu.memory_space<vmem>>
    %dma_start3A_14 = tpu.memref_slice %arg5[%add3A_6] : memref<1600000xi32, #tpu.memory_space<hbm>> -> memref<80xi32, #tpu.memory_space<hbm>>
    tpu.enqueue_dma source(%dma_start3A_14 : memref<80xi32, #tpu.memory_space<hbm>>) target(%dma_start3A_13 : memref<80xi32, #tpu.memory_space<vmem>>) target_semaphore(%arg19 : memref<!tpu.dma_semaphore, #tpu.memory_space<semaphore_mem>>)
    %dma_start3A_15 = arith.constant 0 : i32
    %dma_start3A_16 = arith.constant 0 : i32
    %dma_start3A_17 = tpu.memref_slice %arg11[%dma_start3A_15, %dma_start3A_16] : memref<2x80xi32, #tpu.memory_space<vmem>> -> memref<1x80xi32, #tpu.memory_space<vmem>>
    %dma_start3A_18 = tpu.memref_squeeze %dma_start3A_17 : memref<1x80xi32, #tpu.memory_space<vmem>> -> memref<80xi32, #tpu.memory_space<vmem>>
    %dma_start3A_19 = tpu.memref_slice %arg6[%add3A_6] : memref<1600000xi32, #tpu.memory_space<hbm>> -> memref<80xi32, #tpu.memory_space<hbm>>
    %dma_start3A_20 = arith.constant 0 : i32
    %dma_start3A_21 = tpu.memref_slice %arg11[%dma_start3A_15, %dma_start3A_20] : memref<2x80xi32, #tpu.memory_space<vmem>> -> memref<1x80xi32, #tpu.memory_space<vmem>>
    %dma_start3A_22 = tpu.memref_squeeze %dma_start3A_21 : memref<1x80xi32, #tpu.memory_space<vmem>> -> memref<80xi32, #tpu.memory_space<vmem>>
    %dma_start3A_23 = tpu.memref_slice %arg6[%add3A_6] : memref<1600000xi32, #tpu.memory_space<hbm>> -> memref<80xi32, #tpu.memory_space<hbm>>
    tpu.enqueue_dma source(%dma_start3A_23 : memref<80xi32, #tpu.memory_space<hbm>>) target(%dma_start3A_22 : memref<80xi32, #tpu.memory_space<vmem>>) target_semaphore(%arg19 : memref<!tpu.dma_semaphore, #tpu.memory_space<semaphore_mem>>)
    %dma_start3A_24 = arith.constant 0 : i32
    %dma_start3A_25 = arith.constant 0 : i32
    %dma_start3A_26 = tpu.memref_slice %arg12[%dma_start3A_24, %dma_start3A_25] : memref<2x80xi32, #tpu.memory_space<vmem>> -> memref<1x80xi32, #tpu.memory_space<vmem>>
    %dma_start3A_27 = tpu.memref_squeeze %dma_start3A_26 : memref<1x80xi32, #tpu.memory_space<vmem>> -> memref<80xi32, #tpu.memory_space<vmem>>
    %dma_start3A_28 = tpu.memref_slice %arg7[%add3A_6] : memref<1600000xi32, #tpu.memory_space<hbm>> -> memref<80xi32, #tpu.memory_space<hbm>>
    %dma_start3A_29 = arith.constant 0 : i32
    %dma_start3A_30 = tpu.memref_slice %arg12[%dma_start3A_24, %dma_start3A_29] : memref<2x80xi32, #tpu.memory_space<vmem>> -> memref<1x80xi32, #tpu.memory_space<vmem>>
    %dma_start3A_31 = tpu.memref_squeeze %dma_start3A_30 : memref<1x80xi32, #tpu.memory_space<vmem>> -> memref<80xi32, #tpu.memory_space<vmem>>
    %dma_start3A_32 = tpu.memref_slice %arg7[%add3A_6] : memref<1600000xi32, #tpu.memory_space<hbm>> -> memref<80xi32, #tpu.memory_space<hbm>>
    tpu.enqueue_dma source(%dma_start3A_32 : memref<80xi32, #tpu.memory_space<hbm>>) target(%dma_start3A_31 : memref<80xi32, #tpu.memory_space<vmem>>) target_semaphore(%arg19 : memref<!tpu.dma_semaphore, #tpu.memory_space<semaphore_mem>>)
    %add3A_33 = arith.constant 0 : i32
    %add3A_34 = arith.addi %add3A_33, %mul3A_2 : i32
    %add3A_35 = arith.constant 80 : i32
    %add3A_36 = arith.addi %add3A_34, %add3A_35 : i32
    %dma_start3A_37 = arith.constant 1 : i32
    %dma_start3A_38 = arith.constant 0 : i32
    %dma_start3A_39 = tpu.memref_slice %arg10[%dma_start3A_37, %dma_start3A_38] : memref<2x80xi32, #tpu.memory_space<vmem>> -> memref<1x80xi32, #tpu.memory_space<vmem>>
    %dma_start3A_40 = tpu.memref_squeeze %dma_start3A_39 : memref<1x80xi32, #tpu.memory_space<vmem>> -> memref<80xi32, #tpu.memory_space<vmem>>
    %dma_start3A_41 = tpu.memref_slice %arg5[%add3A_36] : memref<1600000xi32, #tpu.memory_space<hbm>> -> memref<80xi32, #tpu.memory_space<hbm>>
    %dma_start3A_42 = arith.constant 0 : i32
    %dma_start3A_43 = tpu.memref_slice %arg10[%dma_start3A_37, %dma_start3A_42] : memref<2x80xi32, #tpu.memory_space<vmem>> -> memref<1x80xi32, #tpu.memory_space<vmem>>
    %dma_start3A_44 = tpu.memref_squeeze %dma_start3A_43 : memref<1x80xi32, #tpu.memory_space<vmem>> -> memref<80xi32, #tpu.memory_space<vmem>>
    %dma_start3A_45 = tpu.memref_slice %arg5[%add3A_36] : memref<1600000xi32, #tpu.memory_space<hbm>> -> memref<80xi32, #tpu.memory_space<hbm>>
    tpu.enqueue_dma source(%dma_start3A_45 : memref<80xi32, #tpu.memory_space<hbm>>) target(%dma_start3A_44 : memref<80xi32, #tpu.memory_space<vmem>>) target_semaphore(%arg19 : memref<!tpu.dma_semaphore, #tpu.memory_space<semaphore_mem>>)
    %dma_start3A_46 = arith.constant 1 : i32
    %dma_start3A_47 = arith.constant 0 : i32
    %dma_start3A_48 = tpu.memref_slice %arg11[%dma_start3A_46, %dma_start3A_47] : memref<2x80xi32, #tpu.memory_space<vmem>> -> memref<1x80xi32, #tpu.memory_space<vmem>>
    %dma_start3A_49 = tpu.memref_squeeze %dma_start3A_48 : memref<1x80xi32, #tpu.memory_space<vmem>> -> memref<80xi32, #tpu.memory_space<vmem>>
    %dma_start3A_50 = tpu.memref_slice %arg6[%add3A_36] : memref<1600000xi32, #tpu.memory_space<hbm>> -> memref<80xi32, #tpu.memory_space<hbm>>
    %dma_start3A_51 = arith.constant 0 : i32
    %dma_start3A_52 = tpu.memref_slice %arg11[%dma_start3A_46, %dma_start3A_51] : memref<2x80xi32, #tpu.memory_space<vmem>> -> memref<1x80xi32, #tpu.memory_space<vmem>>
    %dma_start3A_53 = tpu.memref_squeeze %dma_start3A_52 : memref<1x80xi32, #tpu.memory_space<vmem>> -> memref<80xi32, #tpu.memory_space<vmem>>
    %dma_start3A_54 = tpu.memref_slice %arg6[%add3A_36] : memref<1600000xi32, #tpu.memory_space<hbm>> -> memref<80xi32, #tpu.memory_space<hbm>>
    tpu.enqueue_dma source(%dma_start3A_54 : memref<80xi32, #tpu.memory_space<hbm>>) target(%dma_start3A_53 : memref<80xi32, #tpu.memory_space<vmem>>) target_semaphore(%arg19 : memref<!tpu.dma_semaphore, #tpu.memory_space<semaphore_mem>>)
    %dma_start3A_55 = arith.constant 1 : i32
    %dma_start3A_56 = arith.constant 0 : i32
    %dma_start3A_57 = tpu.memref_slice %arg12[%dma_start3A_55, %dma_start3A_56] : memref<2x80xi32, #tpu.memory_space<vmem>> -> memref<1x80xi32, #tpu.memory_space<vmem>>
    %dma_start3A_58 = tpu.memref_squeeze %dma_start3A_57 : memref<1x80xi32, #tpu.memory_space<vmem>> -> memref<80xi32, #tpu.memory_space<vmem>>
    %dma_start3A_59 = tpu.memref_slice %arg7[%add3A_36] : memref<1600000xi32, #tpu.memory_space<hbm>> -> memref<80xi32, #tpu.memory_space<hbm>>
    %dma_start3A_60 = arith.constant 0 : i32
    %dma_start3A_61 = tpu.memref_slice %arg12[%dma_start3A_55, %dma_start3A_60] : memref<2x80xi32, #tpu.memory_space<vmem>> -> memref<1x80xi32, #tpu.memory_space<vmem>>
    %dma_start3A_62 = tpu.memref_squeeze %dma_start3A_61 : memref<1x80xi32, #tpu.memory_space<vmem>> -> memref<80xi32, #tpu.memory_space<vmem>>
    %dma_start3A_63 = tpu.memref_slice %arg7[%add3A_36] : memref<1600000xi32, #tpu.memory_space<hbm>> -> memref<80xi32, #tpu.memory_space<hbm>>
    tpu.enqueue_dma source(%dma_start3A_63 : memref<80xi32, #tpu.memory_space<hbm>>) target(%dma_start3A_62 : memref<80xi32, #tpu.memory_space<vmem>>) target_semaphore(%arg19 : memref<!tpu.dma_semaphore, #tpu.memory_space<semaphore_mem>>)
    %add3A_64 = arith.constant 0 : i32
    %add3A_65 = arith.addi %add3A_64, %mul3A_2 : i32
    %add3A_66 = arith.constant 0 : i32
    %add3A_67 = arith.addi %add3A_65, %add3A_66 : i32
    %dma_wait3A = arith.constant 0 : i32
    %dma_wait3A_68 = arith.constant 0 : i32
    %dma_wait3A_69 = tpu.memref_slice %arg10[%dma_wait3A, %dma_wait3A_68] : memref<2x80xi32, #tpu.memory_space<vmem>> -> memref<1x80xi32, #tpu.memory_space<vmem>>
    %dma_wait3A_70 = tpu.memref_squeeze %dma_wait3A_69 : memref<1x80xi32, #tpu.memory_space<vmem>> -> memref<80xi32, #tpu.memory_space<vmem>>
    %dma_wait3A_71 = tpu.memref_slice %arg5[%add3A_67] : memref<1600000xi32, #tpu.memory_space<hbm>> -> memref<80xi32, #tpu.memory_space<hbm>>
    %dma_wait3A_72 = arith.constant 0 : i32
    %dma_wait3A_73 = tpu.memref_slice %arg10[%dma_wait3A, %dma_wait3A_72] : memref<2x80xi32, #tpu.memory_space<vmem>> -> memref<1x80xi32, #tpu.memory_space<vmem>>
    %dma_wait3A_74 = tpu.memref_squeeze %dma_wait3A_73 : memref<1x80xi32, #tpu.memory_space<vmem>> -> memref<80xi32, #tpu.memory_space<vmem>>
    %dma_wait3A_75 = tpu.memref_slice %arg5[%add3A_67] : memref<1600000xi32, #tpu.memory_space<hbm>> -> memref<80xi32, #tpu.memory_space<hbm>>
    tpu.wait_dma2 semaphore(%arg19 : memref<!tpu.dma_semaphore, #tpu.memory_space<semaphore_mem>>) src(%dma_wait3A_75 : memref<80xi32, #tpu.memory_space<hbm>>) dst(%dma_wait3A_74 : memref<80xi32, #tpu.memory_space<vmem>>)
    %dma_wait3A_76 = arith.constant 0 : i32
    %dma_wait3A_77 = arith.constant 0 : i32
    %dma_wait3A_78 = tpu.memref_slice %arg11[%dma_wait3A_76, %dma_wait3A_77] : memref<2x80xi32, #tpu.memory_space<vmem>> -> memref<1x80xi32, #tpu.memory_space<vmem>>
    %dma_wait3A_79 = tpu.memref_squeeze %dma_wait3A_78 : memref<1x80xi32, #tpu.memory_space<vmem>> -> memref<80xi32, #tpu.memory_space<vmem>>
    %dma_wait3A_80 = tpu.memref_slice %arg6[%add3A_67] : memref<1600000xi32, #tpu.memory_space<hbm>> -> memref<80xi32, #tpu.memory_space<hbm>>
    %dma_wait3A_81 = arith.constant 0 : i32
    %dma_wait3A_82 = tpu.memref_slice %arg11[%dma_wait3A_76, %dma_wait3A_81] : memref<2x80xi32, #tpu.memory_space<vmem>> -> memref<1x80xi32, #tpu.memory_space<vmem>>
    %dma_wait3A_83 = tpu.memref_squeeze %dma_wait3A_82 : memref<1x80xi32, #tpu.memory_space<vmem>> -> memref<80xi32, #tpu.memory_space<vmem>>
    %dma_wait3A_84 = tpu.memref_slice %arg6[%add3A_67] : memref<1600000xi32, #tpu.memory_space<hbm>> -> memref<80xi32, #tpu.memory_space<hbm>>
    tpu.wait_dma2 semaphore(%arg19 : memref<!tpu.dma_semaphore, #tpu.memory_space<semaphore_mem>>) src(%dma_wait3A_84 : memref<80xi32, #tpu.memory_space<hbm>>) dst(%dma_wait3A_83 : memref<80xi32, #tpu.memory_space<vmem>>)
    %dma_wait3A_85 = arith.constant 0 : i32
    %dma_wait3A_86 = arith.constant 0 : i32
    %dma_wait3A_87 = tpu.memref_slice %arg12[%dma_wait3A_85, %dma_wait3A_86] : memref<2x80xi32, #tpu.memory_space<vmem>> -> memref<1x80xi32, #tpu.memory_space<vmem>>
    %dma_wait3A_88 = tpu.memref_squeeze %dma_wait3A_87 : memref<1x80xi32, #tpu.memory_space<vmem>> -> memref<80xi32, #tpu.memory_space<vmem>>
    %dma_wait3A_89 = tpu.memref_slice %arg7[%add3A_67] : memref<1600000xi32, #tpu.memory_space<hbm>> -> memref<80xi32, #tpu.memory_space<hbm>>
    %dma_wait3A_90 = arith.constant 0 : i32
    %dma_wait3A_91 = tpu.memref_slice %arg12[%dma_wait3A_85, %dma_wait3A_90] : memref<2x80xi32, #tpu.memory_space<vmem>> -> memref<1x80xi32, #tpu.memory_space<vmem>>
    %dma_wait3A_92 = tpu.memref_squeeze %dma_wait3A_91 : memref<1x80xi32, #tpu.memory_space<vmem>> -> memref<80xi32, #tpu.memory_space<vmem>>
    %dma_wait3A_93 = tpu.memref_slice %arg7[%add3A_67] : memref<1600000xi32, #tpu.memory_space<hbm>> -> memref<80xi32, #tpu.memory_space<hbm>>
    tpu.wait_dma2 semaphore(%arg19 : memref<!tpu.dma_semaphore, #tpu.memory_space<semaphore_mem>>) src(%dma_wait3A_93 : memref<80xi32, #tpu.memory_space<hbm>>) dst(%dma_wait3A_92 : memref<80xi32, #tpu.memory_space<vmem>>)
    %get3A = arith.constant 0 : i32
    %get3A_94 = arith.index_cast %get3A : i32 to index
    %get3A_95 = arith.constant 0 : index
    %get3A_96 = tpu.vector_load %arg10[%get3A_94, %get3A_95] {strides = array<i32>} : memref<2x80xi32, #tpu.memory_space<vmem>>, vector<1x16xi32>,
    %get3A_97 = vector.shape_cast %get3A_96 : vector<1x16xi32> to vector<16xi32>
    %get3A_98 = arith.constant 0 : i32
    %get3A_99 = arith.index_cast %get3A_98 : i32 to index
    %get3A_100 = arith.constant 0 : index
    %get3A_101 = tpu.vector_load %arg11[%get3A_99, %get3A_100] {strides = array<i32>} : memref<2x80xi32, #tpu.memory_space<vmem>>, vector<1x16xi32>,
    %get3A_102 = vector.shape_cast %get3A_101 : vector<1x16xi32> to vector<16xi32>
    %get3A_103 = arith.constant 0 : i32
    %get3A_104 = arith.index_cast %get3A_103 : i32 to index
    %get3A_105 = arith.constant 0 : index
    %get3A_106 = tpu.vector_load %arg12[%get3A_104, %get3A_105] {strides = array<i32>} : memref<2x80xi32, #tpu.memory_space<vmem>>, vector<1x16xi32>,
    %get3A_107 = vector.shape_cast %get3A_106 : vector<1x16xi32> to vector<16xi32>
    %eq3A = arith.constant 0 : i32
    %eq3A_108 = vector.broadcast %eq3A : i32 to vector<16xi32>
    %eq3A_109 = arith.cmpi eq, %get3A_107, %eq3A_108 : vector<16xi32>
    %select_n3A = arith.select %eq3A_109, %get3A_97, %get3A_102 : vector<16xi1>, vector<16xi32>
    %swap3A = arith.constant 0 : i32
    %swap3A_110 = arith.index_cast %swap3A : i32 to index
    %swap3A_111 = arith.constant 0 : index
    %swap3A_112 = tpu.vector_load %arg10[%swap3A_110, %swap3A_111] {strides = array<i32>} : memref<2x80xi32, #tpu.memory_space<vmem>>, vector<1x16xi32>,
    %swap3A_113 = vector.shape_cast %swap3A_112 : vector<1x16xi32> to vector<16xi32>
    %swap3A_114 = vector.shape_cast %select_n3A : vector<16xi32> to vector<1x16xi32>
    tpu.vector_store %arg10[%swap3A_110, %swap3A_111], %swap3A_114 {strides = array<i32>} : memref<2x80xi32, #tpu.memory_space<vmem>>, vector<1x16xi32>,
    %select_n3A_115 = arith.select %eq3A_109, %get3A_102, %get3A_97 : vector<16xi1>, vector<16xi32>
    %swap3A_116 = arith.constant 0 : i32
    %swap3A_117 = arith.index_cast %swap3A_116 : i32 to index
    %swap3A_118 = arith.constant 0 : index
    %swap3A_119 = tpu.vector_load %arg12[%swap3A_117, %swap3A_118] {strides = array<i32>} : memref<2x80xi32, #tpu.memory_space<vmem>>, vector<1x16xi32>,
    %swap3A_120 = vector.shape_cast %swap3A_119 : vector<1x16xi32> to vector<16xi32>
    %swap3A_121 = vector.shape_cast %select_n3A_115 : vector<16xi32> to vector<1x16xi32>
    tpu.vector_store %arg12[%swap3A_117, %swap3A_118], %swap3A_121 {strides = array<i32>} : memref<2x80xi32, #tpu.memory_space<vmem>>, vector<1x16xi32>,
    %get3A_122 = arith.constant 0 : i32
    %get3A_123 = arith.index_cast %get3A_122 : i32 to index
    %get3A_124 = arith.constant 16 : index
    %get3A_125 = tpu.vector_load %arg10[%get3A_123, %get3A_124] {strides = array<i32>} : memref<2x80xi32, #tpu.memory_space<vmem>>, vector<1x16xi32>,
    %get3A_126 = vector.shape_cast %get3A_125 : vector<1x16xi32> to vector<16xi32>
    %get3A_127 = arith.constant 0 : i32
    %get3A_128 = arith.index_cast %get3A_127 : i32 to index
    %get3A_129 = arith.constant 16 : index
    %get3A_130 = tpu.vector_load %arg11[%get3A_128, %get3A_129] {strides = array<i32>} : memref<2x80xi32, #tpu.memory_space<vmem>>, vector<1x16xi32>,
    %get3A_131 = vector.shape_cast %get3A_130 : vector<1x16xi32> to vector<16xi32>
    %get3A_132 = arith.constant 0 : i32
    %get3A_133 = arith.index_cast %get3A_132 : i32 to index
    %get3A_134 = arith.constant 16 : index
    %get3A_135 = tpu.vector_load %arg12[%get3A_133, %get3A_134] {strides = array<i32>} : memref<2x80xi32, #tpu.memory_space<vmem>>, vector<1x16xi32>,
    %get3A_136 = vector.shape_cast %get3A_135 : vector<1x16xi32> to vector<16xi32>
    %eq3A_137 = arith.constant 0 : i32
    %eq3A_138 = vector.broadcast %eq3A_137 : i32 to vector<16xi32>
    %eq3A_139 = arith.cmpi eq, %get3A_136, %eq3A_138 : vector<16xi32>
    %select_n3A_140 = arith.select %eq3A_139, %get3A_126, %get3A_131 : vector<16xi1>, vector<16xi32>
    %swap3A_141 = arith.constant 0 : i32
    %swap3A_142 = arith.index_cast %swap3A_141 : i32 to index
    %swap3A_143 = arith.constant 16 : index
    %swap3A_144 = tpu.vector_load %arg10[%swap3A_142, %swap3A_143] {strides = array<i32>} : memref<2x80xi32, #tpu.memory_space<vmem>>, vector<1x16xi32>,
    %swap3A_145 = vector.shape_cast %swap3A_144 : vector<1x16xi32> to vector<16xi32>
    %swap3A_146 = vector.shape_cast %select_n3A_140 : vector<16xi32> to vector<1x16xi32>
    tpu.vector_store %arg10[%swap3A_142, %swap3A_143], %swap3A_146 {strides = array<i32>} : memref<2x80xi32, #tpu.memory_space<vmem>>, vector<1x16xi32>,
    %select_n3A_147 = arith.select %eq3A_139, %get3A_131, %get3A_126 : vector<16xi1>, vector<16xi32>
    %swap3A_148 = arith.constant 0 : i32
    %swap3A_149 = arith.index_cast %swap3A_148 : i32 to index
    %swap3A_150 = arith.constant 16 : index
    %swap3A_151 = tpu.vector_load %arg12[%swap3A_149, %swap3A_150] {strides = array<i32>} : memref<2x80xi32, #tpu.memory_space<vmem>>, vector<1x16xi32>,
    %swap3A_152 = vector.shape_cast %swap3A_151 : vector<1x16xi32> to vector<16xi32>
    %swap3A_153 = vector.shape_cast %select_n3A_147 : vector<16xi32> to vector<1x16xi32>
    tpu.vector_store %arg12[%swap3A_149, %swap3A_150], %swap3A_153 {strides = array<i32>} : memref<2x80xi32, #tpu.memory_space<vmem>>, vector<1x16xi32>,
    %get3A_154 = arith.constant 0 : i32
    %get3A_155 = arith.index_cast %get3A_154 : i32 to index
    %get3A_156 = arith.constant 32 : index
    %get3A_157 = tpu.vector_load %arg10[%get3A_155, %get3A_156] {strides = array<i32>} : memref<2x80xi32, #tpu.memory_space<vmem>>, vector<1x16xi32>,
    %get3A_158 = vector.shape_cast %get3A_157 : vector<1x16xi32> to vector<16xi32>
    %get3A_159 = arith.constant 0 : i32
    %get3A_160 = arith.index_cast %get3A_159 : i32 to index
    %get3A_161 = arith.constant 32 : index
    %get3A_162 = tpu.vector_load %arg11[%get3A_160, %get3A_161] {strides = array<i32>} : memref<2x80xi32, #tpu.memory_space<vmem>>, vector<1x16xi32>,
    %get3A_163 = vector.shape_cast %get3A_162 : vector<1x16xi32> to vector<16xi32>
    %get3A_164 = arith.constant 0 : i32
    %get3A_165 = arith.index_cast %get3A_164 : i32 to index
    %get3A_166 = arith.constant 32 : index
    %get3A_167 = tpu.vector_load %arg12[%get3A_165, %get3A_166] {strides = array<i32>} : memref<2x80xi32, #tpu.memory_space<vmem>>, vector<1x16xi32>,
    %get3A_168 = vector.shape_cast %get3A_167 : vector<1x16xi32> to vector<16xi32>
    %eq3A_169 = arith.constant 0 : i32
    %eq3A_170 = vector.broadcast %eq3A_169 : i32 to vector<16xi32>
    %eq3A_171 = arith.cmpi eq, %get3A_168, %eq3A_170 : vector<16xi32>
    %select_n3A_172 = arith.select %eq3A_171, %get3A_158, %get3A_163 : vector<16xi1>, vector<16xi32>
    %swap3A_173 = arith.constant 0 : i32
    %swap3A_174 = arith.index_cast %swap3A_173 : i32 to index
    %swap3A_175 = arith.constant 32 : index
    %swap3A_176 = tpu.vector_load %arg10[%swap3A_174, %swap3A_175] {strides = array<i32>} : memref<2x80xi32, #tpu.memory_space<vmem>>, vector<1x16xi32>,
    %swap3A_177 = vector.shape_cast %swap3A_176 : vector<1x16xi32> to vector<16xi32>
    %swap3A_178 = vector.shape_cast %select_n3A_172 : vector<16xi32> to vector<1x16xi32>
    tpu.vector_store %arg10[%swap3A_174, %swap3A_175], %swap3A_178 {strides = array<i32>} : memref<2x80xi32, #tpu.memory_space<vmem>>, vector<1x16xi32>,
    %select_n3A_179 = arith.select %eq3A_171, %get3A_163, %get3A_158 : vector<16xi1>, vector<16xi32>
    %swap3A_180 = arith.constant 0 : i32
    %swap3A_181 = arith.index_cast %swap3A_180 : i32 to index
    %swap3A_182 = arith.constant 32 : index
    %swap3A_183 = tpu.vector_load %arg12[%swap3A_181, %swap3A_182] {strides = array<i32>} : memref<2x80xi32, #tpu.memory_space<vmem>>, vector<1x16xi32>,
    %swap3A_184 = vector.shape_cast %swap3A_183 : vector<1x16xi32> to vector<16xi32>
    %swap3A_185 = vector.shape_cast %select_n3A_179 : vector<16xi32> to vector<1x16xi32>
    tpu.vector_store %arg12[%swap3A_181, %swap3A_182], %swap3A_185 {strides = array<i32>} : memref<2x80xi32, #tpu.memory_space<vmem>>, vector<1x16xi32>,
    %get3A_186 = arith.constant 0 : i32
    %get3A_187 = arith.index_cast %get3A_186 : i32 to index
    %get3A_188 = arith.constant 48 : index
    %get3A_189 = tpu.vector_load %arg10[%get3A_187, %get3A_188] {strides = array<i32>} : memref<2x80xi32, #tpu.memory_space<vmem>>, vector<1x16xi32>,
    %get3A_190 = vector.shape_cast %get3A_189 : vector<1x16xi32> to vector<16xi32>
    %get3A_191 = arith.constant 0 : i32
    %get3A_192 = arith.index_cast %get3A_191 : i32 to index
    %get3A_193 = arith.constant 48 : index
    %get3A_194 = tpu.vector_load %arg11[%get3A_192, %get3A_193] {strides = array<i32>} : memref<2x80xi32, #tpu.memory_space<vmem>>, vector<1x16xi32>,
    %get3A_195 = vector.shape_cast %get3A_194 : vector<1x16xi32> to vector<16xi32>
    %get3A_196 = arith.constant 0 : i32
    %get3A_197 = arith.index_cast %get3A_196 : i32 to index
    %get3A_198 = arith.constant 48 : index
    %get3A_199 = tpu.vector_load %arg12[%get3A_197, %get3A_198] {strides = array<i32>} : memref<2x80xi32, #tpu.memory_space<vmem>>, vector<1x16xi32>,
    %get3A_200 = vector.shape_cast %get3A_199 : vector<1x16xi32> to vector<16xi32>
    %eq3A_201 = arith.constant 0 : i32
    %eq3A_202 = vector.broadcast %eq3A_201 : i32 to vector<16xi32>
    %eq3A_203 = arith.cmpi eq, %get3A_200, %eq3A_202 : vector<16xi32>
    %select_n3A_204 = arith.select %eq3A_203, %get3A_190, %get3A_195 : vector<16xi1>, vector<16xi32>
    %swap3A_205 = arith.constant 0 : i32
    %swap3A_206 = arith.index_cast %swap3A_205 : i32 to index
    %swap3A_207 = arith.constant 48 : index
    %swap3A_208 = tpu.vector_load %arg10[%swap3A_206, %swap3A_207] {strides = array<i32>} : memref<2x80xi32, #tpu.memory_space<vmem>>, vector<1x16xi32>,
    %swap3A_209 = vector.shape_cast %swap3A_208 : vector<1x16xi32> to vector<16xi32>
    %swap3A_210 = vector.shape_cast %select_n3A_204 : vector<16xi32> to vector<1x16xi32>
    tpu.vector_store %arg10[%swap3A_206, %swap3A_207], %swap3A_210 {strides = array<i32>} : memref<2x80xi32, #tpu.memory_space<vmem>>, vector<1x16xi32>,
    %select_n3A_211 = arith.select %eq3A_203, %get3A_195, %get3A_190 : vector<16xi1>, vector<16xi32>
    %swap3A_212 = arith.constant 0 : i32
    %swap3A_213 = arith.index_cast %swap3A_212 : i32 to index
    %swap3A_214 = arith.constant 48 : index
    %swap3A_215 = tpu.vector_load %arg12[%swap3A_213, %swap3A_214] {strides = array<i32>} : memref<2x80xi32, #tpu.memory_space<vmem>>, vector<1x16xi32>,
    %swap3A_216 = vector.shape_cast %swap3A_215 : vector<1x16xi32> to vector<16xi32>
    %swap3A_217 = vector.shape_cast %select_n3A_211 : vector<16xi32> to vector<1x16xi32>
    tpu.vector_store %arg12[%swap3A_213, %swap3A_214], %swap3A_217 {strides = array<i32>} : memref<2x80xi32, #tpu.memory_space<vmem>>, vector<1x16xi32>,
    %get3A_218 = arith.constant 0 : i32
    %get3A_219 = arith.index_cast %get3A_218 : i32 to index
    %get3A_220 = arith.constant 64 : index
    %get3A_221 = tpu.vector_load %arg10[%get3A_219, %get3A_220] {strides = array<i32>} : memref<2x80xi32, #tpu.memory_space<vmem>>, vector<1x16xi32>,
    %get3A_222 = vector.shape_cast %get3A_221 : vector<1x16xi32> to vector<16xi32>
    %get3A_223 = arith.constant 0 : i32
    %get3A_224 = arith.index_cast %get3A_223 : i32 to index
    %get3A_225 = arith.constant 64 : index
    %get3A_226 = tpu.vector_load %arg11[%get3A_224, %get3A_225] {strides = array<i32>} : memref<2x80xi32, #tpu.memory_space<vmem>>, vector<1x16xi32>,
    %get3A_227 = vector.shape_cast %get3A_226 : vector<1x16xi32> to vector<16xi32>
    %get3A_228 = arith.constant 0 : i32
    %get3A_229 = arith.index_cast %get3A_228 : i32 to index
    %get3A_230 = arith.constant 64 : index
    %get3A_231 = tpu.vector_load %arg12[%get3A_229, %get3A_230] {strides = array<i32>} : memref<2x80xi32, #tpu.memory_space<vmem>>, vector<1x16xi32>,
    %get3A_232 = vector.shape_cast %get3A_231 : vector<1x16xi32> to vector<16xi32>
    %eq3A_233 = arith.constant 0 : i32
    %eq3A_234 = vector.broadcast %eq3A_233 : i32 to vector<16xi32>
    %eq3A_235 = arith.cmpi eq, %get3A_232, %eq3A_234 : vector<16xi32>
    %select_n3A_236 = arith.select %eq3A_235, %get3A_222, %get3A_227 : vector<16xi1>, vector<16xi32>
    %swap3A_237 = arith.constant 0 : i32
    %swap3A_238 = arith.index_cast %swap3A_237 : i32 to index
    %swap3A_239 = arith.constant 64 : index
    %swap3A_240 = tpu.vector_load %arg10[%swap3A_238, %swap3A_239] {strides = array<i32>} : memref<2x80xi32, #tpu.memory_space<vmem>>, vector<1x16xi32>,
    %swap3A_241 = vector.shape_cast %swap3A_240 : vector<1x16xi32> to vector<16xi32>
    %swap3A_242 = vector.shape_cast %select_n3A_236 : vector<16xi32> to vector<1x16xi32>
    tpu.vector_store %arg10[%swap3A_238, %swap3A_239], %swap3A_242 {strides = array<i32>} : memref<2x80xi32, #tpu.memory_space<vmem>>, vector<1x16xi32>,
    %select_n3A_243 = arith.select %eq3A_235, %get3A_227, %get3A_222 : vector<16xi1>, vector<16xi32>
    %swap3A_244 = arith.constant 0 : i32
    %swap3A_245 = arith.index_cast %swap3A_244 : i32 to index
    %swap3A_246 = arith.constant 64 : index
    %swap3A_247 = tpu.vector_load %arg12[%swap3A_245, %swap3A_246] {strides = array<i32>} : memref<2x80xi32, #tpu.memory_space<vmem>>, vector<1x16xi32>,
    %swap3A_248 = vector.shape_cast %swap3A_247 : vector<1x16xi32> to vector<16xi32>
    %swap3A_249 = vector.shape_cast %select_n3A_243 : vector<16xi32> to vector<1x16xi32>
    tpu.vector_store %arg12[%swap3A_245, %swap3A_246], %swap3A_249 {strides = array<i32>} : memref<2x80xi32, #tpu.memory_space<vmem>>, vector<1x16xi32>,
    %dma_start3A_250 = arith.constant 0 : i32
    %dma_start3A_251 = arith.constant 0 : i32
    %dma_start3A_252 = arith.constant 0 : i32
    %dma_start3A_253 = arith.constant 0 : i32
    %dma_start3A_254 = tpu.memref_slice %arg13[%dma_start3A_251, %dma_start3A_252, %dma_start3A_253] : memref<2x80x32xf32, #tpu.memory_space<vmem>> -> memref<1x80x32xf32, #tpu.memory_space<vmem>>
    %dma_start3A_255 = tpu.memref_squeeze %dma_start3A_254 : memref<1x80x32xf32, #tpu.memory_space<vmem>> -> memref<80x32xf32, #tpu.memory_space<vmem>>
    %dma_start3A_256 = arith.constant 0 : i32
    %dma_start3A_257 = tpu.memref_slice %arg10[%dma_start3A_250, %dma_start3A_256] : memref<2x80xi32, #tpu.memory_space<vmem>> -> memref<1x80xi32, #tpu.memory_space<vmem>>
    %dma_start3A_258 = tpu.memref_squeeze %dma_start3A_257 : memref<1x80xi32, #tpu.memory_space<vmem>> -> memref<80xi32, #tpu.memory_space<vmem>>
    %dma_start3A_259 = arith.constant 0 : i32
    %dma_start3A_260 = arith.constant 0 : i32
    %dma_start3A_261 = tpu.memref_slice %arg3[%dma_start3A_259, %dma_start3A_260] : memref<100000x32xf32, #tpu.memory_space<hbm>> -> memref<100000x32xf32, #tpu.memory_space<hbm>>
    tpu.enqueue_indirect_dma source(%dma_start3A_261 : memref<100000x32xf32, #tpu.memory_space<hbm>>) target(%dma_start3A_255 : memref<80x32xf32, #tpu.memory_space<vmem>>) offsets(%dma_start3A_258 : memref<80xi32, #tpu.memory_space<vmem>>) semaphore(%arg16 : memref<!tpu.dma_semaphore, #tpu.memory_space<semaphore_mem>>)
    %dma_start3A_262 = arith.constant 0 : i32
    %dma_start3A_263 = arith.constant 0 : i32
    %dma_start3A_264 = arith.constant 0 : i32
    %dma_start3A_265 = arith.constant 0 : i32
    %dma_start3A_266 = tpu.memref_slice %arg14[%dma_start3A_263, %dma_start3A_264, %dma_start3A_265] : memref<2x80x32xf32, #tpu.memory_space<vmem>> -> memref<1x80x32xf32, #tpu.memory_space<vmem>>
    %dma_start3A_267 = tpu.memref_squeeze %dma_start3A_266 : memref<1x80x32xf32, #tpu.memory_space<vmem>> -> memref<80x32xf32, #tpu.memory_space<vmem>>
    %dma_start3A_268 = arith.constant 0 : i32
    %dma_start3A_269 = tpu.memref_slice %arg12[%dma_start3A_262, %dma_start3A_268] : memref<2x80xi32, #tpu.memory_space<vmem>> -> memref<1x80xi32, #tpu.memory_space<vmem>>
    %dma_start3A_270 = tpu.memref_squeeze %dma_start3A_269 : memref<1x80xi32, #tpu.memory_space<vmem>> -> memref<80xi32, #tpu.memory_space<vmem>>
    %dma_start3A_271 = arith.constant 0 : i32
    %dma_start3A_272 = arith.constant 0 : i32
    %dma_start3A_273 = tpu.memref_slice %arg4[%dma_start3A_271, %dma_start3A_272] : memref<100000x32xf32, #tpu.memory_space<hbm>> -> memref<100000x32xf32, #tpu.memory_space<hbm>>
    tpu.enqueue_indirect_dma source(%dma_start3A_273 : memref<100000x32xf32, #tpu.memory_space<hbm>>) target(%dma_start3A_267 : memref<80x32xf32, #tpu.memory_space<vmem>>) offsets(%dma_start3A_270 : memref<80xi32, #tpu.memory_space<vmem>>) semaphore(%arg16 : memref<!tpu.dma_semaphore, #tpu.memory_space<semaphore_mem>>)
    %dma_start3A_274 = arith.constant 0 : i32
    %dma_start3A_275 = arith.constant 0 : i32
    %dma_start3A_276 = arith.constant 0 : i32
    %dma_start3A_277 = arith.constant 0 : i32
    %dma_start3A_278 = tpu.memref_slice %arg15[%dma_start3A_275, %dma_start3A_276, %dma_start3A_277] : memref<2x80x32xf32, #tpu.memory_space<vmem>> -> memref<1x80x32xf32, #tpu.memory_space<vmem>>
    %dma_start3A_279 = tpu.memref_squeeze %dma_start3A_278 : memref<1x80x32xf32, #tpu.memory_space<vmem>> -> memref<80x32xf32, #tpu.memory_space<vmem>>
    %dma_start3A_280 = arith.constant 0 : i32
    %dma_start3A_281 = tpu.memref_slice %arg11[%dma_start3A_274, %dma_start3A_280] : memref<2x80xi32, #tpu.memory_space<vmem>> -> memref<1x80xi32, #tpu.memory_space<vmem>>
    %dma_start3A_282 = tpu.memref_squeeze %dma_start3A_281 : memref<1x80xi32, #tpu.memory_space<vmem>> -> memref<80xi32, #tpu.memory_space<vmem>>
    %dma_start3A_283 = arith.constant 0 : i32
    %dma_start3A_284 = arith.constant 0 : i32
    %dma_start3A_285 = tpu.memref_slice %arg2[%dma_start3A_283, %dma_start3A_284] : memref<100000x32xf32, #tpu.memory_space<hbm>> -> memref<100000x32xf32, #tpu.memory_space<hbm>>
    tpu.enqueue_indirect_dma source(%dma_start3A_285 : memref<100000x32xf32, #tpu.memory_space<hbm>>) target(%dma_start3A_279 : memref<80x32xf32, #tpu.memory_space<vmem>>) offsets(%dma_start3A_282 : memref<80xi32, #tpu.memory_space<vmem>>) semaphore(%arg17 : memref<!tpu.dma_semaphore, #tpu.memory_space<semaphore_mem>>)
    %scan3A = arith.constant 0 : i32
    %scan3A_286 = arith.constant 0 : i32
    %scan3A_287 = arith.constant 625 : i32
    %scan3A_288 = arith.addi %scan3A_286, %scan3A_287 : i32
    %scan3A_289 = arith.constant 1 : i32
    scf.for %scan3A_319 = %scan3A_286 to %scan3A_288 step %scan3A_289  : i32 {
      %rem3A = arith.constant 2 : i32
      %rem3A_320 = arith.remsi %scan3A_319, %rem3A : i32
      %add3A_321 = arith.constant 1 : i32
      %add3A_322 = arith.addi %scan3A_319, %add3A_321 : i32
      %rem3A_323 = arith.constant 2 : i32
      %rem3A_324 = arith.remsi %add3A_322, %rem3A_323 : i32
      %dma_wait3A_325 = arith.constant 0 : i32
      %dma_wait3A_326 = arith.constant 0 : i32
      %dma_wait3A_327 = tpu.memref_slice %arg13[%rem3A_320, %dma_wait3A_325, %dma_wait3A_326] : memref<2x80x32xf32, #tpu.memory_space<vmem>> -> memref<1x80x32xf32, #tpu.memory_space<vmem>>
      %dma_wait3A_328 = tpu.memref_squeeze %dma_wait3A_327 : memref<1x80x32xf32, #tpu.memory_space<vmem>> -> memref<80x32xf32, #tpu.memory_space<vmem>>
      %dma_wait3A_329 = arith.constant 0 : i32
      %dma_wait3A_330 = tpu.memref_slice %arg10[%rem3A_320, %dma_wait3A_329] : memref<2x80xi32, #tpu.memory_space<vmem>> -> memref<1x80xi32, #tpu.memory_space<vmem>>
      %dma_wait3A_331 = tpu.memref_squeeze %dma_wait3A_330 : memref<1x80xi32, #tpu.memory_space<vmem>> -> memref<80xi32, #tpu.memory_space<vmem>>
      %dma_wait3A_332 = arith.constant 0 : i32
      %dma_wait3A_333 = arith.constant 0 : i32
      %dma_wait3A_334 = tpu.memref_slice %arg3[%dma_wait3A_332, %dma_wait3A_333] : memref<100000x32xf32, #tpu.memory_space<hbm>> -> memref<100000x32xf32, #tpu.memory_space<hbm>>
      tpu.wait_indirect_dma semaphore(%arg16 : memref<!tpu.dma_semaphore, #tpu.memory_space<semaphore_mem>>) src(%dma_wait3A_334 : memref<100000x32xf32, #tpu.memory_space<hbm>>) dst(%dma_wait3A_328 : memref<80x32xf32, #tpu.memory_space<vmem>>)
      %dma_wait3A_335 = arith.constant 0 : i32
      %dma_wait3A_336 = arith.constant 0 : i32
      %dma_wait3A_337 = tpu.memref_slice %arg14[%rem3A_320, %dma_wait3A_335, %dma_wait3A_336] : memref<2x80x32xf32, #tpu.memory_space<vmem>> -> memref<1x80x32xf32, #tpu.memory_space<vmem>>
      %dma_wait3A_338 = tpu.memref_squeeze %dma_wait3A_337 : memref<1x80x32xf32, #tpu.memory_space<vmem>> -> memref<80x32xf32, #tpu.memory_space<vmem>>
      %dma_wait3A_339 = arith.constant 0 : i32
      %dma_wait3A_340 = tpu.memref_slice %arg12[%rem3A_320, %dma_wait3A_339] : memref<2x80xi32, #tpu.memory_space<vmem>> -> memref<1x80xi32, #tpu.memory_space<vmem>>
      %dma_wait3A_341 = tpu.memref_squeeze %dma_wait3A_340 : memref<1x80xi32, #tpu.memory_space<vmem>> -> memref<80xi32, #tpu.memory_space<vmem>>
      %dma_wait3A_342 = arith.constant 0 : i32
      %dma_wait3A_343 = arith.constant 0 : i32
      %dma_wait3A_344 = tpu.memref_slice %arg4[%dma_wait3A_342, %dma_wait3A_343] : memref<100000x32xf32, #tpu.memory_space<hbm>> -> memref<100000x32xf32, #tpu.memory_space<hbm>>
      tpu.wait_indirect_dma semaphore(%arg16 : memref<!tpu.dma_semaphore, #tpu.memory_space<semaphore_mem>>) src(%dma_wait3A_344 : memref<100000x32xf32, #tpu.memory_space<hbm>>) dst(%dma_wait3A_338 : memref<80x32xf32, #tpu.memory_space<vmem>>)
      %dma_wait3A_345 = arith.constant 0 : i32
      %dma_wait3A_346 = arith.constant 0 : i32
      %dma_wait3A_347 = tpu.memref_slice %arg15[%rem3A_320, %dma_wait3A_345, %dma_wait3A_346] : memref<2x80x32xf32, #tpu.memory_space<vmem>> -> memref<1x80x32xf32, #tpu.memory_space<vmem>>
      %dma_wait3A_348 = tpu.memref_squeeze %dma_wait3A_347 : memref<1x80x32xf32, #tpu.memory_space<vmem>> -> memref<80x32xf32, #tpu.memory_space<vmem>>
      %dma_wait3A_349 = arith.constant 0 : i32
      %dma_wait3A_350 = tpu.memref_slice %arg11[%rem3A_320, %dma_wait3A_349] : memref<2x80xi32, #tpu.memory_space<vmem>> -> memref<1x80xi32, #tpu.memory_space<vmem>>
      %dma_wait3A_351 = tpu.memref_squeeze %dma_wait3A_350 : memref<1x80xi32, #tpu.memory_space<vmem>> -> memref<80xi32, #tpu.memory_space<vmem>>
      %dma_wait3A_352 = arith.constant 0 : i32
      %dma_wait3A_353 = arith.constant 0 : i32
      %dma_wait3A_354 = tpu.memref_slice %arg2[%dma_wait3A_352, %dma_wait3A_353] : memref<100000x32xf32, #tpu.memory_space<hbm>> -> memref<100000x32xf32, #tpu.memory_space<hbm>>
      tpu.wait_indirect_dma semaphore(%arg17 : memref<!tpu.dma_semaphore, #tpu.memory_space<semaphore_mem>>) src(%dma_wait3A_354 : memref<100000x32xf32, #tpu.memory_space<hbm>>) dst(%dma_wait3A_348 : memref<80x32xf32, #tpu.memory_space<vmem>>)
      %ge3A = arith.constant 1 : i32
      %ge3A_355 = arith.cmpi sge, %scan3A_319, %ge3A : i32
      %convert_element_type3A = arith.extui %ge3A_355 : i1 to i32
      %cond3A = arith.constant 0 : i32
      %cond3A_356 = arith.cmpi ne, %convert_element_type3A, %cond3A : i32
      scf.if %cond3A_356 {
        %sub3A = arith.constant 1 : i32
        %sub3A_403 = arith.subi %scan3A_319, %sub3A : i32
        %mul3A_404 = arith.constant 80 : i32
        %mul3A_405 = arith.muli %sub3A_403, %mul3A_404 : i32
        %add3A_406 = arith.addi %mul3A_2, %mul3A_405 : i32
        %dma_wait3A_407 = arith.constant 0 : i32
        %dma_wait3A_408 = arith.constant 0 : i32
        %dma_wait3A_409 = tpu.memref_slice %arg13[%rem3A_324, %dma_wait3A_407, %dma_wait3A_408] : memref<2x80x32xf32, #tpu.memory_space<vmem>> -> memref<1x80x32xf32, #tpu.memory_space<vmem>>
        %dma_wait3A_410 = tpu.memref_squeeze %dma_wait3A_409 : memref<1x80x32xf32, #tpu.memory_space<vmem>> -> memref<80x32xf32, #tpu.memory_space<vmem>>
        %dma_wait3A_411 = arith.constant 0 : i32
        %dma_wait3A_412 = tpu.memref_slice %arg8[%add3A_406, %dma_wait3A_411] : memref<1600000x32xf32, #tpu.memory_space<hbm>> -> memref<80x32xf32, #tpu.memory_space<hbm>>
        %dma_wait3A_413 = arith.constant 0 : i32
        %dma_wait3A_414 = tpu.memref_slice %arg8[%add3A_406, %dma_wait3A_413] : memref<1600000x32xf32, #tpu.memory_space<hbm>> -> memref<80x32xf32, #tpu.memory_space<hbm>>
        %dma_wait3A_415 = arith.constant 0 : i32
        %dma_wait3A_416 = arith.constant 0 : i32
        %dma_wait3A_417 = tpu.memref_slice %arg13[%rem3A_324, %dma_wait3A_415, %dma_wait3A_416] : memref<2x80x32xf32, #tpu.memory_space<vmem>> -> memref<1x80x32xf32, #tpu.memory_space<vmem>>
        %dma_wait3A_418 = tpu.memref_squeeze %dma_wait3A_417 : memref<1x80x32xf32, #tpu.memory_space<vmem>> -> memref<80x32xf32, #tpu.memory_space<vmem>>
        tpu.wait_dma2 semaphore(%arg18 : memref<!tpu.dma_semaphore, #tpu.memory_space<semaphore_mem>>) src(%dma_wait3A_418 : memref<80x32xf32, #tpu.memory_space<vmem>>) dst(%dma_wait3A_414 : memref<80x32xf32, #tpu.memory_space<hbm>>)
        %dma_wait3A_419 = arith.constant 0 : i32
        %dma_wait3A_420 = arith.constant 0 : i32
        %dma_wait3A_421 = tpu.memref_slice %arg15[%rem3A_324, %dma_wait3A_419, %dma_wait3A_420] : memref<2x80x32xf32, #tpu.memory_space<vmem>> -> memref<1x80x32xf32, #tpu.memory_space<vmem>>
        %dma_wait3A_422 = tpu.memref_squeeze %dma_wait3A_421 : memref<1x80x32xf32, #tpu.memory_space<vmem>> -> memref<80x32xf32, #tpu.memory_space<vmem>>
        %dma_wait3A_423 = arith.constant 0 : i32
        %dma_wait3A_424 = tpu.memref_slice %arg9[%add3A_406, %dma_wait3A_423] : memref<1600000x32xf32, #tpu.memory_space<hbm>> -> memref<80x32xf32, #tpu.memory_space<hbm>>
        %dma_wait3A_425 = arith.constant 0 : i32
        %dma_wait3A_426 = tpu.memref_slice %arg9[%add3A_406, %dma_wait3A_425] : memref<1600000x32xf32, #tpu.memory_space<hbm>> -> memref<80x32xf32, #tpu.memory_space<hbm>>
        %dma_wait3A_427 = arith.constant 0 : i32
        %dma_wait3A_428 = arith.constant 0 : i32
        %dma_wait3A_429 = tpu.memref_slice %arg15[%rem3A_324, %dma_wait3A_427, %dma_wait3A_428] : memref<2x80x32xf32, #tpu.memory_space<vmem>> -> memref<1x80x32xf32, #tpu.memory_space<vmem>>
        %dma_wait3A_430 = tpu.memref_squeeze %dma_wait3A_429 : memref<1x80x32xf32, #tpu.memory_space<vmem>> -> memref<80x32xf32, #tpu.memory_space<vmem>>
        tpu.wait_dma2 semaphore(%arg18 : memref<!tpu.dma_semaphore, #tpu.memory_space<semaphore_mem>>) src(%dma_wait3A_430 : memref<80x32xf32, #tpu.memory_space<vmem>>) dst(%dma_wait3A_426 : memref<80x32xf32, #tpu.memory_space<hbm>>)
      } else {
      }
      %add3A_357 = arith.constant 1 : i32
      %add3A_358 = arith.addi %scan3A_319, %add3A_357 : i32
      %lt3A = arith.constant 625 : i32
      %lt3A_359 = arith.cmpi slt, %add3A_358, %lt3A : i32
      %convert_element_type3A_360 = arith.extui %lt3A_359 : i1 to i32
      %cond3A_361 = arith.constant 0 : i32
      %cond3A_362 = arith.cmpi ne, %convert_element_type3A_360, %cond3A_361 : i32
      scf.if %cond3A_362 {
        %add3A_403 = arith.constant 1 : i32
        %add3A_404 = arith.addi %scan3A_319, %add3A_403 : i32
        %add3A_405 = arith.constant 0 : i32
        %add3A_406 = arith.addi %add3A_405, %mul3A_2 : i32
        %mul3A_407 = arith.constant 80 : i32
        %mul3A_408 = arith.muli %add3A_404, %mul3A_407 : i32
        %add3A_409 = arith.addi %add3A_406, %mul3A_408 : i32
        %dma_wait3A_410 = arith.constant 0 : i32
        %dma_wait3A_411 = tpu.memref_slice %arg10[%rem3A_324, %dma_wait3A_410] : memref<2x80xi32, #tpu.memory_space<vmem>> -> memref<1x80xi32, #tpu.memory_space<vmem>>
        %dma_wait3A_412 = tpu.memref_squeeze %dma_wait3A_411 : memref<1x80xi32, #tpu.memory_space<vmem>> -> memref<80xi32, #tpu.memory_space<vmem>>
        %dma_wait3A_413 = tpu.memref_slice %arg5[%add3A_409] : memref<1600000xi32, #tpu.memory_space<hbm>> -> memref<80xi32, #tpu.memory_space<hbm>>
        %dma_wait3A_414 = arith.constant 0 : i32
        %dma_wait3A_415 = tpu.memref_slice %arg10[%rem3A_324, %dma_wait3A_414] : memref<2x80xi32, #tpu.memory_space<vmem>> -> memref<1x80xi32, #tpu.memory_space<vmem>>
        %dma_wait3A_416 = tpu.memref_squeeze %dma_wait3A_415 : memref<1x80xi32, #tpu.memory_space<vmem>> -> memref<80xi32, #tpu.memory_space<vmem>>
        %dma_wait3A_417 = tpu.memref_slice %arg5[%add3A_409] : memref<1600000xi32, #tpu.memory_space<hbm>> -> memref<80xi32, #tpu.memory_space<hbm>>
        tpu.wait_dma2 semaphore(%arg19 : memref<!tpu.dma_semaphore, #tpu.memory_space<semaphore_mem>>) src(%dma_wait3A_417 : memref<80xi32, #tpu.memory_space<hbm>>) dst(%dma_wait3A_416 : memref<80xi32, #tpu.memory_space<vmem>>)
        %dma_wait3A_418 = arith.constant 0 : i32
        %dma_wait3A_419 = tpu.memref_slice %arg11[%rem3A_324, %dma_wait3A_418] : memref<2x80xi32, #tpu.memory_space<vmem>> -> memref<1x80xi32, #tpu.memory_space<vmem>>
        %dma_wait3A_420 = tpu.memref_squeeze %dma_wait3A_419 : memref<1x80xi32, #tpu.memory_space<vmem>> -> memref<80xi32, #tpu.memory_space<vmem>>
        %dma_wait3A_421 = tpu.memref_slice %arg6[%add3A_409] : memref<1600000xi32, #tpu.memory_space<hbm>> -> memref<80xi32, #tpu.memory_space<hbm>>
        %dma_wait3A_422 = arith.constant 0 : i32
        %dma_wait3A_423 = tpu.memref_slice %arg11[%rem3A_324, %dma_wait3A_422] : memref<2x80xi32, #tpu.memory_space<vmem>> -> memref<1x80xi32, #tpu.memory_space<vmem>>
        %dma_wait3A_424 = tpu.memref_squeeze %dma_wait3A_423 : memref<1x80xi32, #tpu.memory_space<vmem>> -> memref<80xi32, #tpu.memory_space<vmem>>
        %dma_wait3A_425 = tpu.memref_slice %arg6[%add3A_409] : memref<1600000xi32, #tpu.memory_space<hbm>> -> memref<80xi32, #tpu.memory_space<hbm>>
        tpu.wait_dma2 semaphore(%arg19 : memref<!tpu.dma_semaphore, #tpu.memory_space<semaphore_mem>>) src(%dma_wait3A_425 : memref<80xi32, #tpu.memory_space<hbm>>) dst(%dma_wait3A_424 : memref<80xi32, #tpu.memory_space<vmem>>)
        %dma_wait3A_426 = arith.constant 0 : i32
        %dma_wait3A_427 = tpu.memref_slice %arg12[%rem3A_324, %dma_wait3A_426] : memref<2x80xi32, #tpu.memory_space<vmem>> -> memref<1x80xi32, #tpu.memory_space<vmem>>
        %dma_wait3A_428 = tpu.memref_squeeze %dma_wait3A_427 : memref<1x80xi32, #tpu.memory_space<vmem>> -> memref<80xi32, #tpu.memory_space<vmem>>
        %dma_wait3A_429 = tpu.memref_slice %arg7[%add3A_409] : memref<1600000xi32, #tpu.memory_space<hbm>> -> memref<80xi32, #tpu.memory_space<hbm>>
        %dma_wait3A_430 = arith.constant 0 : i32
        %dma_wait3A_431 = tpu.memref_slice %arg12[%rem3A_324, %dma_wait3A_430] : memref<2x80xi32, #tpu.memory_space<vmem>> -> memref<1x80xi32, #tpu.memory_space<vmem>>
        %dma_wait3A_432 = tpu.memref_squeeze %dma_wait3A_431 : memref<1x80xi32, #tpu.memory_space<vmem>> -> memref<80xi32, #tpu.memory_space<vmem>>
        %dma_wait3A_433 = tpu.memref_slice %arg7[%add3A_409] : memref<1600000xi32, #tpu.memory_space<hbm>> -> memref<80xi32, #tpu.memory_space<hbm>>
        tpu.wait_dma2 semaphore(%arg19 : memref<!tpu.dma_semaphore, #tpu.memory_space<semaphore_mem>>) src(%dma_wait3A_433 : memref<80xi32, #tpu.memory_space<hbm>>) dst(%dma_wait3A_432 : memref<80xi32, #tpu.memory_space<vmem>>)
        %get3A_434 = arith.index_cast %rem3A_324 : i32 to index
        %get3A_435 = arith.constant 0 : index
        %get3A_436 = tpu.vector_load %arg10[%get3A_434, %get3A_435] {strides = array<i32>} : memref<2x80xi32, #tpu.memory_space<vmem>>, vector<1x16xi32>,
        %get3A_437 = vector.shape_cast %get3A_436 : vector<1x16xi32> to vector<16xi32>
        %get3A_438 = arith.index_cast %rem3A_324 : i32 to index
        %get3A_439 = arith.constant 0 : index
        %get3A_440 = tpu.vector_load %arg11[%get3A_438, %get3A_439] {strides = array<i32>} : memref<2x80xi32, #tpu.memory_space<vmem>>, vector<1x16xi32>,
        %get3A_441 = vector.shape_cast %get3A_440 : vector<1x16xi32> to vector<16xi32>
        %get3A_442 = arith.index_cast %rem3A_324 : i32 to index
        %get3A_443 = arith.constant 0 : index
        %get3A_444 = tpu.vector_load %arg12[%get3A_442, %get3A_443] {strides = array<i32>} : memref<2x80xi32, #tpu.memory_space<vmem>>, vector<1x16xi32>,
        %get3A_445 = vector.shape_cast %get3A_444 : vector<1x16xi32> to vector<16xi32>
        %eq3A_446 = arith.constant 0 : i32
        %eq3A_447 = vector.broadcast %eq3A_446 : i32 to vector<16xi32>
        %eq3A_448 = arith.cmpi eq, %get3A_445, %eq3A_447 : vector<16xi32>
        %select_n3A_449 = arith.select %eq3A_448, %get3A_437, %get3A_441 : vector<16xi1>, vector<16xi32>
        %swap3A_450 = arith.index_cast %rem3A_324 : i32 to index
        %swap3A_451 = arith.constant 0 : index
        %swap3A_452 = tpu.vector_load %arg10[%swap3A_450, %swap3A_451] {strides = array<i32>} : memref<2x80xi32, #tpu.memory_space<vmem>>, vector<1x16xi32>,
        %swap3A_453 = vector.shape_cast %swap3A_452 : vector<1x16xi32> to vector<16xi32>
        %swap3A_454 = vector.shape_cast %select_n3A_449 : vector<16xi32> to vector<1x16xi32>
        tpu.vector_store %arg10[%swap3A_450, %swap3A_451], %swap3A_454 {strides = array<i32>} : memref<2x80xi32, #tpu.memory_space<vmem>>, vector<1x16xi32>,
        %select_n3A_455 = arith.select %eq3A_448, %get3A_441, %get3A_437 : vector<16xi1>, vector<16xi32>
        %swap3A_456 = arith.index_cast %rem3A_324 : i32 to index
        %swap3A_457 = arith.constant 0 : index
        %swap3A_458 = tpu.vector_load %arg12[%swap3A_456, %swap3A_457] {strides = array<i32>} : memref<2x80xi32, #tpu.memory_space<vmem>>, vector<1x16xi32>,
        %swap3A_459 = vector.shape_cast %swap3A_458 : vector<1x16xi32> to vector<16xi32>
        %swap3A_460 = vector.shape_cast %select_n3A_455 : vector<16xi32> to vector<1x16xi32>
        tpu.vector_store %arg12[%swap3A_456, %swap3A_457], %swap3A_460 {strides = array<i32>} : memref<2x80xi32, #tpu.memory_space<vmem>>, vector<1x16xi32>,
        %get3A_461 = arith.index_cast %rem3A_324 : i32 to index
        %get3A_462 = arith.constant 16 : index
        %get3A_463 = tpu.vector_load %arg10[%get3A_461, %get3A_462] {strides = array<i32>} : memref<2x80xi32, #tpu.memory_space<vmem>>, vector<1x16xi32>,
        %get3A_464 = vector.shape_cast %get3A_463 : vector<1x16xi32> to vector<16xi32>
        %get3A_465 = arith.index_cast %rem3A_324 : i32 to index
        %get3A_466 = arith.constant 16 : index
        %get3A_467 = tpu.vector_load %arg11[%get3A_465, %get3A_466] {strides = array<i32>} : memref<2x80xi32, #tpu.memory_space<vmem>>, vector<1x16xi32>,
        %get3A_468 = vector.shape_cast %get3A_467 : vector<1x16xi32> to vector<16xi32>
        %get3A_469 = arith.index_cast %rem3A_324 : i32 to index
        %get3A_470 = arith.constant 16 : index
        %get3A_471 = tpu.vector_load %arg12[%get3A_469, %get3A_470] {strides = array<i32>} : memref<2x80xi32, #tpu.memory_space<vmem>>, vector<1x16xi32>,
        %get3A_472 = vector.shape_cast %get3A_471 : vector<1x16xi32> to vector<16xi32>
        %eq3A_473 = arith.constant 0 : i32
        %eq3A_474 = vector.broadcast %eq3A_473 : i32 to vector<16xi32>
        %eq3A_475 = arith.cmpi eq, %get3A_472, %eq3A_474 : vector<16xi32>
        %select_n3A_476 = arith.select %eq3A_475, %get3A_464, %get3A_468 : vector<16xi1>, vector<16xi32>
        %swap3A_477 = arith.index_cast %rem3A_324 : i32 to index
        %swap3A_478 = arith.constant 16 : index
        %swap3A_479 = tpu.vector_load %arg10[%swap3A_477, %swap3A_478] {strides = array<i32>} : memref<2x80xi32, #tpu.memory_space<vmem>>, vector<1x16xi32>,
        %swap3A_480 = vector.shape_cast %swap3A_479 : vector<1x16xi32> to vector<16xi32>
        %swap3A_481 = vector.shape_cast %select_n3A_476 : vector<16xi32> to vector<1x16xi32>
        tpu.vector_store %arg10[%swap3A_477, %swap3A_478], %swap3A_481 {strides = array<i32>} : memref<2x80xi32, #tpu.memory_space<vmem>>, vector<1x16xi32>,
        %select_n3A_482 = arith.select %eq3A_475, %get3A_468, %get3A_464 : vector<16xi1>, vector<16xi32>
        %swap3A_483 = arith.index_cast %rem3A_324 : i32 to index
        %swap3A_484 = arith.constant 16 : index
        %swap3A_485 = tpu.vector_load %arg12[%swap3A_483, %swap3A_484] {strides = array<i32>} : memref<2x80xi32, #tpu.memory_space<vmem>>, vector<1x16xi32>,
        %swap3A_486 = vector.shape_cast %swap3A_485 : vector<1x16xi32> to vector<16xi32>
        %swap3A_487 = vector.shape_cast %select_n3A_482 : vector<16xi32> to vector<1x16xi32>
        tpu.vector_store %arg12[%swap3A_483, %swap3A_484], %swap3A_487 {strides = array<i32>} : memref<2x80xi32, #tpu.memory_space<vmem>>, vector<1x16xi32>,
        %get3A_488 = arith.index_cast %rem3A_324 : i32 to index
        %get3A_489 = arith.constant 32 : index
        %get3A_490 = tpu.vector_load %arg10[%get3A_488, %get3A_489] {strides = array<i32>} : memref<2x80xi32, #tpu.memory_space<vmem>>, vector<1x16xi32>,
        %get3A_491 = vector.shape_cast %get3A_490 : vector<1x16xi32> to vector<16xi32>
        %get3A_492 = arith.index_cast %rem3A_324 : i32 to index
        %get3A_493 = arith.constant 32 : index
        %get3A_494 = tpu.vector_load %arg11[%get3A_492, %get3A_493] {strides = array<i32>} : memref<2x80xi32, #tpu.memory_space<vmem>>, vector<1x16xi32>,
        %get3A_495 = vector.shape_cast %get3A_494 : vector<1x16xi32> to vector<16xi32>
        %get3A_496 = arith.index_cast %rem3A_324 : i32 to index
        %get3A_497 = arith.constant 32 : index
        %get3A_498 = tpu.vector_load %arg12[%get3A_496, %get3A_497] {strides = array<i32>} : memref<2x80xi32, #tpu.memory_space<vmem>>, vector<1x16xi32>,
        %get3A_499 = vector.shape_cast %get3A_498 : vector<1x16xi32> to vector<16xi32>
        %eq3A_500 = arith.constant 0 : i32
        %eq3A_501 = vector.broadcast %eq3A_500 : i32 to vector<16xi32>
        %eq3A_502 = arith.cmpi eq, %get3A_499, %eq3A_501 : vector<16xi32>
        %select_n3A_503 = arith.select %eq3A_502, %get3A_491, %get3A_495 : vector<16xi1>, vector<16xi32>
        %swap3A_504 = arith.index_cast %rem3A_324 : i32 to index
        %swap3A_505 = arith.constant 32 : index
        %swap3A_506 = tpu.vector_load %arg10[%swap3A_504, %swap3A_505] {strides = array<i32>} : memref<2x80xi32, #tpu.memory_space<vmem>>, vector<1x16xi32>,
        %swap3A_507 = vector.shape_cast %swap3A_506 : vector<1x16xi32> to vector<16xi32>
        %swap3A_508 = vector.shape_cast %select_n3A_503 : vector<16xi32> to vector<1x16xi32>
        tpu.vector_store %arg10[%swap3A_504, %swap3A_505], %swap3A_508 {strides = array<i32>} : memref<2x80xi32, #tpu.memory_space<vmem>>, vector<1x16xi32>,
        %select_n3A_509 = arith.select %eq3A_502, %get3A_495, %get3A_491 : vector<16xi1>, vector<16xi32>
        %swap3A_510 = arith.index_cast %rem3A_324 : i32 to index
        %swap3A_511 = arith.constant 32 : index
        %swap3A_512 = tpu.vector_load %arg12[%swap3A_510, %swap3A_511] {strides = array<i32>} : memref<2x80xi32, #tpu.memory_space<vmem>>, vector<1x16xi32>,
        %swap3A_513 = vector.shape_cast %swap3A_512 : vector<1x16xi32> to vector<16xi32>
        %swap3A_514 = vector.shape_cast %select_n3A_509 : vector<16xi32> to vector<1x16xi32>
        tpu.vector_store %arg12[%swap3A_510, %swap3A_511], %swap3A_514 {strides = array<i32>} : memref<2x80xi32, #tpu.memory_space<vmem>>, vector<1x16xi32>,
        %get3A_515 = arith.index_cast %rem3A_324 : i32 to index
        %get3A_516 = arith.constant 48 : index
        %get3A_517 = tpu.vector_load %arg10[%get3A_515, %get3A_516] {strides = array<i32>} : memref<2x80xi32, #tpu.memory_space<vmem>>, vector<1x16xi32>,
        %get3A_518 = vector.shape_cast %get3A_517 : vector<1x16xi32> to vector<16xi32>
        %get3A_519 = arith.index_cast %rem3A_324 : i32 to index
        %get3A_520 = arith.constant 48 : index
        %get3A_521 = tpu.vector_load %arg11[%get3A_519, %get3A_520] {strides = array<i32>} : memref<2x80xi32, #tpu.memory_space<vmem>>, vector<1x16xi32>,
        %get3A_522 = vector.shape_cast %get3A_521 : vector<1x16xi32> to vector<16xi32>
        %get3A_523 = arith.index_cast %rem3A_324 : i32 to index
        %get3A_524 = arith.constant 48 : index
        %get3A_525 = tpu.vector_load %arg12[%get3A_523, %get3A_524] {strides = array<i32>} : memref<2x80xi32, #tpu.memory_space<vmem>>, vector<1x16xi32>,
        %get3A_526 = vector.shape_cast %get3A_525 : vector<1x16xi32> to vector<16xi32>
        %eq3A_527 = arith.constant 0 : i32
        %eq3A_528 = vector.broadcast %eq3A_527 : i32 to vector<16xi32>
        %eq3A_529 = arith.cmpi eq, %get3A_526, %eq3A_528 : vector<16xi32>
        %select_n3A_530 = arith.select %eq3A_529, %get3A_518, %get3A_522 : vector<16xi1>, vector<16xi32>
        %swap3A_531 = arith.index_cast %rem3A_324 : i32 to index
        %swap3A_532 = arith.constant 48 : index
        %swap3A_533 = tpu.vector_load %arg10[%swap3A_531, %swap3A_532] {strides = array<i32>} : memref<2x80xi32, #tpu.memory_space<vmem>>, vector<1x16xi32>,
        %swap3A_534 = vector.shape_cast %swap3A_533 : vector<1x16xi32> to vector<16xi32>
        %swap3A_535 = vector.shape_cast %select_n3A_530 : vector<16xi32> to vector<1x16xi32>
        tpu.vector_store %arg10[%swap3A_531, %swap3A_532], %swap3A_535 {strides = array<i32>} : memref<2x80xi32, #tpu.memory_space<vmem>>, vector<1x16xi32>,
        %select_n3A_536 = arith.select %eq3A_529, %get3A_522, %get3A_518 : vector<16xi1>, vector<16xi32>
        %swap3A_537 = arith.index_cast %rem3A_324 : i32 to index
        %swap3A_538 = arith.constant 48 : index
        %swap3A_539 = tpu.vector_load %arg12[%swap3A_537, %swap3A_538] {strides = array<i32>} : memref<2x80xi32, #tpu.memory_space<vmem>>, vector<1x16xi32>,
        %swap3A_540 = vector.shape_cast %swap3A_539 : vector<1x16xi32> to vector<16xi32>
        %swap3A_541 = vector.shape_cast %select_n3A_536 : vector<16xi32> to vector<1x16xi32>
        tpu.vector_store %arg12[%swap3A_537, %swap3A_538], %swap3A_541 {strides = array<i32>} : memref<2x80xi32, #tpu.memory_space<vmem>>, vector<1x16xi32>,
        %get3A_542 = arith.index_cast %rem3A_324 : i32 to index
        %get3A_543 = arith.constant 64 : index
        %get3A_544 = tpu.vector_load %arg10[%get3A_542, %get3A_543] {strides = array<i32>} : memref<2x80xi32, #tpu.memory_space<vmem>>, vector<1x16xi32>,
        %get3A_545 = vector.shape_cast %get3A_544 : vector<1x16xi32> to vector<16xi32>
        %get3A_546 = arith.index_cast %rem3A_324 : i32 to index
        %get3A_547 = arith.constant 64 : index
        %get3A_548 = tpu.vector_load %arg11[%get3A_546, %get3A_547] {strides = array<i32>} : memref<2x80xi32, #tpu.memory_space<vmem>>, vector<1x16xi32>,
        %get3A_549 = vector.shape_cast %get3A_548 : vector<1x16xi32> to vector<16xi32>
        %get3A_550 = arith.index_cast %rem3A_324 : i32 to index
        %get3A_551 = arith.constant 64 : index
        %get3A_552 = tpu.vector_load %arg12[%get3A_550, %get3A_551] {strides = array<i32>} : memref<2x80xi32, #tpu.memory_space<vmem>>, vector<1x16xi32>,
        %get3A_553 = vector.shape_cast %get3A_552 : vector<1x16xi32> to vector<16xi32>
        %eq3A_554 = arith.constant 0 : i32
        %eq3A_555 = vector.broadcast %eq3A_554 : i32 to vector<16xi32>
        %eq3A_556 = arith.cmpi eq, %get3A_553, %eq3A_555 : vector<16xi32>
        %select_n3A_557 = arith.select %eq3A_556, %get3A_545, %get3A_549 : vector<16xi1>, vector<16xi32>
        %swap3A_558 = arith.index_cast %rem3A_324 : i32 to index
        %swap3A_559 = arith.constant 64 : index
        %swap3A_560 = tpu.vector_load %arg10[%swap3A_558, %swap3A_559] {strides = array<i32>} : memref<2x80xi32, #tpu.memory_space<vmem>>, vector<1x16xi32>,
        %swap3A_561 = vector.shape_cast %swap3A_560 : vector<1x16xi32> to vector<16xi32>
        %swap3A_562 = vector.shape_cast %select_n3A_557 : vector<16xi32> to vector<1x16xi32>
        tpu.vector_store %arg10[%swap3A_558, %swap3A_559], %swap3A_562 {strides = array<i32>} : memref<2x80xi32, #tpu.memory_space<vmem>>, vector<1x16xi32>,
        %select_n3A_563 = arith.select %eq3A_556, %get3A_549, %get3A_545 : vector<16xi1>, vector<16xi32>
        %swap3A_564 = arith.index_cast %rem3A_324 : i32 to index
        %swap3A_565 = arith.constant 64 : index
        %swap3A_566 = tpu.vector_load %arg12[%swap3A_564, %swap3A_565] {strides = array<i32>} : memref<2x80xi32, #tpu.memory_space<vmem>>, vector<1x16xi32>,
        %swap3A_567 = vector.shape_cast %swap3A_566 : vector<1x16xi32> to vector<16xi32>
        %swap3A_568 = vector.shape_cast %select_n3A_563 : vector<16xi32> to vector<1x16xi32>
        tpu.vector_store %arg12[%swap3A_564, %swap3A_565], %swap3A_568 {strides = array<i32>} : memref<2x80xi32, #tpu.memory_space<vmem>>, vector<1x16xi32>,
        %dma_start3A_569 = arith.constant 0 : i32
        %dma_start3A_570 = arith.constant 0 : i32
        %dma_start3A_571 = tpu.memref_slice %arg13[%rem3A_324, %dma_start3A_569, %dma_start3A_570] : memref<2x80x32xf32, #tpu.memory_space<vmem>> -> memref<1x80x32xf32, #tpu.memory_space<vmem>>
        %dma_start3A_572 = tpu.memref_squeeze %dma_start3A_571 : memref<1x80x32xf32, #tpu.memory_space<vmem>> -> memref<80x32xf32, #tpu.memory_space<vmem>>
        %dma_start3A_573 = arith.constant 0 : i32
        %dma_start3A_574 = tpu.memref_slice %arg10[%rem3A_324, %dma_start3A_573] : memref<2x80xi32, #tpu.memory_space<vmem>> -> memref<1x80xi32, #tpu.memory_space<vmem>>
        %dma_start3A_575 = tpu.memref_squeeze %dma_start3A_574 : memref<1x80xi32, #tpu.memory_space<vmem>> -> memref<80xi32, #tpu.memory_space<vmem>>
        %dma_start3A_576 = arith.constant 0 : i32
        %dma_start3A_577 = arith.constant 0 : i32
        %dma_start3A_578 = tpu.memref_slice %arg3[%dma_start3A_576, %dma_start3A_577] : memref<100000x32xf32, #tpu.memory_space<hbm>> -> memref<100000x32xf32, #tpu.memory_space<hbm>>
        tpu.enqueue_indirect_dma source(%dma_start3A_578 : memref<100000x32xf32, #tpu.memory_space<hbm>>) target(%dma_start3A_572 : memref<80x32xf32, #tpu.memory_space<vmem>>) offsets(%dma_start3A_575 : memref<80xi32, #tpu.memory_space<vmem>>) semaphore(%arg16 : memref<!tpu.dma_semaphore, #tpu.memory_space<semaphore_mem>>)
        %dma_start3A_579 = arith.constant 0 : i32
        %dma_start3A_580 = arith.constant 0 : i32
        %dma_start3A_581 = tpu.memref_slice %arg14[%rem3A_324, %dma_start3A_579, %dma_start3A_580] : memref<2x80x32xf32, #tpu.memory_space<vmem>> -> memref<1x80x32xf32, #tpu.memory_space<vmem>>
        %dma_start3A_582 = tpu.memref_squeeze %dma_start3A_581 : memref<1x80x32xf32, #tpu.memory_space<vmem>> -> memref<80x32xf32, #tpu.memory_space<vmem>>
        %dma_start3A_583 = arith.constant 0 : i32
        %dma_start3A_584 = tpu.memref_slice %arg12[%rem3A_324, %dma_start3A_583] : memref<2x80xi32, #tpu.memory_space<vmem>> -> memref<1x80xi32, #tpu.memory_space<vmem>>
        %dma_start3A_585 = tpu.memref_squeeze %dma_start3A_584 : memref<1x80xi32, #tpu.memory_space<vmem>> -> memref<80xi32, #tpu.memory_space<vmem>>
        %dma_start3A_586 = arith.constant 0 : i32
        %dma_start3A_587 = arith.constant 0 : i32
        %dma_start3A_588 = tpu.memref_slice %arg4[%dma_start3A_586, %dma_start3A_587] : memref<100000x32xf32, #tpu.memory_space<hbm>> -> memref<100000x32xf32, #tpu.memory_space<hbm>>
        tpu.enqueue_indirect_dma source(%dma_start3A_588 : memref<100000x32xf32, #tpu.memory_space<hbm>>) target(%dma_start3A_582 : memref<80x32xf32, #tpu.memory_space<vmem>>) offsets(%dma_start3A_585 : memref<80xi32, #tpu.memory_space<vmem>>) semaphore(%arg16 : memref<!tpu.dma_semaphore, #tpu.memory_space<semaphore_mem>>)
        %dma_start3A_589 = arith.constant 0 : i32
        %dma_start3A_590 = arith.constant 0 : i32
        %dma_start3A_591 = tpu.memref_slice %arg15[%rem3A_324, %dma_start3A_589, %dma_start3A_590] : memref<2x80x32xf32, #tpu.memory_space<vmem>> -> memref<1x80x32xf32, #tpu.memory_space<vmem>>
        %dma_start3A_592 = tpu.memref_squeeze %dma_start3A_591 : memref<1x80x32xf32, #tpu.memory_space<vmem>> -> memref<80x32xf32, #tpu.memory_space<vmem>>
        %dma_start3A_593 = arith.constant 0 : i32
        %dma_start3A_594 = tpu.memref_slice %arg11[%rem3A_324, %dma_start3A_593] : memref<2x80xi32, #tpu.memory_space<vmem>> -> memref<1x80xi32, #tpu.memory_space<vmem>>
        %dma_start3A_595 = tpu.memref_squeeze %dma_start3A_594 : memref<1x80xi32, #tpu.memory_space<vmem>> -> memref<80xi32, #tpu.memory_space<vmem>>
        %dma_start3A_596 = arith.constant 0 : i32
        %dma_start3A_597 = arith.constant 0 : i32
        %dma_start3A_598 = tpu.memref_slice %arg2[%dma_start3A_596, %dma_start3A_597] : memref<100000x32xf32, #tpu.memory_space<hbm>> -> memref<100000x32xf32, #tpu.memory_space<hbm>>
        tpu.enqueue_indirect_dma source(%dma_start3A_598 : memref<100000x32xf32, #tpu.memory_space<hbm>>) target(%dma_start3A_592 : memref<80x32xf32, #tpu.memory_space<vmem>>) offsets(%dma_start3A_595 : memref<80xi32, #tpu.memory_space<vmem>>) semaphore(%arg17 : memref<!tpu.dma_semaphore, #tpu.memory_space<semaphore_mem>>)
      } else {
      }
      %add3A_363 = arith.constant 2 : i32
      %add3A_364 = arith.addi %scan3A_319, %add3A_363 : i32
      %lt3A_365 = arith.constant 625 : i32
      %lt3A_366 = arith.cmpi slt, %add3A_364, %lt3A_365 : i32
      %convert_element_type3A_367 = arith.extui %lt3A_366 : i1 to i32
      %cond3A_368 = arith.constant 0 : i32
      %cond3A_369 = arith.cmpi ne, %convert_element_type3A_367, %cond3A_368 : i32
      scf.if %cond3A_369 {
        %add3A_403 = arith.constant 2 : i32
        %add3A_404 = arith.addi %scan3A_319, %add3A_403 : i32
        %add3A_405 = arith.constant 0 : i32
        %add3A_406 = arith.addi %add3A_405, %mul3A_2 : i32
        %mul3A_407 = arith.constant 80 : i32
        %mul3A_408 = arith.muli %add3A_404, %mul3A_407 : i32
        %add3A_409 = arith.addi %add3A_406, %mul3A_408 : i32
        %dma_start3A_410 = arith.constant 0 : i32
        %dma_start3A_411 = tpu.memref_slice %arg10[%rem3A_320, %dma_start3A_410] : memref<2x80xi32, #tpu.memory_space<vmem>> -> memref<1x80xi32, #tpu.memory_space<vmem>>
        %dma_start3A_412 = tpu.memref_squeeze %dma_start3A_411 : memref<1x80xi32, #tpu.memory_space<vmem>> -> memref<80xi32, #tpu.memory_space<vmem>>
        %dma_start3A_413 = tpu.memref_slice %arg5[%add3A_409] : memref<1600000xi32, #tpu.memory_space<hbm>> -> memref<80xi32, #tpu.memory_space<hbm>>
        %dma_start3A_414 = arith.constant 0 : i32
        %dma_start3A_415 = tpu.memref_slice %arg10[%rem3A_320, %dma_start3A_414] : memref<2x80xi32, #tpu.memory_space<vmem>> -> memref<1x80xi32, #tpu.memory_space<vmem>>
        %dma_start3A_416 = tpu.memref_squeeze %dma_start3A_415 : memref<1x80xi32, #tpu.memory_space<vmem>> -> memref<80xi32, #tpu.memory_space<vmem>>
        %dma_start3A_417 = tpu.memref_slice %arg5[%add3A_409] : memref<1600000xi32, #tpu.memory_space<hbm>> -> memref<80xi32, #tpu.memory_space<hbm>>
        tpu.enqueue_dma source(%dma_start3A_417 : memref<80xi32, #tpu.memory_space<hbm>>) target(%dma_start3A_416 : memref<80xi32, #tpu.memory_space<vmem>>) target_semaphore(%arg19 : memref<!tpu.dma_semaphore, #tpu.memory_space<semaphore_mem>>)
        %dma_start3A_418 = arith.constant 0 : i32
        %dma_start3A_419 = tpu.memref_slice %arg11[%rem3A_320, %dma_start3A_418] : memref<2x80xi32, #tpu.memory_space<vmem>> -> memref<1x80xi32, #tpu.memory_space<vmem>>
        %dma_start3A_420 = tpu.memref_squeeze %dma_start3A_419 : memref<1x80xi32, #tpu.memory_space<vmem>> -> memref<80xi32, #tpu.memory_space<vmem>>
        %dma_start3A_421 = tpu.memref_slice %arg6[%add3A_409] : memref<1600000xi32, #tpu.memory_space<hbm>> -> memref<80xi32, #tpu.memory_space<hbm>>
        %dma_start3A_422 = arith.constant 0 : i32
        %dma_start3A_423 = tpu.memref_slice %arg11[%rem3A_320, %dma_start3A_422] : memref<2x80xi32, #tpu.memory_space<vmem>> -> memref<1x80xi32, #tpu.memory_space<vmem>>
        %dma_start3A_424 = tpu.memref_squeeze %dma_start3A_423 : memref<1x80xi32, #tpu.memory_space<vmem>> -> memref<80xi32, #tpu.memory_space<vmem>>
        %dma_start3A_425 = tpu.memref_slice %arg6[%add3A_409] : memref<1600000xi32, #tpu.memory_space<hbm>> -> memref<80xi32, #tpu.memory_space<hbm>>
        tpu.enqueue_dma source(%dma_start3A_425 : memref<80xi32, #tpu.memory_space<hbm>>) target(%dma_start3A_424 : memref<80xi32, #tpu.memory_space<vmem>>) target_semaphore(%arg19 : memref<!tpu.dma_semaphore, #tpu.memory_space<semaphore_mem>>)
        %dma_start3A_426 = arith.constant 0 : i32
        %dma_start3A_427 = tpu.memref_slice %arg12[%rem3A_320, %dma_start3A_426] : memref<2x80xi32, #tpu.memory_space<vmem>> -> memref<1x80xi32, #tpu.memory_space<vmem>>
        %dma_start3A_428 = tpu.memref_squeeze %dma_start3A_427 : memref<1x80xi32, #tpu.memory_space<vmem>> -> memref<80xi32, #tpu.memory_space<vmem>>
        %dma_start3A_429 = tpu.memref_slice %arg7[%add3A_409] : memref<1600000xi32, #tpu.memory_space<hbm>> -> memref<80xi32, #tpu.memory_space<hbm>>
        %dma_start3A_430 = arith.constant 0 : i32
        %dma_start3A_431 = tpu.memref_slice %arg12[%rem3A_320, %dma_start3A_430] : memref<2x80xi32, #tpu.memory_space<vmem>> -> memref<1x80xi32, #tpu.memory_space<vmem>>
        %dma_start3A_432 = tpu.memref_squeeze %dma_start3A_431 : memref<1x80xi32, #tpu.memory_space<vmem>> -> memref<80xi32, #tpu.memory_space<vmem>>
        %dma_start3A_433 = tpu.memref_slice %arg7[%add3A_409] : memref<1600000xi32, #tpu.memory_space<hbm>> -> memref<80xi32, #tpu.memory_space<hbm>>
        tpu.enqueue_dma source(%dma_start3A_433 : memref<80xi32, #tpu.memory_space<hbm>>) target(%dma_start3A_432 : memref<80xi32, #tpu.memory_space<vmem>>) target_semaphore(%arg19 : memref<!tpu.dma_semaphore, #tpu.memory_space<semaphore_mem>>)
      } else {
      }
      %scan3A_370 = arith.constant 0 : i32
      %scan3A_371 = arith.constant 0 : i32
      %scan3A_372 = arith.constant 20 : i32
      %scan3A_373 = arith.addi %scan3A_371, %scan3A_372 : i32
      %scan3A_374 = arith.constant 1 : i32
      scf.for %scan3A_403 = %scan3A_371 to %scan3A_373 step %scan3A_374  : i32 {
        %mul3A_404 = arith.constant 4 : i32
        %mul3A_405 = arith.muli %scan3A_403, %mul3A_404 : i32
        %add3A_406 = arith.constant 0 : i32
        %add3A_407 = arith.addi %mul3A_405, %add3A_406 : i32
        %get3A_408 = arith.index_cast %rem3A_320 : i32 to index
        %get3A_409 = arith.index_cast %add3A_407 : i32 to index
        %get3A_410 = arith.constant 0 : index
        %get3A_411 = tpu.vector_load %arg13[%get3A_408, %get3A_409, %get3A_410] {strides = array<i32>} : memref<2x80x32xf32, #tpu.memory_space<vmem>>, vector<1x1x16xf32>,
        %get3A_412 = vector.shape_cast %get3A_411 : vector<1x1x16xf32> to vector<16xf32>
        %get3A_413 = arith.index_cast %rem3A_320 : i32 to index
        %get3A_414 = arith.index_cast %add3A_407 : i32 to index
        %get3A_415 = arith.constant 0 : index
        %get3A_416 = tpu.vector_load %arg14[%get3A_413, %get3A_414, %get3A_415] {strides = array<i32>} : memref<2x80x32xf32, #tpu.memory_space<vmem>>, vector<1x1x16xf32>,
        %get3A_417 = vector.shape_cast %get3A_416 : vector<1x1x16xf32> to vector<16xf32>
        %add3A_418 = arith.addf %get3A_412, %get3A_417 : vector<16xf32>
        %swap3A_419 = arith.index_cast %rem3A_320 : i32 to index
        %swap3A_420 = arith.index_cast %add3A_407 : i32 to index
        %swap3A_421 = arith.constant 0 : index
        %swap3A_422 = tpu.vector_load %arg13[%swap3A_419, %swap3A_420, %swap3A_421] {strides = array<i32>} : memref<2x80x32xf32, #tpu.memory_space<vmem>>, vector<1x1x16xf32>,
        %swap3A_423 = vector.shape_cast %swap3A_422 : vector<1x1x16xf32> to vector<16xf32>
        %swap3A_424 = vector.shape_cast %add3A_418 : vector<16xf32> to vector<1x1x16xf32>
        tpu.vector_store %arg13[%swap3A_419, %swap3A_420, %swap3A_421], %swap3A_424 {strides = array<i32>} : memref<2x80x32xf32, #tpu.memory_space<vmem>>, vector<1x1x16xf32>,
        %get3A_425 = arith.index_cast %rem3A_320 : i32 to index
        %get3A_426 = arith.index_cast %add3A_407 : i32 to index
        %get3A_427 = arith.constant 16 : index
        %get3A_428 = tpu.vector_load %arg13[%get3A_425, %get3A_426, %get3A_427] {strides = array<i32>} : memref<2x80x32xf32, #tpu.memory_space<vmem>>, vector<1x1x16xf32>,
        %get3A_429 = vector.shape_cast %get3A_428 : vector<1x1x16xf32> to vector<16xf32>
        %get3A_430 = arith.index_cast %rem3A_320 : i32 to index
        %get3A_431 = arith.index_cast %add3A_407 : i32 to index
        %get3A_432 = arith.constant 16 : index
        %get3A_433 = tpu.vector_load %arg14[%get3A_430, %get3A_431, %get3A_432] {strides = array<i32>} : memref<2x80x32xf32, #tpu.memory_space<vmem>>, vector<1x1x16xf32>,
        %get3A_434 = vector.shape_cast %get3A_433 : vector<1x1x16xf32> to vector<16xf32>
        %add3A_435 = arith.addf %get3A_429, %get3A_434 : vector<16xf32>
        %swap3A_436 = arith.index_cast %rem3A_320 : i32 to index
        %swap3A_437 = arith.index_cast %add3A_407 : i32 to index
        %swap3A_438 = arith.constant 16 : index
        %swap3A_439 = tpu.vector_load %arg13[%swap3A_436, %swap3A_437, %swap3A_438] {strides = array<i32>} : memref<2x80x32xf32, #tpu.memory_space<vmem>>, vector<1x1x16xf32>,
        %swap3A_440 = vector.shape_cast %swap3A_439 : vector<1x1x16xf32> to vector<16xf32>
        %swap3A_441 = vector.shape_cast %add3A_435 : vector<16xf32> to vector<1x1x16xf32>
        tpu.vector_store %arg13[%swap3A_436, %swap3A_437, %swap3A_438], %swap3A_441 {strides = array<i32>} : memref<2x80x32xf32, #tpu.memory_space<vmem>>, vector<1x1x16xf32>,
        %mul3A_442 = arith.constant 4 : i32
        %mul3A_443 = arith.muli %scan3A_403, %mul3A_442 : i32
        %add3A_444 = arith.constant 1 : i32
        %add3A_445 = arith.addi %mul3A_443, %add3A_444 : i32
        %get3A_446 = arith.index_cast %rem3A_320 : i32 to index
        %get3A_447 = arith.index_cast %add3A_445 : i32 to index
        %get3A_448 = arith.constant 0 : index
        %get3A_449 = tpu.vector_load %arg13[%get3A_446, %get3A_447, %get3A_448] {strides = array<i32>} : memref<2x80x32xf32, #tpu.memory_space<vmem>>, vector<1x1x16xf32>,
        %get3A_450 = vector.shape_cast %get3A_449 : vector<1x1x16xf32> to vector<16xf32>
        %get3A_451 = arith.index_cast %rem3A_320 : i32 to index
        %get3A_452 = arith.index_cast %add3A_445 : i32 to index
        %get3A_453 = arith.constant 0 : index
        %get3A_454 = tpu.vector_load %arg14[%get3A_451, %get3A_452, %get3A_453] {strides = array<i32>} : memref<2x80x32xf32, #tpu.memory_space<vmem>>, vector<1x1x16xf32>,
        %get3A_455 = vector.shape_cast %get3A_454 : vector<1x1x16xf32> to vector<16xf32>
        %add3A_456 = arith.addf %get3A_450, %get3A_455 : vector<16xf32>
        %swap3A_457 = arith.index_cast %rem3A_320 : i32 to index
        %swap3A_458 = arith.index_cast %add3A_445 : i32 to index
        %swap3A_459 = arith.constant 0 : index
        %swap3A_460 = tpu.vector_load %arg13[%swap3A_457, %swap3A_458, %swap3A_459] {strides = array<i32>} : memref<2x80x32xf32, #tpu.memory_space<vmem>>, vector<1x1x16xf32>,
        %swap3A_461 = vector.shape_cast %swap3A_460 : vector<1x1x16xf32> to vector<16xf32>
        %swap3A_462 = vector.shape_cast %add3A_456 : vector<16xf32> to vector<1x1x16xf32>
        tpu.vector_store %arg13[%swap3A_457, %swap3A_458, %swap3A_459], %swap3A_462 {strides = array<i32>} : memref<2x80x32xf32, #tpu.memory_space<vmem>>, vector<1x1x16xf32>,
        %get3A_463 = arith.index_cast %rem3A_320 : i32 to index
        %get3A_464 = arith.index_cast %add3A_445 : i32 to index
        %get3A_465 = arith.constant 16 : index
        %get3A_466 = tpu.vector_load %arg13[%get3A_463, %get3A_464, %get3A_465] {strides = array<i32>} : memref<2x80x32xf32, #tpu.memory_space<vmem>>, vector<1x1x16xf32>,
        %get3A_467 = vector.shape_cast %get3A_466 : vector<1x1x16xf32> to vector<16xf32>
        %get3A_468 = arith.index_cast %rem3A_320 : i32 to index
        %get3A_469 = arith.index_cast %add3A_445 : i32 to index
        %get3A_470 = arith.constant 16 : index
        %get3A_471 = tpu.vector_load %arg14[%get3A_468, %get3A_469, %get3A_470] {strides = array<i32>} : memref<2x80x32xf32, #tpu.memory_space<vmem>>, vector<1x1x16xf32>,
        %get3A_472 = vector.shape_cast %get3A_471 : vector<1x1x16xf32> to vector<16xf32>
        %add3A_473 = arith.addf %get3A_467, %get3A_472 : vector<16xf32>
        %swap3A_474 = arith.index_cast %rem3A_320 : i32 to index
        %swap3A_475 = arith.index_cast %add3A_445 : i32 to index
        %swap3A_476 = arith.constant 16 : index
        %swap3A_477 = tpu.vector_load %arg13[%swap3A_474, %swap3A_475, %swap3A_476] {strides = array<i32>} : memref<2x80x32xf32, #tpu.memory_space<vmem>>, vector<1x1x16xf32>,
        %swap3A_478 = vector.shape_cast %swap3A_477 : vector<1x1x16xf32> to vector<16xf32>
        %swap3A_479 = vector.shape_cast %add3A_473 : vector<16xf32> to vector<1x1x16xf32>
        tpu.vector_store %arg13[%swap3A_474, %swap3A_475, %swap3A_476], %swap3A_479 {strides = array<i32>} : memref<2x80x32xf32, #tpu.memory_space<vmem>>, vector<1x1x16xf32>,
        %mul3A_480 = arith.constant 4 : i32
        %mul3A_481 = arith.muli %scan3A_403, %mul3A_480 : i32
        %add3A_482 = arith.constant 2 : i32
        %add3A_483 = arith.addi %mul3A_481, %add3A_482 : i32
        %get3A_484 = arith.index_cast %rem3A_320 : i32 to index
        %get3A_485 = arith.index_cast %add3A_483 : i32 to index
        %get3A_486 = arith.constant 0 : index
        %get3A_487 = tpu.vector_load %arg13[%get3A_484, %get3A_485, %get3A_486] {strides = array<i32>} : memref<2x80x32xf32, #tpu.memory_space<vmem>>, vector<1x1x16xf32>,
        %get3A_488 = vector.shape_cast %get3A_487 : vector<1x1x16xf32> to vector<16xf32>
        %get3A_489 = arith.index_cast %rem3A_320 : i32 to index
        %get3A_490 = arith.index_cast %add3A_483 : i32 to index
        %get3A_491 = arith.constant 0 : index
        %get3A_492 = tpu.vector_load %arg14[%get3A_489, %get3A_490, %get3A_491] {strides = array<i32>} : memref<2x80x32xf32, #tpu.memory_space<vmem>>, vector<1x1x16xf32>,
        %get3A_493 = vector.shape_cast %get3A_492 : vector<1x1x16xf32> to vector<16xf32>
        %add3A_494 = arith.addf %get3A_488, %get3A_493 : vector<16xf32>
        %swap3A_495 = arith.index_cast %rem3A_320 : i32 to index
        %swap3A_496 = arith.index_cast %add3A_483 : i32 to index
        %swap3A_497 = arith.constant 0 : index
        %swap3A_498 = tpu.vector_load %arg13[%swap3A_495, %swap3A_496, %swap3A_497] {strides = array<i32>} : memref<2x80x32xf32, #tpu.memory_space<vmem>>, vector<1x1x16xf32>,
        %swap3A_499 = vector.shape_cast %swap3A_498 : vector<1x1x16xf32> to vector<16xf32>
        %swap3A_500 = vector.shape_cast %add3A_494 : vector<16xf32> to vector<1x1x16xf32>
        tpu.vector_store %arg13[%swap3A_495, %swap3A_496, %swap3A_497], %swap3A_500 {strides = array<i32>} : memref<2x80x32xf32, #tpu.memory_space<vmem>>, vector<1x1x16xf32>,
        %get3A_501 = arith.index_cast %rem3A_320 : i32 to index
        %get3A_502 = arith.index_cast %add3A_483 : i32 to index
        %get3A_503 = arith.constant 16 : index
        %get3A_504 = tpu.vector_load %arg13[%get3A_501, %get3A_502, %get3A_503] {strides = array<i32>} : memref<2x80x32xf32, #tpu.memory_space<vmem>>, vector<1x1x16xf32>,
        %get3A_505 = vector.shape_cast %get3A_504 : vector<1x1x16xf32> to vector<16xf32>
        %get3A_506 = arith.index_cast %rem3A_320 : i32 to index
        %get3A_507 = arith.index_cast %add3A_483 : i32 to index
        %get3A_508 = arith.constant 16 : index
        %get3A_509 = tpu.vector_load %arg14[%get3A_506, %get3A_507, %get3A_508] {strides = array<i32>} : memref<2x80x32xf32, #tpu.memory_space<vmem>>, vector<1x1x16xf32>,
        %get3A_510 = vector.shape_cast %get3A_509 : vector<1x1x16xf32> to vector<16xf32>
        %add3A_511 = arith.addf %get3A_505, %get3A_510 : vector<16xf32>
        %swap3A_512 = arith.index_cast %rem3A_320 : i32 to index
        %swap3A_513 = arith.index_cast %add3A_483 : i32 to index
        %swap3A_514 = arith.constant 16 : index
        %swap3A_515 = tpu.vector_load %arg13[%swap3A_512, %swap3A_513, %swap3A_514] {strides = array<i32>} : memref<2x80x32xf32, #tpu.memory_space<vmem>>, vector<1x1x16xf32>,
        %swap3A_516 = vector.shape_cast %swap3A_515 : vector<1x1x16xf32> to vector<16xf32>
        %swap3A_517 = vector.shape_cast %add3A_511 : vector<16xf32> to vector<1x1x16xf32>
        tpu.vector_store %arg13[%swap3A_512, %swap3A_513, %swap3A_514], %swap3A_517 {strides = array<i32>} : memref<2x80x32xf32, #tpu.memory_space<vmem>>, vector<1x1x16xf32>,
        %mul3A_518 = arith.constant 4 : i32
        %mul3A_519 = arith.muli %scan3A_403, %mul3A_518 : i32
        %add3A_520 = arith.constant 3 : i32
        %add3A_521 = arith.addi %mul3A_519, %add3A_520 : i32
        %get3A_522 = arith.index_cast %rem3A_320 : i32 to index
        %get3A_523 = arith.index_cast %add3A_521 : i32 to index
        %get3A_524 = arith.constant 0 : index
        %get3A_525 = tpu.vector_load %arg13[%get3A_522, %get3A_523, %get3A_524] {strides = array<i32>} : memref<2x80x32xf32, #tpu.memory_space<vmem>>, vector<1x1x16xf32>,
        %get3A_526 = vector.shape_cast %get3A_525 : vector<1x1x16xf32> to vector<16xf32>
        %get3A_527 = arith.index_cast %rem3A_320 : i32 to index
        %get3A_528 = arith.index_cast %add3A_521 : i32 to index
        %get3A_529 = arith.constant 0 : index
        %get3A_530 = tpu.vector_load %arg14[%get3A_527, %get3A_528, %get3A_529] {strides = array<i32>} : memref<2x80x32xf32, #tpu.memory_space<vmem>>, vector<1x1x16xf32>,
        %get3A_531 = vector.shape_cast %get3A_530 : vector<1x1x16xf32> to vector<16xf32>
        %add3A_532 = arith.addf %get3A_526, %get3A_531 : vector<16xf32>
        %swap3A_533 = arith.index_cast %rem3A_320 : i32 to index
        %swap3A_534 = arith.index_cast %add3A_521 : i32 to index
        %swap3A_535 = arith.constant 0 : index
        %swap3A_536 = tpu.vector_load %arg13[%swap3A_533, %swap3A_534, %swap3A_535] {strides = array<i32>} : memref<2x80x32xf32, #tpu.memory_space<vmem>>, vector<1x1x16xf32>,
        %swap3A_537 = vector.shape_cast %swap3A_536 : vector<1x1x16xf32> to vector<16xf32>
        %swap3A_538 = vector.shape_cast %add3A_532 : vector<16xf32> to vector<1x1x16xf32>
        tpu.vector_store %arg13[%swap3A_533, %swap3A_534, %swap3A_535], %swap3A_538 {strides = array<i32>} : memref<2x80x32xf32, #tpu.memory_space<vmem>>, vector<1x1x16xf32>,
        %get3A_539 = arith.index_cast %rem3A_320 : i32 to index
        %get3A_540 = arith.index_cast %add3A_521 : i32 to index
        %get3A_541 = arith.constant 16 : index
        %get3A_542 = tpu.vector_load %arg13[%get3A_539, %get3A_540, %get3A_541] {strides = array<i32>} : memref<2x80x32xf32, #tpu.memory_space<vmem>>, vector<1x1x16xf32>,
        %get3A_543 = vector.shape_cast %get3A_542 : vector<1x1x16xf32> to vector<16xf32>
        %get3A_544 = arith.index_cast %rem3A_320 : i32 to index
        %get3A_545 = arith.index_cast %add3A_521 : i32 to index
        %get3A_546 = arith.constant 16 : index
        %get3A_547 = tpu.vector_load %arg14[%get3A_544, %get3A_545, %get3A_546] {strides = array<i32>} : memref<2x80x32xf32, #tpu.memory_space<vmem>>, vector<1x1x16xf32>,
        %get3A_548 = vector.shape_cast %get3A_547 : vector<1x1x16xf32> to vector<16xf32>
        %add3A_549 = arith.addf %get3A_543, %get3A_548 : vector<16xf32>
        %swap3A_550 = arith.index_cast %rem3A_320 : i32 to index
        %swap3A_551 = arith.index_cast %add3A_521 : i32 to index
        %swap3A_552 = arith.constant 16 : index
        %swap3A_553 = tpu.vector_load %arg13[%swap3A_550, %swap3A_551, %swap3A_552] {strides = array<i32>} : memref<2x80x32xf32, #tpu.memory_space<vmem>>, vector<1x1x16xf32>,
        %swap3A_554 = vector.shape_cast %swap3A_553 : vector<1x1x16xf32> to vector<16xf32>
        %swap3A_555 = vector.shape_cast %add3A_549 : vector<16xf32> to vector<1x1x16xf32>
        tpu.vector_store %arg13[%swap3A_550, %swap3A_551, %swap3A_552], %swap3A_555 {strides = array<i32>} : memref<2x80x32xf32, #tpu.memory_space<vmem>>, vector<1x1x16xf32>,
      }
      %scan3A_375 = arith.constant 20 : i32
      %mul3A_376 = arith.constant 80 : i32
      %mul3A_377 = arith.muli %scan3A_319, %mul3A_376 : i32
      %add3A_378 = arith.addi %mul3A_2, %mul3A_377 : i32
      %dma_start3A_379 = arith.constant 0 : i32
      %dma_start3A_380 = arith.constant 0 : i32
      %dma_start3A_381 = tpu.memref_slice %arg13[%rem3A_320, %dma_start3A_379, %dma_start3A_380] : memref<2x80x32xf32, #tpu.memory_space<vmem>> -> memref<1x80x32xf32, #tpu.memory_space<vmem>>
      %dma_start3A_382 = tpu.memref_squeeze %dma_start3A_381 : memref<1x80x32xf32, #tpu.memory_space<vmem>> -> memref<80x32xf32, #tpu.memory_space<vmem>>
      %dma_start3A_383 = arith.constant 0 : i32
      %dma_start3A_384 = tpu.memref_slice %arg8[%add3A_378, %dma_start3A_383] : memref<1600000x32xf32, #tpu.memory_space<hbm>> -> memref<80x32xf32, #tpu.memory_space<hbm>>
      %dma_start3A_385 = arith.constant 0 : i32
      %dma_start3A_386 = tpu.memref_slice %arg8[%add3A_378, %dma_start3A_385] : memref<1600000x32xf32, #tpu.memory_space<hbm>> -> memref<80x32xf32, #tpu.memory_space<hbm>>
      %dma_start3A_387 = arith.constant 0 : i32
      %dma_start3A_388 = arith.constant 0 : i32
      %dma_start3A_389 = tpu.memref_slice %arg13[%rem3A_320, %dma_start3A_387, %dma_start3A_388] : memref<2x80x32xf32, #tpu.memory_space<vmem>> -> memref<1x80x32xf32, #tpu.memory_space<vmem>>
      %dma_start3A_390 = tpu.memref_squeeze %dma_start3A_389 : memref<1x80x32xf32, #tpu.memory_space<vmem>> -> memref<80x32xf32, #tpu.memory_space<vmem>>
      tpu.enqueue_dma source(%dma_start3A_390 : memref<80x32xf32, #tpu.memory_space<vmem>>) target(%dma_start3A_386 : memref<80x32xf32, #tpu.memory_space<hbm>>) target_semaphore(%arg18 : memref<!tpu.dma_semaphore, #tpu.memory_space<semaphore_mem>>)
      %dma_start3A_391 = arith.constant 0 : i32
      %dma_start3A_392 = arith.constant 0 : i32
      %dma_start3A_393 = tpu.memref_slice %arg15[%rem3A_320, %dma_start3A_391, %dma_start3A_392] : memref<2x80x32xf32, #tpu.memory_space<vmem>> -> memref<1x80x32xf32, #tpu.memory_space<vmem>>
      %dma_start3A_394 = tpu.memref_squeeze %dma_start3A_393 : memref<1x80x32xf32, #tpu.memory_space<vmem>> -> memref<80x32xf32, #tpu.memory_space<vmem>>
      %dma_start3A_395 = arith.constant 0 : i32
      %dma_start3A_396 = tpu.memref_slice %arg9[%add3A_378, %dma_start3A_395] : memref<1600000x32xf32, #tpu.memory_space<hbm>> -> memref<80x32xf32, #tpu.memory_space<hbm>>
      %dma_start3A_397 = arith.constant 0 : i32
      %dma_start3A_398 = tpu.memref_slice %arg9[%add3A_378, %dma_start3A_397] : memref<1600000x32xf32, #tpu.memory_space<hbm>> -> memref<80x32xf32, #tpu.memory_space<hbm>>
      %dma_start3A_399 = arith.constant 0 : i32
      %dma_start3A_400 = arith.constant 0 : i32
      %dma_start3A_401 = tpu.memref_slice %arg15[%rem3A_320, %dma_start3A_399, %dma_start3A_400] : memref<2x80x32xf32, #tpu.memory_space<vmem>> -> memref<1x80x32xf32, #tpu.memory_space<vmem>>
      %dma_start3A_402 = tpu.memref_squeeze %dma_start3A_401 : memref<1x80x32xf32, #tpu.memory_space<vmem>> -> memref<80x32xf32, #tpu.memory_space<vmem>>
      tpu.enqueue_dma source(%dma_start3A_402 : memref<80x32xf32, #tpu.memory_space<vmem>>) target(%dma_start3A_398 : memref<80x32xf32, #tpu.memory_space<hbm>>) target_semaphore(%arg18 : memref<!tpu.dma_semaphore, #tpu.memory_space<semaphore_mem>>)
    }
    %scan3A_290 = arith.constant 625 : i32
    %add3A_291 = arith.constant 49920 : i32
    %add3A_292 = arith.addi %mul3A_2, %add3A_291 : i32
    %dma_wait3A_293 = arith.constant 0 : i32
    %dma_wait3A_294 = arith.constant 0 : i32
    %dma_wait3A_295 = arith.constant 0 : i32
    %dma_wait3A_296 = tpu.memref_slice %arg13[%dma_wait3A_293, %dma_wait3A_294, %dma_wait3A_295] : memref<2x80x32xf32, #tpu.memory_space<vmem>> -> memref<1x80x32xf32, #tpu.memory_space<vmem>>
    %dma_wait3A_297 = tpu.memref_squeeze %dma_wait3A_296 : memref<1x80x32xf32, #tpu.memory_space<vmem>> -> memref<80x32xf32, #tpu.memory_space<vmem>>
    %dma_wait3A_298 = arith.constant 0 : i32
    %dma_wait3A_299 = tpu.memref_slice %arg8[%add3A_292, %dma_wait3A_298] : memref<1600000x32xf32, #tpu.memory_space<hbm>> -> memref<80x32xf32, #tpu.memory_space<hbm>>
    %dma_wait3A_300 = arith.constant 0 : i32
    %dma_wait3A_301 = tpu.memref_slice %arg8[%add3A_292, %dma_wait3A_300] : memref<1600000x32xf32, #tpu.memory_space<hbm>> -> memref<80x32xf32, #tpu.memory_space<hbm>>
    %dma_wait3A_302 = arith.constant 0 : i32
    %dma_wait3A_303 = arith.constant 0 : i32
    %dma_wait3A_304 = tpu.memref_slice %arg13[%dma_wait3A_293, %dma_wait3A_302, %dma_wait3A_303] : memref<2x80x32xf32, #tpu.memory_space<vmem>> -> memref<1x80x32xf32, #tpu.memory_space<vmem>>
    %dma_wait3A_305 = tpu.memref_squeeze %dma_wait3A_304 : memref<1x80x32xf32, #tpu.memory_space<vmem>> -> memref<80x32xf32, #tpu.memory_space<vmem>>
    tpu.wait_dma2 semaphore(%arg18 : memref<!tpu.dma_semaphore, #tpu.memory_space<semaphore_mem>>) src(%dma_wait3A_305 : memref<80x32xf32, #tpu.memory_space<vmem>>) dst(%dma_wait3A_301 : memref<80x32xf32, #tpu.memory_space<hbm>>)
    %dma_wait3A_306 = arith.constant 0 : i32
    %dma_wait3A_307 = arith.constant 0 : i32
    %dma_wait3A_308 = arith.constant 0 : i32
    %dma_wait3A_309 = tpu.memref_slice %arg15[%dma_wait3A_306, %dma_wait3A_307, %dma_wait3A_308] : memref<2x80x32xf32, #tpu.memory_space<vmem>> -> memref<1x80x32xf32, #tpu.memory_space<vmem>>
    %dma_wait3A_310 = tpu.memref_squeeze %dma_wait3A_309 : memref<1x80x32xf32, #tpu.memory_space<vmem>> -> memref<80x32xf32, #tpu.memory_space<vmem>>
    %dma_wait3A_311 = arith.constant 0 : i32
    %dma_wait3A_312 = tpu.memref_slice %arg9[%add3A_292, %dma_wait3A_311] : memref<1600000x32xf32, #tpu.memory_space<hbm>> -> memref<80x32xf32, #tpu.memory_space<hbm>>
    %dma_wait3A_313 = arith.constant 0 : i32
    %dma_wait3A_314 = tpu.memref_slice %arg9[%add3A_292, %dma_wait3A_313] : memref<1600000x32xf32, #tpu.memory_space<hbm>> -> memref<80x32xf32, #tpu.memory_space<hbm>>
    %dma_wait3A_315 = arith.constant 0 : i32
    %dma_wait3A_316 = arith.constant 0 : i32
    %dma_wait3A_317 = tpu.memref_slice %arg15[%dma_wait3A_306, %dma_wait3A_315, %dma_wait3A_316] : memref<2x80x32xf32, #tpu.memory_space<vmem>> -> memref<1x80x32xf32, #tpu.memory_space<vmem>>
    %dma_wait3A_318 = tpu.memref_squeeze %dma_wait3A_317 : memref<1x80x32xf32, #tpu.memory_space<vmem>> -> memref<80x32xf32, #tpu.memory_space<vmem>>
    tpu.wait_dma2 semaphore(%arg18 : memref<!tpu.dma_semaphore, #tpu.memory_space<semaphore_mem>>) src(%dma_wait3A_318 : memref<80x32xf32, #tpu.memory_space<vmem>>) dst(%dma_wait3A_314 : memref<80x32xf32, #tpu.memory_space<hbm>>)
    return
  }
}

#map = affine_map<(d0, d1) -> (0, 0)>
#map1 = affine_map<(d0, d1) -> (0)>
module attributes {stable_mosaic.version = 14 : i64} {
  func.func @scatter_kernel(%arg0: i32, %arg1: i32, %arg2: memref<1600000x32xf32, #tpu.memory_space<hbm>>, %arg3: memref<1600000xi32, #tpu.memory_space<hbm>>, %arg4: memref<100000x32xf32, #tpu.memory_space<hbm>>, %arg5: memref<2x80xi32, #tpu.memory_space<vmem>>, %arg6: memref<2x80xi32, #tpu.memory_space<vmem>>, %arg7: memref<2x80x32xf32, #tpu.memory_space<vmem>>, %arg8: memref<512x32xf32, #tpu.memory_space<vmem>>, %arg9: memref<50048x32xf32, #tpu.memory_space<vmem_shared>>, %arg10: memref<!tpu.dma_semaphore, #tpu.memory_space<semaphore_mem>>, %arg11: memref<!tpu.dma_semaphore, #tpu.memory_space<semaphore_mem>>, %arg12: memref<!tpu.dma_semaphore, #tpu.memory_space<semaphore_mem>>) attributes {dimension_semantics = [#tpu.dimension_semantics<core_parallel>, #tpu.dimension_semantics<subcore_parallel>], iteration_bounds = array<i64: 2, 16>, scalar_prefetch = 0 : i64, scratch_operands = 8 : i64, tpu.core_type = #tpu.core_type<sc_vector_subcore>, window_params = [{transform_indices = #map}, {transform_indices = #map1}, {transform_indices = #map}]} {
    %mul3A = arith.constant 50000 : i32
    %mul3A_0 = arith.muli %arg0, %mul3A : i32
    %broadcast_in_dim3A = arith.constant 0.000000e+00 : f32
    %broadcast_in_dim3A_1 = vector.broadcast %broadcast_in_dim3A : f32 to vector<16xf32>
    %scan3A = arith.constant 0 : i32
    %scan3A_2 = arith.constant 0 : i32
    %scan3A_3 = arith.constant 512 : i32
    %scan3A_4 = arith.addi %scan3A_2, %scan3A_3 : i32
    %scan3A_5 = arith.constant 1 : i32
    scf.for %scan3A_227 = %scan3A_2 to %scan3A_4 step %scan3A_5  : i32 {
      %swap3A_228 = arith.index_cast %scan3A_227 : i32 to index
      %swap3A_229 = arith.constant 0 : index
      %swap3A_230 = tpu.vector_load %arg8[%swap3A_228, %swap3A_229] {strides = array<i32>} : memref<512x32xf32, #tpu.memory_space<vmem>>, vector<1x16xf32>,
      %swap3A_231 = vector.shape_cast %swap3A_230 : vector<1x16xf32> to vector<16xf32>
      %swap3A_232 = vector.shape_cast %broadcast_in_dim3A_1 : vector<16xf32> to vector<1x16xf32>
      tpu.vector_store %arg8[%swap3A_228, %swap3A_229], %swap3A_232 {strides = array<i32>} : memref<512x32xf32, #tpu.memory_space<vmem>>, vector<1x16xf32>,
      %swap3A_233 = arith.index_cast %scan3A_227 : i32 to index
      %swap3A_234 = arith.constant 16 : index
      %swap3A_235 = tpu.vector_load %arg8[%swap3A_233, %swap3A_234] {strides = array<i32>} : memref<512x32xf32, #tpu.memory_space<vmem>>, vector<1x16xf32>,
      %swap3A_236 = vector.shape_cast %swap3A_235 : vector<1x16xf32> to vector<16xf32>
      %swap3A_237 = vector.shape_cast %broadcast_in_dim3A_1 : vector<16xf32> to vector<1x16xf32>
      tpu.vector_store %arg8[%swap3A_233, %swap3A_234], %swap3A_237 {strides = array<i32>} : memref<512x32xf32, #tpu.memory_space<vmem>>, vector<1x16xf32>,
    }
    %scan3A_6 = arith.constant 512 : i32
    %mul3A_7 = arith.constant 3128 : i32
    %mul3A_8 = arith.muli %arg1, %mul3A_7 : i32
    %add3A = arith.constant 0 : i32
    %add3A_9 = arith.addi %mul3A_8, %add3A : i32
    "tpu.region"() ({
      %run_scoped3A = tpu.sem_alloc : memref<!tpu.dma_semaphore, #tpu.memory_space<semaphore_mem>>
      %dma_start3A_227 = arith.constant 0 : i32
      %dma_start3A_228 = arith.constant 0 : i32
      %dma_start3A_229 = tpu.memref_slice %arg8[%dma_start3A_227, %dma_start3A_228] : memref<512x32xf32, #tpu.memory_space<vmem>> -> memref<512x32xf32, #tpu.memory_space<vmem>>
      %dma_start3A_230 = arith.constant 0 : i32
      %dma_start3A_231 = tpu.memref_slice %arg9[%add3A_9, %dma_start3A_230] : memref<50048x32xf32, #tpu.memory_space<vmem_shared>> -> memref<512x32xf32, #tpu.memory_space<vmem_shared>>
      %dma_start3A_232 = arith.constant 0 : i32
      %dma_start3A_233 = tpu.memref_slice %arg9[%add3A_9, %dma_start3A_232] : memref<50048x32xf32, #tpu.memory_space<vmem_shared>> -> memref<512x32xf32, #tpu.memory_space<vmem_shared>>
      %dma_start3A_234 = arith.constant 0 : i32
      %dma_start3A_235 = arith.constant 0 : i32
      %dma_start3A_236 = tpu.memref_slice %arg8[%dma_start3A_234, %dma_start3A_235] : memref<512x32xf32, #tpu.memory_space<vmem>> -> memref<512x32xf32, #tpu.memory_space<vmem>>
      tpu.enqueue_dma source(%dma_start3A_236 : memref<512x32xf32, #tpu.memory_space<vmem>>) target(%dma_start3A_233 : memref<512x32xf32, #tpu.memory_space<vmem_shared>>) target_semaphore(%run_scoped3A : memref<!tpu.dma_semaphore, #tpu.memory_space<semaphore_mem>>)
      %dma_wait3A_237 = arith.constant 0 : i32
      %dma_wait3A_238 = arith.constant 0 : i32
      %dma_wait3A_239 = tpu.memref_slice %arg8[%dma_wait3A_237, %dma_wait3A_238] : memref<512x32xf32, #tpu.memory_space<vmem>> -> memref<512x32xf32, #tpu.memory_space<vmem>>
      %dma_wait3A_240 = arith.constant 0 : i32
      %dma_wait3A_241 = tpu.memref_slice %arg9[%add3A_9, %dma_wait3A_240] : memref<50048x32xf32, #tpu.memory_space<vmem_shared>> -> memref<512x32xf32, #tpu.memory_space<vmem_shared>>
      %dma_wait3A_242 = arith.constant 0 : i32
      %dma_wait3A_243 = tpu.memref_slice %arg9[%add3A_9, %dma_wait3A_242] : memref<50048x32xf32, #tpu.memory_space<vmem_shared>> -> memref<512x32xf32, #tpu.memory_space<vmem_shared>>
      %dma_wait3A_244 = arith.constant 0 : i32
      %dma_wait3A_245 = arith.constant 0 : i32
      %dma_wait3A_246 = tpu.memref_slice %arg8[%dma_wait3A_244, %dma_wait3A_245] : memref<512x32xf32, #tpu.memory_space<vmem>> -> memref<512x32xf32, #tpu.memory_space<vmem>>
      tpu.wait_dma2 semaphore(%run_scoped3A : memref<!tpu.dma_semaphore, #tpu.memory_space<semaphore_mem>>) src(%dma_wait3A_246 : memref<512x32xf32, #tpu.memory_space<vmem>>) dst(%dma_wait3A_243 : memref<512x32xf32, #tpu.memory_space<vmem_shared>>)
      tpu.yield
    }) : () -> ()
    %add3A_10 = arith.constant 512 : i32
    %add3A_11 = arith.addi %mul3A_8, %add3A_10 : i32
    "tpu.region"() ({
      %run_scoped3A = tpu.sem_alloc : memref<!tpu.dma_semaphore, #tpu.memory_space<semaphore_mem>>
      %dma_start3A_227 = arith.constant 0 : i32
      %dma_start3A_228 = arith.constant 0 : i32
      %dma_start3A_229 = tpu.memref_slice %arg8[%dma_start3A_227, %dma_start3A_228] : memref<512x32xf32, #tpu.memory_space<vmem>> -> memref<512x32xf32, #tpu.memory_space<vmem>>
      %dma_start3A_230 = arith.constant 0 : i32
      %dma_start3A_231 = tpu.memref_slice %arg9[%add3A_11, %dma_start3A_230] : memref<50048x32xf32, #tpu.memory_space<vmem_shared>> -> memref<512x32xf32, #tpu.memory_space<vmem_shared>>
      %dma_start3A_232 = arith.constant 0 : i32
      %dma_start3A_233 = tpu.memref_slice %arg9[%add3A_11, %dma_start3A_232] : memref<50048x32xf32, #tpu.memory_space<vmem_shared>> -> memref<512x32xf32, #tpu.memory_space<vmem_shared>>
      %dma_start3A_234 = arith.constant 0 : i32
      %dma_start3A_235 = arith.constant 0 : i32
      %dma_start3A_236 = tpu.memref_slice %arg8[%dma_start3A_234, %dma_start3A_235] : memref<512x32xf32, #tpu.memory_space<vmem>> -> memref<512x32xf32, #tpu.memory_space<vmem>>
      tpu.enqueue_dma source(%dma_start3A_236 : memref<512x32xf32, #tpu.memory_space<vmem>>) target(%dma_start3A_233 : memref<512x32xf32, #tpu.memory_space<vmem_shared>>) target_semaphore(%run_scoped3A : memref<!tpu.dma_semaphore, #tpu.memory_space<semaphore_mem>>)
      %dma_wait3A_237 = arith.constant 0 : i32
      %dma_wait3A_238 = arith.constant 0 : i32
      %dma_wait3A_239 = tpu.memref_slice %arg8[%dma_wait3A_237, %dma_wait3A_238] : memref<512x32xf32, #tpu.memory_space<vmem>> -> memref<512x32xf32, #tpu.memory_space<vmem>>
      %dma_wait3A_240 = arith.constant 0 : i32
      %dma_wait3A_241 = tpu.memref_slice %arg9[%add3A_11, %dma_wait3A_240] : memref<50048x32xf32, #tpu.memory_space<vmem_shared>> -> memref<512x32xf32, #tpu.memory_space<vmem_shared>>
      %dma_wait3A_242 = arith.constant 0 : i32
      %dma_wait3A_243 = tpu.memref_slice %arg9[%add3A_11, %dma_wait3A_242] : memref<50048x32xf32, #tpu.memory_space<vmem_shared>> -> memref<512x32xf32, #tpu.memory_space<vmem_shared>>
      %dma_wait3A_244 = arith.constant 0 : i32
      %dma_wait3A_245 = arith.constant 0 : i32
      %dma_wait3A_246 = tpu.memref_slice %arg8[%dma_wait3A_244, %dma_wait3A_245] : memref<512x32xf32, #tpu.memory_space<vmem>> -> memref<512x32xf32, #tpu.memory_space<vmem>>
      tpu.wait_dma2 semaphore(%run_scoped3A : memref<!tpu.dma_semaphore, #tpu.memory_space<semaphore_mem>>) src(%dma_wait3A_246 : memref<512x32xf32, #tpu.memory_space<vmem>>) dst(%dma_wait3A_243 : memref<512x32xf32, #tpu.memory_space<vmem_shared>>)
      tpu.yield
    }) : () -> ()
    %add3A_12 = arith.constant 1024 : i32
    %add3A_13 = arith.addi %mul3A_8, %add3A_12 : i32
    "tpu.region"() ({
      %run_scoped3A = tpu.sem_alloc : memref<!tpu.dma_semaphore, #tpu.memory_space<semaphore_mem>>
      %dma_start3A_227 = arith.constant 0 : i32
      %dma_start3A_228 = arith.constant 0 : i32
      %dma_start3A_229 = tpu.memref_slice %arg8[%dma_start3A_227, %dma_start3A_228] : memref<512x32xf32, #tpu.memory_space<vmem>> -> memref<512x32xf32, #tpu.memory_space<vmem>>
      %dma_start3A_230 = arith.constant 0 : i32
      %dma_start3A_231 = tpu.memref_slice %arg9[%add3A_13, %dma_start3A_230] : memref<50048x32xf32, #tpu.memory_space<vmem_shared>> -> memref<512x32xf32, #tpu.memory_space<vmem_shared>>
      %dma_start3A_232 = arith.constant 0 : i32
      %dma_start3A_233 = tpu.memref_slice %arg9[%add3A_13, %dma_start3A_232] : memref<50048x32xf32, #tpu.memory_space<vmem_shared>> -> memref<512x32xf32, #tpu.memory_space<vmem_shared>>
      %dma_start3A_234 = arith.constant 0 : i32
      %dma_start3A_235 = arith.constant 0 : i32
      %dma_start3A_236 = tpu.memref_slice %arg8[%dma_start3A_234, %dma_start3A_235] : memref<512x32xf32, #tpu.memory_space<vmem>> -> memref<512x32xf32, #tpu.memory_space<vmem>>
      tpu.enqueue_dma source(%dma_start3A_236 : memref<512x32xf32, #tpu.memory_space<vmem>>) target(%dma_start3A_233 : memref<512x32xf32, #tpu.memory_space<vmem_shared>>) target_semaphore(%run_scoped3A : memref<!tpu.dma_semaphore, #tpu.memory_space<semaphore_mem>>)
      %dma_wait3A_237 = arith.constant 0 : i32
      %dma_wait3A_238 = arith.constant 0 : i32
      %dma_wait3A_239 = tpu.memref_slice %arg8[%dma_wait3A_237, %dma_wait3A_238] : memref<512x32xf32, #tpu.memory_space<vmem>> -> memref<512x32xf32, #tpu.memory_space<vmem>>
      %dma_wait3A_240 = arith.constant 0 : i32
      %dma_wait3A_241 = tpu.memref_slice %arg9[%add3A_13, %dma_wait3A_240] : memref<50048x32xf32, #tpu.memory_space<vmem_shared>> -> memref<512x32xf32, #tpu.memory_space<vmem_shared>>
      %dma_wait3A_242 = arith.constant 0 : i32
      %dma_wait3A_243 = tpu.memref_slice %arg9[%add3A_13, %dma_wait3A_242] : memref<50048x32xf32, #tpu.memory_space<vmem_shared>> -> memref<512x32xf32, #tpu.memory_space<vmem_shared>>
      %dma_wait3A_244 = arith.constant 0 : i32
      %dma_wait3A_245 = arith.constant 0 : i32
      %dma_wait3A_246 = tpu.memref_slice %arg8[%dma_wait3A_244, %dma_wait3A_245] : memref<512x32xf32, #tpu.memory_space<vmem>> -> memref<512x32xf32, #tpu.memory_space<vmem>>
      tpu.wait_dma2 semaphore(%run_scoped3A : memref<!tpu.dma_semaphore, #tpu.memory_space<semaphore_mem>>) src(%dma_wait3A_246 : memref<512x32xf32, #tpu.memory_space<vmem>>) dst(%dma_wait3A_243 : memref<512x32xf32, #tpu.memory_space<vmem_shared>>)
      tpu.yield
    }) : () -> ()
    %add3A_14 = arith.constant 1536 : i32
    %add3A_15 = arith.addi %mul3A_8, %add3A_14 : i32
    "tpu.region"() ({
      %run_scoped3A = tpu.sem_alloc : memref<!tpu.dma_semaphore, #tpu.memory_space<semaphore_mem>>
      %dma_start3A_227 = arith.constant 0 : i32
      %dma_start3A_228 = arith.constant 0 : i32
      %dma_start3A_229 = tpu.memref_slice %arg8[%dma_start3A_227, %dma_start3A_228] : memref<512x32xf32, #tpu.memory_space<vmem>> -> memref<512x32xf32, #tpu.memory_space<vmem>>
      %dma_start3A_230 = arith.constant 0 : i32
      %dma_start3A_231 = tpu.memref_slice %arg9[%add3A_15, %dma_start3A_230] : memref<50048x32xf32, #tpu.memory_space<vmem_shared>> -> memref<512x32xf32, #tpu.memory_space<vmem_shared>>
      %dma_start3A_232 = arith.constant 0 : i32
      %dma_start3A_233 = tpu.memref_slice %arg9[%add3A_15, %dma_start3A_232] : memref<50048x32xf32, #tpu.memory_space<vmem_shared>> -> memref<512x32xf32, #tpu.memory_space<vmem_shared>>
      %dma_start3A_234 = arith.constant 0 : i32
      %dma_start3A_235 = arith.constant 0 : i32
      %dma_start3A_236 = tpu.memref_slice %arg8[%dma_start3A_234, %dma_start3A_235] : memref<512x32xf32, #tpu.memory_space<vmem>> -> memref<512x32xf32, #tpu.memory_space<vmem>>
      tpu.enqueue_dma source(%dma_start3A_236 : memref<512x32xf32, #tpu.memory_space<vmem>>) target(%dma_start3A_233 : memref<512x32xf32, #tpu.memory_space<vmem_shared>>) target_semaphore(%run_scoped3A : memref<!tpu.dma_semaphore, #tpu.memory_space<semaphore_mem>>)
      %dma_wait3A_237 = arith.constant 0 : i32
      %dma_wait3A_238 = arith.constant 0 : i32
      %dma_wait3A_239 = tpu.memref_slice %arg8[%dma_wait3A_237, %dma_wait3A_238] : memref<512x32xf32, #tpu.memory_space<vmem>> -> memref<512x32xf32, #tpu.memory_space<vmem>>
      %dma_wait3A_240 = arith.constant 0 : i32
      %dma_wait3A_241 = tpu.memref_slice %arg9[%add3A_15, %dma_wait3A_240] : memref<50048x32xf32, #tpu.memory_space<vmem_shared>> -> memref<512x32xf32, #tpu.memory_space<vmem_shared>>
      %dma_wait3A_242 = arith.constant 0 : i32
      %dma_wait3A_243 = tpu.memref_slice %arg9[%add3A_15, %dma_wait3A_242] : memref<50048x32xf32, #tpu.memory_space<vmem_shared>> -> memref<512x32xf32, #tpu.memory_space<vmem_shared>>
      %dma_wait3A_244 = arith.constant 0 : i32
      %dma_wait3A_245 = arith.constant 0 : i32
      %dma_wait3A_246 = tpu.memref_slice %arg8[%dma_wait3A_244, %dma_wait3A_245] : memref<512x32xf32, #tpu.memory_space<vmem>> -> memref<512x32xf32, #tpu.memory_space<vmem>>
      tpu.wait_dma2 semaphore(%run_scoped3A : memref<!tpu.dma_semaphore, #tpu.memory_space<semaphore_mem>>) src(%dma_wait3A_246 : memref<512x32xf32, #tpu.memory_space<vmem>>) dst(%dma_wait3A_243 : memref<512x32xf32, #tpu.memory_space<vmem_shared>>)
      tpu.yield
    }) : () -> ()
    %add3A_16 = arith.constant 2048 : i32
    %add3A_17 = arith.addi %mul3A_8, %add3A_16 : i32
    "tpu.region"() ({
      %run_scoped3A = tpu.sem_alloc : memref<!tpu.dma_semaphore, #tpu.memory_space<semaphore_mem>>
      %dma_start3A_227 = arith.constant 0 : i32
      %dma_start3A_228 = arith.constant 0 : i32
      %dma_start3A_229 = tpu.memref_slice %arg8[%dma_start3A_227, %dma_start3A_228] : memref<512x32xf32, #tpu.memory_space<vmem>> -> memref<512x32xf32, #tpu.memory_space<vmem>>
      %dma_start3A_230 = arith.constant 0 : i32
      %dma_start3A_231 = tpu.memref_slice %arg9[%add3A_17, %dma_start3A_230] : memref<50048x32xf32, #tpu.memory_space<vmem_shared>> -> memref<512x32xf32, #tpu.memory_space<vmem_shared>>
      %dma_start3A_232 = arith.constant 0 : i32
      %dma_start3A_233 = tpu.memref_slice %arg9[%add3A_17, %dma_start3A_232] : memref<50048x32xf32, #tpu.memory_space<vmem_shared>> -> memref<512x32xf32, #tpu.memory_space<vmem_shared>>
      %dma_start3A_234 = arith.constant 0 : i32
      %dma_start3A_235 = arith.constant 0 : i32
      %dma_start3A_236 = tpu.memref_slice %arg8[%dma_start3A_234, %dma_start3A_235] : memref<512x32xf32, #tpu.memory_space<vmem>> -> memref<512x32xf32, #tpu.memory_space<vmem>>
      tpu.enqueue_dma source(%dma_start3A_236 : memref<512x32xf32, #tpu.memory_space<vmem>>) target(%dma_start3A_233 : memref<512x32xf32, #tpu.memory_space<vmem_shared>>) target_semaphore(%run_scoped3A : memref<!tpu.dma_semaphore, #tpu.memory_space<semaphore_mem>>)
      %dma_wait3A_237 = arith.constant 0 : i32
      %dma_wait3A_238 = arith.constant 0 : i32
      %dma_wait3A_239 = tpu.memref_slice %arg8[%dma_wait3A_237, %dma_wait3A_238] : memref<512x32xf32, #tpu.memory_space<vmem>> -> memref<512x32xf32, #tpu.memory_space<vmem>>
      %dma_wait3A_240 = arith.constant 0 : i32
      %dma_wait3A_241 = tpu.memref_slice %arg9[%add3A_17, %dma_wait3A_240] : memref<50048x32xf32, #tpu.memory_space<vmem_shared>> -> memref<512x32xf32, #tpu.memory_space<vmem_shared>>
      %dma_wait3A_242 = arith.constant 0 : i32
      %dma_wait3A_243 = tpu.memref_slice %arg9[%add3A_17, %dma_wait3A_242] : memref<50048x32xf32, #tpu.memory_space<vmem_shared>> -> memref<512x32xf32, #tpu.memory_space<vmem_shared>>
      %dma_wait3A_244 = arith.constant 0 : i32
      %dma_wait3A_245 = arith.constant 0 : i32
      %dma_wait3A_246 = tpu.memref_slice %arg8[%dma_wait3A_244, %dma_wait3A_245] : memref<512x32xf32, #tpu.memory_space<vmem>> -> memref<512x32xf32, #tpu.memory_space<vmem>>
      tpu.wait_dma2 semaphore(%run_scoped3A : memref<!tpu.dma_semaphore, #tpu.memory_space<semaphore_mem>>) src(%dma_wait3A_246 : memref<512x32xf32, #tpu.memory_space<vmem>>) dst(%dma_wait3A_243 : memref<512x32xf32, #tpu.memory_space<vmem_shared>>)
      tpu.yield
    }) : () -> ()
    %add3A_18 = arith.constant 2560 : i32
    %add3A_19 = arith.addi %mul3A_8, %add3A_18 : i32
    "tpu.region"() ({
      %run_scoped3A = tpu.sem_alloc : memref<!tpu.dma_semaphore, #tpu.memory_space<semaphore_mem>>
      %dma_start3A_227 = arith.constant 0 : i32
      %dma_start3A_228 = arith.constant 0 : i32
      %dma_start3A_229 = tpu.memref_slice %arg8[%dma_start3A_227, %dma_start3A_228] : memref<512x32xf32, #tpu.memory_space<vmem>> -> memref<512x32xf32, #tpu.memory_space<vmem>>
      %dma_start3A_230 = arith.constant 0 : i32
      %dma_start3A_231 = tpu.memref_slice %arg9[%add3A_19, %dma_start3A_230] : memref<50048x32xf32, #tpu.memory_space<vmem_shared>> -> memref<512x32xf32, #tpu.memory_space<vmem_shared>>
      %dma_start3A_232 = arith.constant 0 : i32
      %dma_start3A_233 = tpu.memref_slice %arg9[%add3A_19, %dma_start3A_232] : memref<50048x32xf32, #tpu.memory_space<vmem_shared>> -> memref<512x32xf32, #tpu.memory_space<vmem_shared>>
      %dma_start3A_234 = arith.constant 0 : i32
      %dma_start3A_235 = arith.constant 0 : i32
      %dma_start3A_236 = tpu.memref_slice %arg8[%dma_start3A_234, %dma_start3A_235] : memref<512x32xf32, #tpu.memory_space<vmem>> -> memref<512x32xf32, #tpu.memory_space<vmem>>
      tpu.enqueue_dma source(%dma_start3A_236 : memref<512x32xf32, #tpu.memory_space<vmem>>) target(%dma_start3A_233 : memref<512x32xf32, #tpu.memory_space<vmem_shared>>) target_semaphore(%run_scoped3A : memref<!tpu.dma_semaphore, #tpu.memory_space<semaphore_mem>>)
      %dma_wait3A_237 = arith.constant 0 : i32
      %dma_wait3A_238 = arith.constant 0 : i32
      %dma_wait3A_239 = tpu.memref_slice %arg8[%dma_wait3A_237, %dma_wait3A_238] : memref<512x32xf32, #tpu.memory_space<vmem>> -> memref<512x32xf32, #tpu.memory_space<vmem>>
      %dma_wait3A_240 = arith.constant 0 : i32
      %dma_wait3A_241 = tpu.memref_slice %arg9[%add3A_19, %dma_wait3A_240] : memref<50048x32xf32, #tpu.memory_space<vmem_shared>> -> memref<512x32xf32, #tpu.memory_space<vmem_shared>>
      %dma_wait3A_242 = arith.constant 0 : i32
      %dma_wait3A_243 = tpu.memref_slice %arg9[%add3A_19, %dma_wait3A_242] : memref<50048x32xf32, #tpu.memory_space<vmem_shared>> -> memref<512x32xf32, #tpu.memory_space<vmem_shared>>
      %dma_wait3A_244 = arith.constant 0 : i32
      %dma_wait3A_245 = arith.constant 0 : i32
      %dma_wait3A_246 = tpu.memref_slice %arg8[%dma_wait3A_244, %dma_wait3A_245] : memref<512x32xf32, #tpu.memory_space<vmem>> -> memref<512x32xf32, #tpu.memory_space<vmem>>
      tpu.wait_dma2 semaphore(%run_scoped3A : memref<!tpu.dma_semaphore, #tpu.memory_space<semaphore_mem>>) src(%dma_wait3A_246 : memref<512x32xf32, #tpu.memory_space<vmem>>) dst(%dma_wait3A_243 : memref<512x32xf32, #tpu.memory_space<vmem_shared>>)
      tpu.yield
    }) : () -> ()
    %add3A_20 = arith.constant 3072 : i32
    %add3A_21 = arith.addi %mul3A_8, %add3A_20 : i32
    "tpu.region"() ({
      %run_scoped3A = tpu.sem_alloc : memref<!tpu.dma_semaphore, #tpu.memory_space<semaphore_mem>>
      %dma_start3A_227 = arith.constant 0 : i32
      %dma_start3A_228 = arith.constant 0 : i32
      %dma_start3A_229 = tpu.memref_slice %arg8[%dma_start3A_227, %dma_start3A_228] : memref<512x32xf32, #tpu.memory_space<vmem>> -> memref<56x32xf32, #tpu.memory_space<vmem>>
      %dma_start3A_230 = arith.constant 0 : i32
      %dma_start3A_231 = tpu.memref_slice %arg9[%add3A_21, %dma_start3A_230] : memref<50048x32xf32, #tpu.memory_space<vmem_shared>> -> memref<56x32xf32, #tpu.memory_space<vmem_shared>>
      %dma_start3A_232 = arith.constant 0 : i32
      %dma_start3A_233 = tpu.memref_slice %arg9[%add3A_21, %dma_start3A_232] : memref<50048x32xf32, #tpu.memory_space<vmem_shared>> -> memref<56x32xf32, #tpu.memory_space<vmem_shared>>
      %dma_start3A_234 = arith.constant 0 : i32
      %dma_start3A_235 = arith.constant 0 : i32
      %dma_start3A_236 = tpu.memref_slice %arg8[%dma_start3A_234, %dma_start3A_235] : memref<512x32xf32, #tpu.memory_space<vmem>> -> memref<56x32xf32, #tpu.memory_space<vmem>>
      tpu.enqueue_dma source(%dma_start3A_236 : memref<56x32xf32, #tpu.memory_space<vmem>>) target(%dma_start3A_233 : memref<56x32xf32, #tpu.memory_space<vmem_shared>>) target_semaphore(%run_scoped3A : memref<!tpu.dma_semaphore, #tpu.memory_space<semaphore_mem>>)
      %dma_wait3A_237 = arith.constant 0 : i32
      %dma_wait3A_238 = arith.constant 0 : i32
      %dma_wait3A_239 = tpu.memref_slice %arg8[%dma_wait3A_237, %dma_wait3A_238] : memref<512x32xf32, #tpu.memory_space<vmem>> -> memref<56x32xf32, #tpu.memory_space<vmem>>
      %dma_wait3A_240 = arith.constant 0 : i32
      %dma_wait3A_241 = tpu.memref_slice %arg9[%add3A_21, %dma_wait3A_240] : memref<50048x32xf32, #tpu.memory_space<vmem_shared>> -> memref<56x32xf32, #tpu.memory_space<vmem_shared>>
      %dma_wait3A_242 = arith.constant 0 : i32
      %dma_wait3A_243 = tpu.memref_slice %arg9[%add3A_21, %dma_wait3A_242] : memref<50048x32xf32, #tpu.memory_space<vmem_shared>> -> memref<56x32xf32, #tpu.memory_space<vmem_shared>>
      %dma_wait3A_244 = arith.constant 0 : i32
      %dma_wait3A_245 = arith.constant 0 : i32
      %dma_wait3A_246 = tpu.memref_slice %arg8[%dma_wait3A_244, %dma_wait3A_245] : memref<512x32xf32, #tpu.memory_space<vmem>> -> memref<56x32xf32, #tpu.memory_space<vmem>>
      tpu.wait_dma2 semaphore(%run_scoped3A : memref<!tpu.dma_semaphore, #tpu.memory_space<semaphore_mem>>) src(%dma_wait3A_246 : memref<56x32xf32, #tpu.memory_space<vmem>>) dst(%dma_wait3A_243 : memref<56x32xf32, #tpu.memory_space<vmem_shared>>)
      tpu.yield
    }) : () -> ()
    %barrier3A = arith.constant 0 : index
    tpu.barrier barrier_id(%barrier3A)
    %mul3A_22 = arith.constant 100000 : i32
    %mul3A_23 = arith.muli %arg1, %mul3A_22 : i32
    %add3A_24 = arith.constant 0 : i32
    %add3A_25 = arith.addi %mul3A_23, %add3A_24 : i32
    %add3A_26 = arith.constant 0 : i32
    %add3A_27 = arith.addi %add3A_26, %add3A_25 : i32
    %dma_start3A = arith.constant 0 : i32
    %dma_start3A_28 = arith.constant 0 : i32
    %dma_start3A_29 = tpu.memref_slice %arg5[%dma_start3A, %dma_start3A_28] : memref<2x80xi32, #tpu.memory_space<vmem>> -> memref<1x80xi32, #tpu.memory_space<vmem>>
    %dma_start3A_30 = tpu.memref_squeeze %dma_start3A_29 : memref<1x80xi32, #tpu.memory_space<vmem>> -> memref<80xi32, #tpu.memory_space<vmem>>
    %dma_start3A_31 = tpu.memref_slice %arg3[%add3A_27] : memref<1600000xi32, #tpu.memory_space<hbm>> -> memref<80xi32, #tpu.memory_space<hbm>>
    %dma_start3A_32 = arith.constant 0 : i32
    %dma_start3A_33 = tpu.memref_slice %arg5[%dma_start3A, %dma_start3A_32] : memref<2x80xi32, #tpu.memory_space<vmem>> -> memref<1x80xi32, #tpu.memory_space<vmem>>
    %dma_start3A_34 = tpu.memref_squeeze %dma_start3A_33 : memref<1x80xi32, #tpu.memory_space<vmem>> -> memref<80xi32, #tpu.memory_space<vmem>>
    %dma_start3A_35 = tpu.memref_slice %arg3[%add3A_27] : memref<1600000xi32, #tpu.memory_space<hbm>> -> memref<80xi32, #tpu.memory_space<hbm>>
    tpu.enqueue_dma source(%dma_start3A_35 : memref<80xi32, #tpu.memory_space<hbm>>) target(%dma_start3A_34 : memref<80xi32, #tpu.memory_space<vmem>>) target_semaphore(%arg12 : memref<!tpu.dma_semaphore, #tpu.memory_space<semaphore_mem>>)
    %add3A_36 = arith.constant 80 : i32
    %add3A_37 = arith.addi %mul3A_23, %add3A_36 : i32
    %add3A_38 = arith.constant 0 : i32
    %add3A_39 = arith.addi %add3A_38, %add3A_37 : i32
    %dma_start3A_40 = arith.constant 1 : i32
    %dma_start3A_41 = arith.constant 0 : i32
    %dma_start3A_42 = tpu.memref_slice %arg5[%dma_start3A_40, %dma_start3A_41] : memref<2x80xi32, #tpu.memory_space<vmem>> -> memref<1x80xi32, #tpu.memory_space<vmem>>
    %dma_start3A_43 = tpu.memref_squeeze %dma_start3A_42 : memref<1x80xi32, #tpu.memory_space<vmem>> -> memref<80xi32, #tpu.memory_space<vmem>>
    %dma_start3A_44 = tpu.memref_slice %arg3[%add3A_39] : memref<1600000xi32, #tpu.memory_space<hbm>> -> memref<80xi32, #tpu.memory_space<hbm>>
    %dma_start3A_45 = arith.constant 0 : i32
    %dma_start3A_46 = tpu.memref_slice %arg5[%dma_start3A_40, %dma_start3A_45] : memref<2x80xi32, #tpu.memory_space<vmem>> -> memref<1x80xi32, #tpu.memory_space<vmem>>
    %dma_start3A_47 = tpu.memref_squeeze %dma_start3A_46 : memref<1x80xi32, #tpu.memory_space<vmem>> -> memref<80xi32, #tpu.memory_space<vmem>>
    %dma_start3A_48 = tpu.memref_slice %arg3[%add3A_39] : memref<1600000xi32, #tpu.memory_space<hbm>> -> memref<80xi32, #tpu.memory_space<hbm>>
    tpu.enqueue_dma source(%dma_start3A_48 : memref<80xi32, #tpu.memory_space<hbm>>) target(%dma_start3A_47 : memref<80xi32, #tpu.memory_space<vmem>>) target_semaphore(%arg12 : memref<!tpu.dma_semaphore, #tpu.memory_space<semaphore_mem>>)
    %add3A_49 = arith.constant 0 : i32
    %add3A_50 = arith.addi %mul3A_23, %add3A_49 : i32
    %add3A_51 = arith.constant 0 : i32
    %add3A_52 = arith.addi %add3A_51, %add3A_50 : i32
    %dma_wait3A = arith.constant 0 : i32
    %dma_wait3A_53 = arith.constant 0 : i32
    %dma_wait3A_54 = tpu.memref_slice %arg5[%dma_wait3A, %dma_wait3A_53] : memref<2x80xi32, #tpu.memory_space<vmem>> -> memref<1x80xi32, #tpu.memory_space<vmem>>
    %dma_wait3A_55 = tpu.memref_squeeze %dma_wait3A_54 : memref<1x80xi32, #tpu.memory_space<vmem>> -> memref<80xi32, #tpu.memory_space<vmem>>
    %dma_wait3A_56 = tpu.memref_slice %arg3[%add3A_52] : memref<1600000xi32, #tpu.memory_space<hbm>> -> memref<80xi32, #tpu.memory_space<hbm>>
    %dma_wait3A_57 = arith.constant 0 : i32
    %dma_wait3A_58 = tpu.memref_slice %arg5[%dma_wait3A, %dma_wait3A_57] : memref<2x80xi32, #tpu.memory_space<vmem>> -> memref<1x80xi32, #tpu.memory_space<vmem>>
    %dma_wait3A_59 = tpu.memref_squeeze %dma_wait3A_58 : memref<1x80xi32, #tpu.memory_space<vmem>> -> memref<80xi32, #tpu.memory_space<vmem>>
    %dma_wait3A_60 = tpu.memref_slice %arg3[%add3A_52] : memref<1600000xi32, #tpu.memory_space<hbm>> -> memref<80xi32, #tpu.memory_space<hbm>>
    tpu.wait_dma2 semaphore(%arg12 : memref<!tpu.dma_semaphore, #tpu.memory_space<semaphore_mem>>) src(%dma_wait3A_60 : memref<80xi32, #tpu.memory_space<hbm>>) dst(%dma_wait3A_59 : memref<80xi32, #tpu.memory_space<vmem>>)
    %dma_start3A_61 = arith.constant 0 : i32
    %dma_start3A_62 = arith.constant 0 : i32
    %dma_start3A_63 = arith.constant 0 : i32
    %dma_start3A_64 = tpu.memref_slice %arg7[%dma_start3A_61, %dma_start3A_62, %dma_start3A_63] : memref<2x80x32xf32, #tpu.memory_space<vmem>> -> memref<1x80x32xf32, #tpu.memory_space<vmem>>
    %dma_start3A_65 = tpu.memref_squeeze %dma_start3A_64 : memref<1x80x32xf32, #tpu.memory_space<vmem>> -> memref<80x32xf32, #tpu.memory_space<vmem>>
    %dma_start3A_66 = arith.constant 0 : i32
    %dma_start3A_67 = tpu.memref_slice %arg2[%add3A_50, %dma_start3A_66] : memref<1600000x32xf32, #tpu.memory_space<hbm>> -> memref<80x32xf32, #tpu.memory_space<hbm>>
    %dma_start3A_68 = arith.constant 0 : i32
    %dma_start3A_69 = arith.constant 0 : i32
    %dma_start3A_70 = tpu.memref_slice %arg7[%dma_start3A_61, %dma_start3A_68, %dma_start3A_69] : memref<2x80x32xf32, #tpu.memory_space<vmem>> -> memref<1x80x32xf32, #tpu.memory_space<vmem>>
    %dma_start3A_71 = tpu.memref_squeeze %dma_start3A_70 : memref<1x80x32xf32, #tpu.memory_space<vmem>> -> memref<80x32xf32, #tpu.memory_space<vmem>>
    %dma_start3A_72 = arith.constant 0 : i32
    %dma_start3A_73 = tpu.memref_slice %arg2[%add3A_50, %dma_start3A_72] : memref<1600000x32xf32, #tpu.memory_space<hbm>> -> memref<80x32xf32, #tpu.memory_space<hbm>>
    tpu.enqueue_dma source(%dma_start3A_73 : memref<80x32xf32, #tpu.memory_space<hbm>>) target(%dma_start3A_71 : memref<80x32xf32, #tpu.memory_space<vmem>>) target_semaphore(%arg10 : memref<!tpu.dma_semaphore, #tpu.memory_space<semaphore_mem>>)
    %get3A = arith.constant 0 : i32
    %get3A_74 = arith.index_cast %get3A : i32 to index
    %get3A_75 = arith.constant 0 : index
    %get3A_76 = tpu.vector_load %arg5[%get3A_74, %get3A_75] {strides = array<i32>} : memref<2x80xi32, #tpu.memory_space<vmem>>, vector<1x16xi32>,
    %get3A_77 = vector.shape_cast %get3A_76 : vector<1x16xi32> to vector<16xi32>
    %sub3A = vector.broadcast %mul3A_0 : i32 to vector<16xi32>
    %sub3A_78 = arith.subi %get3A_77, %sub3A : vector<16xi32>
    %ge3A = arith.constant 0 : i32
    %ge3A_79 = vector.broadcast %ge3A : i32 to vector<16xi32>
    %ge3A_80 = arith.cmpi sge, %sub3A_78, %ge3A_79 : vector<16xi32>
    %lt3A = arith.constant 50000 : i32
    %lt3A_81 = vector.broadcast %lt3A : i32 to vector<16xi32>
    %lt3A_82 = arith.cmpi slt, %sub3A_78, %lt3A_81 : vector<16xi32>
    %and3A = arith.andi %ge3A_80, %lt3A_82 : vector<16xi1>
    %jit3A = arith.constant 50000 : i32
    %broadcast_in_dim3A_83 = vector.broadcast %jit3A : i32 to vector<16xi32>
    %select_n3A = arith.select %and3A, %sub3A_78, %broadcast_in_dim3A_83 : vector<16xi1>, vector<16xi32>
    %swap3A = arith.constant 0 : i32
    %swap3A_84 = arith.index_cast %swap3A : i32 to index
    %swap3A_85 = arith.constant 0 : index
    %swap3A_86 = tpu.vector_load %arg6[%swap3A_84, %swap3A_85] {strides = array<i32>} : memref<2x80xi32, #tpu.memory_space<vmem>>, vector<1x16xi32>,
    %swap3A_87 = vector.shape_cast %swap3A_86 : vector<1x16xi32> to vector<16xi32>
    %swap3A_88 = vector.shape_cast %select_n3A : vector<16xi32> to vector<1x16xi32>
    tpu.vector_store %arg6[%swap3A_84, %swap3A_85], %swap3A_88 {strides = array<i32>} : memref<2x80xi32, #tpu.memory_space<vmem>>, vector<1x16xi32>,
    %get3A_89 = arith.constant 0 : i32
    %get3A_90 = arith.index_cast %get3A_89 : i32 to index
    %get3A_91 = arith.constant 16 : index
    %get3A_92 = tpu.vector_load %arg5[%get3A_90, %get3A_91] {strides = array<i32>} : memref<2x80xi32, #tpu.memory_space<vmem>>, vector<1x16xi32>,
    %get3A_93 = vector.shape_cast %get3A_92 : vector<1x16xi32> to vector<16xi32>
    %sub3A_94 = vector.broadcast %mul3A_0 : i32 to vector<16xi32>
    %sub3A_95 = arith.subi %get3A_93, %sub3A_94 : vector<16xi32>
    %ge3A_96 = arith.constant 0 : i32
    %ge3A_97 = vector.broadcast %ge3A_96 : i32 to vector<16xi32>
    %ge3A_98 = arith.cmpi sge, %sub3A_95, %ge3A_97 : vector<16xi32>
    %lt3A_99 = arith.constant 50000 : i32
    %lt3A_100 = vector.broadcast %lt3A_99 : i32 to vector<16xi32>
    %lt3A_101 = arith.cmpi slt, %sub3A_95, %lt3A_100 : vector<16xi32>
    %and3A_102 = arith.andi %ge3A_98, %lt3A_101 : vector<16xi1>
    %jit3A_103 = arith.constant 50000 : i32
    %broadcast_in_dim3A_104 = vector.broadcast %jit3A_103 : i32 to vector<16xi32>
    %select_n3A_105 = arith.select %and3A_102, %sub3A_95, %broadcast_in_dim3A_104 : vector<16xi1>, vector<16xi32>
    %swap3A_106 = arith.constant 0 : i32
    %swap3A_107 = arith.index_cast %swap3A_106 : i32 to index
    %swap3A_108 = arith.constant 16 : index
    %swap3A_109 = tpu.vector_load %arg6[%swap3A_107, %swap3A_108] {strides = array<i32>} : memref<2x80xi32, #tpu.memory_space<vmem>>, vector<1x16xi32>,
    %swap3A_110 = vector.shape_cast %swap3A_109 : vector<1x16xi32> to vector<16xi32>
    %swap3A_111 = vector.shape_cast %select_n3A_105 : vector<16xi32> to vector<1x16xi32>
    tpu.vector_store %arg6[%swap3A_107, %swap3A_108], %swap3A_111 {strides = array<i32>} : memref<2x80xi32, #tpu.memory_space<vmem>>, vector<1x16xi32>,
    %get3A_112 = arith.constant 0 : i32
    %get3A_113 = arith.index_cast %get3A_112 : i32 to index
    %get3A_114 = arith.constant 32 : index
    %get3A_115 = tpu.vector_load %arg5[%get3A_113, %get3A_114] {strides = array<i32>} : memref<2x80xi32, #tpu.memory_space<vmem>>, vector<1x16xi32>,
    %get3A_116 = vector.shape_cast %get3A_115 : vector<1x16xi32> to vector<16xi32>
    %sub3A_117 = vector.broadcast %mul3A_0 : i32 to vector<16xi32>
    %sub3A_118 = arith.subi %get3A_116, %sub3A_117 : vector<16xi32>
    %ge3A_119 = arith.constant 0 : i32
    %ge3A_120 = vector.broadcast %ge3A_119 : i32 to vector<16xi32>
    %ge3A_121 = arith.cmpi sge, %sub3A_118, %ge3A_120 : vector<16xi32>
    %lt3A_122 = arith.constant 50000 : i32
    %lt3A_123 = vector.broadcast %lt3A_122 : i32 to vector<16xi32>
    %lt3A_124 = arith.cmpi slt, %sub3A_118, %lt3A_123 : vector<16xi32>
    %and3A_125 = arith.andi %ge3A_121, %lt3A_124 : vector<16xi1>
    %jit3A_126 = arith.constant 50000 : i32
    %broadcast_in_dim3A_127 = vector.broadcast %jit3A_126 : i32 to vector<16xi32>
    %select_n3A_128 = arith.select %and3A_125, %sub3A_118, %broadcast_in_dim3A_127 : vector<16xi1>, vector<16xi32>
    %swap3A_129 = arith.constant 0 : i32
    %swap3A_130 = arith.index_cast %swap3A_129 : i32 to index
    %swap3A_131 = arith.constant 32 : index
    %swap3A_132 = tpu.vector_load %arg6[%swap3A_130, %swap3A_131] {strides = array<i32>} : memref<2x80xi32, #tpu.memory_space<vmem>>, vector<1x16xi32>,
    %swap3A_133 = vector.shape_cast %swap3A_132 : vector<1x16xi32> to vector<16xi32>
    %swap3A_134 = vector.shape_cast %select_n3A_128 : vector<16xi32> to vector<1x16xi32>
    tpu.vector_store %arg6[%swap3A_130, %swap3A_131], %swap3A_134 {strides = array<i32>} : memref<2x80xi32, #tpu.memory_space<vmem>>, vector<1x16xi32>,
    %get3A_135 = arith.constant 0 : i32
    %get3A_136 = arith.index_cast %get3A_135 : i32 to index
    %get3A_137 = arith.constant 48 : index
    %get3A_138 = tpu.vector_load %arg5[%get3A_136, %get3A_137] {strides = array<i32>} : memref<2x80xi32, #tpu.memory_space<vmem>>, vector<1x16xi32>,
    %get3A_139 = vector.shape_cast %get3A_138 : vector<1x16xi32> to vector<16xi32>
    %sub3A_140 = vector.broadcast %mul3A_0 : i32 to vector<16xi32>
    %sub3A_141 = arith.subi %get3A_139, %sub3A_140 : vector<16xi32>
    %ge3A_142 = arith.constant 0 : i32
    %ge3A_143 = vector.broadcast %ge3A_142 : i32 to vector<16xi32>
    %ge3A_144 = arith.cmpi sge, %sub3A_141, %ge3A_143 : vector<16xi32>
    %lt3A_145 = arith.constant 50000 : i32
    %lt3A_146 = vector.broadcast %lt3A_145 : i32 to vector<16xi32>
    %lt3A_147 = arith.cmpi slt, %sub3A_141, %lt3A_146 : vector<16xi32>
    %and3A_148 = arith.andi %ge3A_144, %lt3A_147 : vector<16xi1>
    %jit3A_149 = arith.constant 50000 : i32
    %broadcast_in_dim3A_150 = vector.broadcast %jit3A_149 : i32 to vector<16xi32>
    %select_n3A_151 = arith.select %and3A_148, %sub3A_141, %broadcast_in_dim3A_150 : vector<16xi1>, vector<16xi32>
    %swap3A_152 = arith.constant 0 : i32
    %swap3A_153 = arith.index_cast %swap3A_152 : i32 to index
    %swap3A_154 = arith.constant 48 : index
    %swap3A_155 = tpu.vector_load %arg6[%swap3A_153, %swap3A_154] {strides = array<i32>} : memref<2x80xi32, #tpu.memory_space<vmem>>, vector<1x16xi32>,
    %swap3A_156 = vector.shape_cast %swap3A_155 : vector<1x16xi32> to vector<16xi32>
    %swap3A_157 = vector.shape_cast %select_n3A_151 : vector<16xi32> to vector<1x16xi32>
    tpu.vector_store %arg6[%swap3A_153, %swap3A_154], %swap3A_157 {strides = array<i32>} : memref<2x80xi32, #tpu.memory_space<vmem>>, vector<1x16xi32>,
    %get3A_158 = arith.constant 0 : i32
    %get3A_159 = arith.index_cast %get3A_158 : i32 to index
    %get3A_160 = arith.constant 64 : index
    %get3A_161 = tpu.vector_load %arg5[%get3A_159, %get3A_160] {strides = array<i32>} : memref<2x80xi32, #tpu.memory_space<vmem>>, vector<1x16xi32>,
    %get3A_162 = vector.shape_cast %get3A_161 : vector<1x16xi32> to vector<16xi32>
    %sub3A_163 = vector.broadcast %mul3A_0 : i32 to vector<16xi32>
    %sub3A_164 = arith.subi %get3A_162, %sub3A_163 : vector<16xi32>
    %ge3A_165 = arith.constant 0 : i32
    %ge3A_166 = vector.broadcast %ge3A_165 : i32 to vector<16xi32>
    %ge3A_167 = arith.cmpi sge, %sub3A_164, %ge3A_166 : vector<16xi32>
    %lt3A_168 = arith.constant 50000 : i32
    %lt3A_169 = vector.broadcast %lt3A_168 : i32 to vector<16xi32>
    %lt3A_170 = arith.cmpi slt, %sub3A_164, %lt3A_169 : vector<16xi32>
    %and3A_171 = arith.andi %ge3A_167, %lt3A_170 : vector<16xi1>
    %jit3A_172 = arith.constant 50000 : i32
    %broadcast_in_dim3A_173 = vector.broadcast %jit3A_172 : i32 to vector<16xi32>
    %select_n3A_174 = arith.select %and3A_171, %sub3A_164, %broadcast_in_dim3A_173 : vector<16xi1>, vector<16xi32>
    %swap3A_175 = arith.constant 0 : i32
    %swap3A_176 = arith.index_cast %swap3A_175 : i32 to index
    %swap3A_177 = arith.constant 64 : index
    %swap3A_178 = tpu.vector_load %arg6[%swap3A_176, %swap3A_177] {strides = array<i32>} : memref<2x80xi32, #tpu.memory_space<vmem>>, vector<1x16xi32>,
    %swap3A_179 = vector.shape_cast %swap3A_178 : vector<1x16xi32> to vector<16xi32>
    %swap3A_180 = vector.shape_cast %select_n3A_174 : vector<16xi32> to vector<1x16xi32>
    tpu.vector_store %arg6[%swap3A_176, %swap3A_177], %swap3A_180 {strides = array<i32>} : memref<2x80xi32, #tpu.memory_space<vmem>>, vector<1x16xi32>,
    %scan3A_181 = arith.constant 0 : i32
    %scan3A_182 = arith.constant 0 : i32
    %scan3A_183 = arith.constant 1250 : i32
    %scan3A_184 = arith.addi %scan3A_182, %scan3A_183 : i32
    %scan3A_185 = arith.constant 1 : i32
    scf.for %scan3A_227 = %scan3A_182 to %scan3A_184 step %scan3A_185  : i32 {
      %rem3A = arith.constant 2 : i32
      %rem3A_228 = arith.remsi %scan3A_227, %rem3A : i32
      %add3A_229 = arith.constant 1 : i32
      %add3A_230 = arith.addi %scan3A_227, %add3A_229 : i32
      %rem3A_231 = arith.constant 2 : i32
      %rem3A_232 = arith.remsi %add3A_230, %rem3A_231 : i32
      %ge3A_233 = arith.constant 1 : i32
      %ge3A_234 = arith.cmpi sge, %scan3A_227, %ge3A_233 : i32
      %convert_element_type3A_235 = arith.extui %ge3A_234 : i1 to i32
      %cond3A_236 = arith.constant 0 : i32
      %cond3A_237 = arith.cmpi ne, %convert_element_type3A_235, %cond3A_236 : i32
      scf.if %cond3A_237 {
        %dma_wait3A_277 = arith.constant 0 : i32
        %dma_wait3A_278 = arith.constant 0 : i32
        %dma_wait3A_279 = tpu.memref_slice %arg7[%rem3A_232, %dma_wait3A_277, %dma_wait3A_278] : memref<2x80x32xf32, #tpu.memory_space<vmem>> -> memref<1x80x32xf32, #tpu.memory_space<vmem>>
        %dma_wait3A_280 = tpu.memref_squeeze %dma_wait3A_279 : memref<1x80x32xf32, #tpu.memory_space<vmem>> -> memref<80x32xf32, #tpu.memory_space<vmem>>
        %dma_wait3A_281 = arith.constant 0 : i32
        %dma_wait3A_282 = tpu.memref_slice %arg6[%rem3A_232, %dma_wait3A_281] : memref<2x80xi32, #tpu.memory_space<vmem>> -> memref<1x80xi32, #tpu.memory_space<vmem>>
        %dma_wait3A_283 = tpu.memref_squeeze %dma_wait3A_282 : memref<1x80xi32, #tpu.memory_space<vmem>> -> memref<80xi32, #tpu.memory_space<vmem>>
        %dma_wait3A_284 = arith.constant 0 : i32
        %dma_wait3A_285 = arith.constant 0 : i32
        %dma_wait3A_286 = tpu.memref_slice %arg9[%dma_wait3A_284, %dma_wait3A_285] : memref<50048x32xf32, #tpu.memory_space<vmem_shared>> -> memref<50048x32xf32, #tpu.memory_space<vmem_shared>>
        tpu.wait_indirect_dma semaphore(%arg11 : memref<!tpu.dma_semaphore, #tpu.memory_space<semaphore_mem>>) src(%dma_wait3A_280 : memref<80x32xf32, #tpu.memory_space<vmem>>) dst(%dma_wait3A_286 : memref<50048x32xf32, #tpu.memory_space<vmem_shared>>)
      } else {
      }
      %add3A_238 = arith.constant 1 : i32
      %add3A_239 = arith.addi %scan3A_227, %add3A_238 : i32
      %lt3A_240 = arith.constant 1250 : i32
      %lt3A_241 = arith.cmpi slt, %add3A_239, %lt3A_240 : i32
      %convert_element_type3A_242 = arith.extui %lt3A_241 : i1 to i32
      %cond3A_243 = arith.constant 0 : i32
      %cond3A_244 = arith.cmpi ne, %convert_element_type3A_242, %cond3A_243 : i32
      scf.if %cond3A_244 {
        %add3A_277 = arith.constant 1 : i32
        %add3A_278 = arith.addi %scan3A_227, %add3A_277 : i32
        %mul3A_279 = arith.constant 80 : i32
        %mul3A_280 = arith.muli %add3A_278, %mul3A_279 : i32
        %add3A_281 = arith.addi %mul3A_23, %mul3A_280 : i32
        %add3A_282 = arith.constant 0 : i32
        %add3A_283 = arith.addi %add3A_282, %add3A_281 : i32
        %dma_wait3A_284 = arith.constant 0 : i32
        %dma_wait3A_285 = tpu.memref_slice %arg5[%rem3A_232, %dma_wait3A_284] : memref<2x80xi32, #tpu.memory_space<vmem>> -> memref<1x80xi32, #tpu.memory_space<vmem>>
        %dma_wait3A_286 = tpu.memref_squeeze %dma_wait3A_285 : memref<1x80xi32, #tpu.memory_space<vmem>> -> memref<80xi32, #tpu.memory_space<vmem>>
        %dma_wait3A_287 = tpu.memref_slice %arg3[%add3A_283] : memref<1600000xi32, #tpu.memory_space<hbm>> -> memref<80xi32, #tpu.memory_space<hbm>>
        %dma_wait3A_288 = arith.constant 0 : i32
        %dma_wait3A_289 = tpu.memref_slice %arg5[%rem3A_232, %dma_wait3A_288] : memref<2x80xi32, #tpu.memory_space<vmem>> -> memref<1x80xi32, #tpu.memory_space<vmem>>
        %dma_wait3A_290 = tpu.memref_squeeze %dma_wait3A_289 : memref<1x80xi32, #tpu.memory_space<vmem>> -> memref<80xi32, #tpu.memory_space<vmem>>
        %dma_wait3A_291 = tpu.memref_slice %arg3[%add3A_283] : memref<1600000xi32, #tpu.memory_space<hbm>> -> memref<80xi32, #tpu.memory_space<hbm>>
        tpu.wait_dma2 semaphore(%arg12 : memref<!tpu.dma_semaphore, #tpu.memory_space<semaphore_mem>>) src(%dma_wait3A_291 : memref<80xi32, #tpu.memory_space<hbm>>) dst(%dma_wait3A_290 : memref<80xi32, #tpu.memory_space<vmem>>)
        %dma_start3A_292 = arith.constant 0 : i32
        %dma_start3A_293 = arith.constant 0 : i32
        %dma_start3A_294 = tpu.memref_slice %arg7[%rem3A_232, %dma_start3A_292, %dma_start3A_293] : memref<2x80x32xf32, #tpu.memory_space<vmem>> -> memref<1x80x32xf32, #tpu.memory_space<vmem>>
        %dma_start3A_295 = tpu.memref_squeeze %dma_start3A_294 : memref<1x80x32xf32, #tpu.memory_space<vmem>> -> memref<80x32xf32, #tpu.memory_space<vmem>>
        %dma_start3A_296 = arith.constant 0 : i32
        %dma_start3A_297 = tpu.memref_slice %arg2[%add3A_281, %dma_start3A_296] : memref<1600000x32xf32, #tpu.memory_space<hbm>> -> memref<80x32xf32, #tpu.memory_space<hbm>>
        %dma_start3A_298 = arith.constant 0 : i32
        %dma_start3A_299 = arith.constant 0 : i32
        %dma_start3A_300 = tpu.memref_slice %arg7[%rem3A_232, %dma_start3A_298, %dma_start3A_299] : memref<2x80x32xf32, #tpu.memory_space<vmem>> -> memref<1x80x32xf32, #tpu.memory_space<vmem>>
        %dma_start3A_301 = tpu.memref_squeeze %dma_start3A_300 : memref<1x80x32xf32, #tpu.memory_space<vmem>> -> memref<80x32xf32, #tpu.memory_space<vmem>>
        %dma_start3A_302 = arith.constant 0 : i32
        %dma_start3A_303 = tpu.memref_slice %arg2[%add3A_281, %dma_start3A_302] : memref<1600000x32xf32, #tpu.memory_space<hbm>> -> memref<80x32xf32, #tpu.memory_space<hbm>>
        tpu.enqueue_dma source(%dma_start3A_303 : memref<80x32xf32, #tpu.memory_space<hbm>>) target(%dma_start3A_301 : memref<80x32xf32, #tpu.memory_space<vmem>>) target_semaphore(%arg10 : memref<!tpu.dma_semaphore, #tpu.memory_space<semaphore_mem>>)
        %get3A_304 = arith.index_cast %rem3A_232 : i32 to index
        %get3A_305 = arith.constant 0 : index
        %get3A_306 = tpu.vector_load %arg5[%get3A_304, %get3A_305] {strides = array<i32>} : memref<2x80xi32, #tpu.memory_space<vmem>>, vector<1x16xi32>,
        %get3A_307 = vector.shape_cast %get3A_306 : vector<1x16xi32> to vector<16xi32>
        %sub3A_308 = vector.broadcast %mul3A_0 : i32 to vector<16xi32>
        %sub3A_309 = arith.subi %get3A_307, %sub3A_308 : vector<16xi32>
        %ge3A_310 = arith.constant 0 : i32
        %ge3A_311 = vector.broadcast %ge3A_310 : i32 to vector<16xi32>
        %ge3A_312 = arith.cmpi sge, %sub3A_309, %ge3A_311 : vector<16xi32>
        %lt3A_313 = arith.constant 50000 : i32
        %lt3A_314 = vector.broadcast %lt3A_313 : i32 to vector<16xi32>
        %lt3A_315 = arith.cmpi slt, %sub3A_309, %lt3A_314 : vector<16xi32>
        %and3A_316 = arith.andi %ge3A_312, %lt3A_315 : vector<16xi1>
        %jit3A_317 = arith.constant 50000 : i32
        %broadcast_in_dim3A_318 = vector.broadcast %jit3A_317 : i32 to vector<16xi32>
        %select_n3A_319 = arith.select %and3A_316, %sub3A_309, %broadcast_in_dim3A_318 : vector<16xi1>, vector<16xi32>
        %swap3A_320 = arith.index_cast %rem3A_232 : i32 to index
        %swap3A_321 = arith.constant 0 : index
        %swap3A_322 = tpu.vector_load %arg6[%swap3A_320, %swap3A_321] {strides = array<i32>} : memref<2x80xi32, #tpu.memory_space<vmem>>, vector<1x16xi32>,
        %swap3A_323 = vector.shape_cast %swap3A_322 : vector<1x16xi32> to vector<16xi32>
        %swap3A_324 = vector.shape_cast %select_n3A_319 : vector<16xi32> to vector<1x16xi32>
        tpu.vector_store %arg6[%swap3A_320, %swap3A_321], %swap3A_324 {strides = array<i32>} : memref<2x80xi32, #tpu.memory_space<vmem>>, vector<1x16xi32>,
        %get3A_325 = arith.index_cast %rem3A_232 : i32 to index
        %get3A_326 = arith.constant 16 : index
        %get3A_327 = tpu.vector_load %arg5[%get3A_325, %get3A_326] {strides = array<i32>} : memref<2x80xi32, #tpu.memory_space<vmem>>, vector<1x16xi32>,
        %get3A_328 = vector.shape_cast %get3A_327 : vector<1x16xi32> to vector<16xi32>
        %sub3A_329 = vector.broadcast %mul3A_0 : i32 to vector<16xi32>
        %sub3A_330 = arith.subi %get3A_328, %sub3A_329 : vector<16xi32>
        %ge3A_331 = arith.constant 0 : i32
        %ge3A_332 = vector.broadcast %ge3A_331 : i32 to vector<16xi32>
        %ge3A_333 = arith.cmpi sge, %sub3A_330, %ge3A_332 : vector<16xi32>
        %lt3A_334 = arith.constant 50000 : i32
        %lt3A_335 = vector.broadcast %lt3A_334 : i32 to vector<16xi32>
        %lt3A_336 = arith.cmpi slt, %sub3A_330, %lt3A_335 : vector<16xi32>
        %and3A_337 = arith.andi %ge3A_333, %lt3A_336 : vector<16xi1>
        %jit3A_338 = arith.constant 50000 : i32
        %broadcast_in_dim3A_339 = vector.broadcast %jit3A_338 : i32 to vector<16xi32>
        %select_n3A_340 = arith.select %and3A_337, %sub3A_330, %broadcast_in_dim3A_339 : vector<16xi1>, vector<16xi32>
        %swap3A_341 = arith.index_cast %rem3A_232 : i32 to index
        %swap3A_342 = arith.constant 16 : index
        %swap3A_343 = tpu.vector_load %arg6[%swap3A_341, %swap3A_342] {strides = array<i32>} : memref<2x80xi32, #tpu.memory_space<vmem>>, vector<1x16xi32>,
        %swap3A_344 = vector.shape_cast %swap3A_343 : vector<1x16xi32> to vector<16xi32>
        %swap3A_345 = vector.shape_cast %select_n3A_340 : vector<16xi32> to vector<1x16xi32>
        tpu.vector_store %arg6[%swap3A_341, %swap3A_342], %swap3A_345 {strides = array<i32>} : memref<2x80xi32, #tpu.memory_space<vmem>>, vector<1x16xi32>,
        %get3A_346 = arith.index_cast %rem3A_232 : i32 to index
        %get3A_347 = arith.constant 32 : index
        %get3A_348 = tpu.vector_load %arg5[%get3A_346, %get3A_347] {strides = array<i32>} : memref<2x80xi32, #tpu.memory_space<vmem>>, vector<1x16xi32>,
        %get3A_349 = vector.shape_cast %get3A_348 : vector<1x16xi32> to vector<16xi32>
        %sub3A_350 = vector.broadcast %mul3A_0 : i32 to vector<16xi32>
        %sub3A_351 = arith.subi %get3A_349, %sub3A_350 : vector<16xi32>
        %ge3A_352 = arith.constant 0 : i32
        %ge3A_353 = vector.broadcast %ge3A_352 : i32 to vector<16xi32>
        %ge3A_354 = arith.cmpi sge, %sub3A_351, %ge3A_353 : vector<16xi32>
        %lt3A_355 = arith.constant 50000 : i32
        %lt3A_356 = vector.broadcast %lt3A_355 : i32 to vector<16xi32>
        %lt3A_357 = arith.cmpi slt, %sub3A_351, %lt3A_356 : vector<16xi32>
        %and3A_358 = arith.andi %ge3A_354, %lt3A_357 : vector<16xi1>
        %jit3A_359 = arith.constant 50000 : i32
        %broadcast_in_dim3A_360 = vector.broadcast %jit3A_359 : i32 to vector<16xi32>
        %select_n3A_361 = arith.select %and3A_358, %sub3A_351, %broadcast_in_dim3A_360 : vector<16xi1>, vector<16xi32>
        %swap3A_362 = arith.index_cast %rem3A_232 : i32 to index
        %swap3A_363 = arith.constant 32 : index
        %swap3A_364 = tpu.vector_load %arg6[%swap3A_362, %swap3A_363] {strides = array<i32>} : memref<2x80xi32, #tpu.memory_space<vmem>>, vector<1x16xi32>,
        %swap3A_365 = vector.shape_cast %swap3A_364 : vector<1x16xi32> to vector<16xi32>
        %swap3A_366 = vector.shape_cast %select_n3A_361 : vector<16xi32> to vector<1x16xi32>
        tpu.vector_store %arg6[%swap3A_362, %swap3A_363], %swap3A_366 {strides = array<i32>} : memref<2x80xi32, #tpu.memory_space<vmem>>, vector<1x16xi32>,
        %get3A_367 = arith.index_cast %rem3A_232 : i32 to index
        %get3A_368 = arith.constant 48 : index
        %get3A_369 = tpu.vector_load %arg5[%get3A_367, %get3A_368] {strides = array<i32>} : memref<2x80xi32, #tpu.memory_space<vmem>>, vector<1x16xi32>,
        %get3A_370 = vector.shape_cast %get3A_369 : vector<1x16xi32> to vector<16xi32>
        %sub3A_371 = vector.broadcast %mul3A_0 : i32 to vector<16xi32>
        %sub3A_372 = arith.subi %get3A_370, %sub3A_371 : vector<16xi32>
        %ge3A_373 = arith.constant 0 : i32
        %ge3A_374 = vector.broadcast %ge3A_373 : i32 to vector<16xi32>
        %ge3A_375 = arith.cmpi sge, %sub3A_372, %ge3A_374 : vector<16xi32>
        %lt3A_376 = arith.constant 50000 : i32
        %lt3A_377 = vector.broadcast %lt3A_376 : i32 to vector<16xi32>
        %lt3A_378 = arith.cmpi slt, %sub3A_372, %lt3A_377 : vector<16xi32>
        %and3A_379 = arith.andi %ge3A_375, %lt3A_378 : vector<16xi1>
        %jit3A_380 = arith.constant 50000 : i32
        %broadcast_in_dim3A_381 = vector.broadcast %jit3A_380 : i32 to vector<16xi32>
        %select_n3A_382 = arith.select %and3A_379, %sub3A_372, %broadcast_in_dim3A_381 : vector<16xi1>, vector<16xi32>
        %swap3A_383 = arith.index_cast %rem3A_232 : i32 to index
        %swap3A_384 = arith.constant 48 : index
        %swap3A_385 = tpu.vector_load %arg6[%swap3A_383, %swap3A_384] {strides = array<i32>} : memref<2x80xi32, #tpu.memory_space<vmem>>, vector<1x16xi32>,
        %swap3A_386 = vector.shape_cast %swap3A_385 : vector<1x16xi32> to vector<16xi32>
        %swap3A_387 = vector.shape_cast %select_n3A_382 : vector<16xi32> to vector<1x16xi32>
        tpu.vector_store %arg6[%swap3A_383, %swap3A_384], %swap3A_387 {strides = array<i32>} : memref<2x80xi32, #tpu.memory_space<vmem>>, vector<1x16xi32>,
        %get3A_388 = arith.index_cast %rem3A_232 : i32 to index
        %get3A_389 = arith.constant 64 : index
        %get3A_390 = tpu.vector_load %arg5[%get3A_388, %get3A_389] {strides = array<i32>} : memref<2x80xi32, #tpu.memory_space<vmem>>, vector<1x16xi32>,
        %get3A_391 = vector.shape_cast %get3A_390 : vector<1x16xi32> to vector<16xi32>
        %sub3A_392 = vector.broadcast %mul3A_0 : i32 to vector<16xi32>
        %sub3A_393 = arith.subi %get3A_391, %sub3A_392 : vector<16xi32>
        %ge3A_394 = arith.constant 0 : i32
        %ge3A_395 = vector.broadcast %ge3A_394 : i32 to vector<16xi32>
        %ge3A_396 = arith.cmpi sge, %sub3A_393, %ge3A_395 : vector<16xi32>
        %lt3A_397 = arith.constant 50000 : i32
        %lt3A_398 = vector.broadcast %lt3A_397 : i32 to vector<16xi32>
        %lt3A_399 = arith.cmpi slt, %sub3A_393, %lt3A_398 : vector<16xi32>
        %and3A_400 = arith.andi %ge3A_396, %lt3A_399 : vector<16xi1>
        %jit3A_401 = arith.constant 50000 : i32
        %broadcast_in_dim3A_402 = vector.broadcast %jit3A_401 : i32 to vector<16xi32>
        %select_n3A_403 = arith.select %and3A_400, %sub3A_393, %broadcast_in_dim3A_402 : vector<16xi1>, vector<16xi32>
        %swap3A_404 = arith.index_cast %rem3A_232 : i32 to index
        %swap3A_405 = arith.constant 64 : index
        %swap3A_406 = tpu.vector_load %arg6[%swap3A_404, %swap3A_405] {strides = array<i32>} : memref<2x80xi32, #tpu.memory_space<vmem>>, vector<1x16xi32>,
        %swap3A_407 = vector.shape_cast %swap3A_406 : vector<1x16xi32> to vector<16xi32>
        %swap3A_408 = vector.shape_cast %select_n3A_403 : vector<16xi32> to vector<1x16xi32>
        tpu.vector_store %arg6[%swap3A_404, %swap3A_405], %swap3A_408 {strides = array<i32>} : memref<2x80xi32, #tpu.memory_space<vmem>>, vector<1x16xi32>,
      } else {
      }
      %add3A_245 = arith.constant 2 : i32
      %add3A_246 = arith.addi %scan3A_227, %add3A_245 : i32
      %lt3A_247 = arith.constant 1250 : i32
      %lt3A_248 = arith.cmpi slt, %add3A_246, %lt3A_247 : i32
      %convert_element_type3A_249 = arith.extui %lt3A_248 : i1 to i32
      %cond3A_250 = arith.constant 0 : i32
      %cond3A_251 = arith.cmpi ne, %convert_element_type3A_249, %cond3A_250 : i32
      scf.if %cond3A_251 {
        %add3A_277 = arith.constant 2 : i32
        %add3A_278 = arith.addi %scan3A_227, %add3A_277 : i32
        %mul3A_279 = arith.constant 80 : i32
        %mul3A_280 = arith.muli %add3A_278, %mul3A_279 : i32
        %add3A_281 = arith.addi %mul3A_23, %mul3A_280 : i32
        %add3A_282 = arith.constant 0 : i32
        %add3A_283 = arith.addi %add3A_282, %add3A_281 : i32
        %dma_start3A_284 = arith.constant 0 : i32
        %dma_start3A_285 = tpu.memref_slice %arg5[%rem3A_228, %dma_start3A_284] : memref<2x80xi32, #tpu.memory_space<vmem>> -> memref<1x80xi32, #tpu.memory_space<vmem>>
        %dma_start3A_286 = tpu.memref_squeeze %dma_start3A_285 : memref<1x80xi32, #tpu.memory_space<vmem>> -> memref<80xi32, #tpu.memory_space<vmem>>
        %dma_start3A_287 = tpu.memref_slice %arg3[%add3A_283] : memref<1600000xi32, #tpu.memory_space<hbm>> -> memref<80xi32, #tpu.memory_space<hbm>>
        %dma_start3A_288 = arith.constant 0 : i32
        %dma_start3A_289 = tpu.memref_slice %arg5[%rem3A_228, %dma_start3A_288] : memref<2x80xi32, #tpu.memory_space<vmem>> -> memref<1x80xi32, #tpu.memory_space<vmem>>
        %dma_start3A_290 = tpu.memref_squeeze %dma_start3A_289 : memref<1x80xi32, #tpu.memory_space<vmem>> -> memref<80xi32, #tpu.memory_space<vmem>>
        %dma_start3A_291 = tpu.memref_slice %arg3[%add3A_283] : memref<1600000xi32, #tpu.memory_space<hbm>> -> memref<80xi32, #tpu.memory_space<hbm>>
        tpu.enqueue_dma source(%dma_start3A_291 : memref<80xi32, #tpu.memory_space<hbm>>) target(%dma_start3A_290 : memref<80xi32, #tpu.memory_space<vmem>>) target_semaphore(%arg12 : memref<!tpu.dma_semaphore, #tpu.memory_space<semaphore_mem>>)
      } else {
      }
      %mul3A_252 = arith.constant 80 : i32
      %mul3A_253 = arith.muli %scan3A_227, %mul3A_252 : i32
      %add3A_254 = arith.addi %mul3A_23, %mul3A_253 : i32
      %dma_wait3A_255 = arith.constant 0 : i32
      %dma_wait3A_256 = arith.constant 0 : i32
      %dma_wait3A_257 = tpu.memref_slice %arg7[%rem3A_228, %dma_wait3A_255, %dma_wait3A_256] : memref<2x80x32xf32, #tpu.memory_space<vmem>> -> memref<1x80x32xf32, #tpu.memory_space<vmem>>
      %dma_wait3A_258 = tpu.memref_squeeze %dma_wait3A_257 : memref<1x80x32xf32, #tpu.memory_space<vmem>> -> memref<80x32xf32, #tpu.memory_space<vmem>>
      %dma_wait3A_259 = arith.constant 0 : i32
      %dma_wait3A_260 = tpu.memref_slice %arg2[%add3A_254, %dma_wait3A_259] : memref<1600000x32xf32, #tpu.memory_space<hbm>> -> memref<80x32xf32, #tpu.memory_space<hbm>>
      %dma_wait3A_261 = arith.constant 0 : i32
      %dma_wait3A_262 = arith.constant 0 : i32
      %dma_wait3A_263 = tpu.memref_slice %arg7[%rem3A_228, %dma_wait3A_261, %dma_wait3A_262] : memref<2x80x32xf32, #tpu.memory_space<vmem>> -> memref<1x80x32xf32, #tpu.memory_space<vmem>>
      %dma_wait3A_264 = tpu.memref_squeeze %dma_wait3A_263 : memref<1x80x32xf32, #tpu.memory_space<vmem>> -> memref<80x32xf32, #tpu.memory_space<vmem>>
      %dma_wait3A_265 = arith.constant 0 : i32
      %dma_wait3A_266 = tpu.memref_slice %arg2[%add3A_254, %dma_wait3A_265] : memref<1600000x32xf32, #tpu.memory_space<hbm>> -> memref<80x32xf32, #tpu.memory_space<hbm>>
      tpu.wait_dma2 semaphore(%arg10 : memref<!tpu.dma_semaphore, #tpu.memory_space<semaphore_mem>>) src(%dma_wait3A_266 : memref<80x32xf32, #tpu.memory_space<hbm>>) dst(%dma_wait3A_264 : memref<80x32xf32, #tpu.memory_space<vmem>>)
      %dma_start3A_267 = arith.constant 0 : i32
      %dma_start3A_268 = arith.constant 0 : i32
      %dma_start3A_269 = tpu.memref_slice %arg7[%rem3A_228, %dma_start3A_267, %dma_start3A_268] : memref<2x80x32xf32, #tpu.memory_space<vmem>> -> memref<1x80x32xf32, #tpu.memory_space<vmem>>
      %dma_start3A_270 = tpu.memref_squeeze %dma_start3A_269 : memref<1x80x32xf32, #tpu.memory_space<vmem>> -> memref<80x32xf32, #tpu.memory_space<vmem>>
      %dma_start3A_271 = arith.constant 0 : i32
      %dma_start3A_272 = tpu.memref_slice %arg6[%rem3A_228, %dma_start3A_271] : memref<2x80xi32, #tpu.memory_space<vmem>> -> memref<1x80xi32, #tpu.memory_space<vmem>>
      %dma_start3A_273 = tpu.memref_squeeze %dma_start3A_272 : memref<1x80xi32, #tpu.memory_space<vmem>> -> memref<80xi32, #tpu.memory_space<vmem>>
      %dma_start3A_274 = arith.constant 0 : i32
      %dma_start3A_275 = arith.constant 0 : i32
      %dma_start3A_276 = tpu.memref_slice %arg9[%dma_start3A_274, %dma_start3A_275] : memref<50048x32xf32, #tpu.memory_space<vmem_shared>> -> memref<50048x32xf32, #tpu.memory_space<vmem_shared>>
      tpu.enqueue_indirect_dma source(%dma_start3A_270 : memref<80x32xf32, #tpu.memory_space<vmem>>) target(%dma_start3A_276 : memref<50048x32xf32, #tpu.memory_space<vmem_shared>>) offsets(%dma_start3A_273 : memref<80xi32, #tpu.memory_space<vmem>>) semaphore(%arg11 : memref<!tpu.dma_semaphore, #tpu.memory_space<semaphore_mem>>) {add = true}
    }
    %scan3A_186 = arith.constant 1250 : i32
    %dma_wait3A_187 = arith.constant 1 : i32
    %dma_wait3A_188 = arith.constant 1 : i32
    %dma_wait3A_189 = arith.constant 0 : i32
    %dma_wait3A_190 = arith.constant 0 : i32
    %dma_wait3A_191 = tpu.memref_slice %arg7[%dma_wait3A_187, %dma_wait3A_189, %dma_wait3A_190] : memref<2x80x32xf32, #tpu.memory_space<vmem>> -> memref<1x80x32xf32, #tpu.memory_space<vmem>>
    %dma_wait3A_192 = tpu.memref_squeeze %dma_wait3A_191 : memref<1x80x32xf32, #tpu.memory_space<vmem>> -> memref<80x32xf32, #tpu.memory_space<vmem>>
    %dma_wait3A_193 = arith.constant 0 : i32
    %dma_wait3A_194 = tpu.memref_slice %arg6[%dma_wait3A_188, %dma_wait3A_193] : memref<2x80xi32, #tpu.memory_space<vmem>> -> memref<1x80xi32, #tpu.memory_space<vmem>>
    %dma_wait3A_195 = tpu.memref_squeeze %dma_wait3A_194 : memref<1x80xi32, #tpu.memory_space<vmem>> -> memref<80xi32, #tpu.memory_space<vmem>>
    %dma_wait3A_196 = arith.constant 0 : i32
    %dma_wait3A_197 = arith.constant 0 : i32
    %dma_wait3A_198 = tpu.memref_slice %arg9[%dma_wait3A_196, %dma_wait3A_197] : memref<50048x32xf32, #tpu.memory_space<vmem_shared>> -> memref<50048x32xf32, #tpu.memory_space<vmem_shared>>
    tpu.wait_indirect_dma semaphore(%arg11 : memref<!tpu.dma_semaphore, #tpu.memory_space<semaphore_mem>>) src(%dma_wait3A_192 : memref<80x32xf32, #tpu.memory_space<vmem>>) dst(%dma_wait3A_198 : memref<50048x32xf32, #tpu.memory_space<vmem_shared>>)
    %barrier3A_199 = arith.constant 0 : index
    tpu.barrier barrier_id(%barrier3A_199)
    %mul3A_200 = arith.constant 3128 : i32
    %mul3A_201 = arith.muli %arg1, %mul3A_200 : i32
    %add3A_202 = arith.constant 0 : i32
    %add3A_203 = arith.addi %mul3A_201, %add3A_202 : i32
    "tpu.region"() ({
      %run_scoped3A = tpu.sem_alloc : memref<!tpu.dma_semaphore, #tpu.memory_space<semaphore_mem>>
      %dma_start3A_227 = arith.constant 0 : i32
      %dma_start3A_228 = arith.constant 0 : i32
      %dma_start3A_229 = tpu.memref_slice %arg8[%dma_start3A_227, %dma_start3A_228] : memref<512x32xf32, #tpu.memory_space<vmem>> -> memref<512x32xf32, #tpu.memory_space<vmem>>
      %dma_start3A_230 = arith.constant 0 : i32
      %dma_start3A_231 = tpu.memref_slice %arg9[%add3A_203, %dma_start3A_230] : memref<50048x32xf32, #tpu.memory_space<vmem_shared>> -> memref<512x32xf32, #tpu.memory_space<vmem_shared>>
      %dma_start3A_232 = arith.constant 0 : i32
      %dma_start3A_233 = arith.constant 0 : i32
      %dma_start3A_234 = tpu.memref_slice %arg8[%dma_start3A_232, %dma_start3A_233] : memref<512x32xf32, #tpu.memory_space<vmem>> -> memref<512x32xf32, #tpu.memory_space<vmem>>
      %dma_start3A_235 = arith.constant 0 : i32
      %dma_start3A_236 = tpu.memref_slice %arg9[%add3A_203, %dma_start3A_235] : memref<50048x32xf32, #tpu.memory_space<vmem_shared>> -> memref<512x32xf32, #tpu.memory_space<vmem_shared>>
      tpu.enqueue_dma source(%dma_start3A_236 : memref<512x32xf32, #tpu.memory_space<vmem_shared>>) target(%dma_start3A_234 : memref<512x32xf32, #tpu.memory_space<vmem>>) target_semaphore(%run_scoped3A : memref<!tpu.dma_semaphore, #tpu.memory_space<semaphore_mem>>)
      %dma_wait3A_237 = arith.constant 0 : i32
      %dma_wait3A_238 = arith.constant 0 : i32
      %dma_wait3A_239 = tpu.memref_slice %arg8[%dma_wait3A_237, %dma_wait3A_238] : memref<512x32xf32, #tpu.memory_space<vmem>> -> memref<512x32xf32, #tpu.memory_space<vmem>>
      %dma_wait3A_240 = arith.constant 0 : i32
      %dma_wait3A_241 = tpu.memref_slice %arg9[%add3A_203, %dma_wait3A_240] : memref<50048x32xf32, #tpu.memory_space<vmem_shared>> -> memref<512x32xf32, #tpu.memory_space<vmem_shared>>
      %dma_wait3A_242 = arith.constant 0 : i32
      %dma_wait3A_243 = arith.constant 0 : i32
      %dma_wait3A_244 = tpu.memref_slice %arg8[%dma_wait3A_242, %dma_wait3A_243] : memref<512x32xf32, #tpu.memory_space<vmem>> -> memref<512x32xf32, #tpu.memory_space<vmem>>
      %dma_wait3A_245 = arith.constant 0 : i32
      %dma_wait3A_246 = tpu.memref_slice %arg9[%add3A_203, %dma_wait3A_245] : memref<50048x32xf32, #tpu.memory_space<vmem_shared>> -> memref<512x32xf32, #tpu.memory_space<vmem_shared>>
      tpu.wait_dma2 semaphore(%run_scoped3A : memref<!tpu.dma_semaphore, #tpu.memory_space<semaphore_mem>>) src(%dma_wait3A_246 : memref<512x32xf32, #tpu.memory_space<vmem_shared>>) dst(%dma_wait3A_244 : memref<512x32xf32, #tpu.memory_space<vmem>>)
      tpu.yield
    }) : () -> ()
    %add3A_204 = arith.addi %mul3A_0, %add3A_203 : i32
    "tpu.region"() ({
      %run_scoped3A = tpu.sem_alloc : memref<!tpu.dma_semaphore, #tpu.memory_space<semaphore_mem>>
      %dma_start3A_227 = arith.constant 0 : i32
      %dma_start3A_228 = arith.constant 0 : i32
      %dma_start3A_229 = tpu.memref_slice %arg8[%dma_start3A_227, %dma_start3A_228] : memref<512x32xf32, #tpu.memory_space<vmem>> -> memref<512x32xf32, #tpu.memory_space<vmem>>
      %dma_start3A_230 = arith.constant 0 : i32
      %dma_start3A_231 = tpu.memref_slice %arg4[%add3A_204, %dma_start3A_230] : memref<100000x32xf32, #tpu.memory_space<hbm>> -> memref<512x32xf32, #tpu.memory_space<hbm>>
      %dma_start3A_232 = arith.constant 0 : i32
      %dma_start3A_233 = tpu.memref_slice %arg4[%add3A_204, %dma_start3A_232] : memref<100000x32xf32, #tpu.memory_space<hbm>> -> memref<512x32xf32, #tpu.memory_space<hbm>>
      %dma_start3A_234 = arith.constant 0 : i32
      %dma_start3A_235 = arith.constant 0 : i32
      %dma_start3A_236 = tpu.memref_slice %arg8[%dma_start3A_234, %dma_start3A_235] : memref<512x32xf32, #tpu.memory_space<vmem>> -> memref<512x32xf32, #tpu.memory_space<vmem>>
      tpu.enqueue_dma source(%dma_start3A_236 : memref<512x32xf32, #tpu.memory_space<vmem>>) target(%dma_start3A_233 : memref<512x32xf32, #tpu.memory_space<hbm>>) target_semaphore(%run_scoped3A : memref<!tpu.dma_semaphore, #tpu.memory_space<semaphore_mem>>)
      %dma_wait3A_237 = arith.constant 0 : i32
      %dma_wait3A_238 = arith.constant 0 : i32
      %dma_wait3A_239 = tpu.memref_slice %arg8[%dma_wait3A_237, %dma_wait3A_238] : memref<512x32xf32, #tpu.memory_space<vmem>> -> memref<512x32xf32, #tpu.memory_space<vmem>>
      %dma_wait3A_240 = arith.constant 0 : i32
      %dma_wait3A_241 = tpu.memref_slice %arg4[%add3A_204, %dma_wait3A_240] : memref<100000x32xf32, #tpu.memory_space<hbm>> -> memref<512x32xf32, #tpu.memory_space<hbm>>
      %dma_wait3A_242 = arith.constant 0 : i32
      %dma_wait3A_243 = tpu.memref_slice %arg4[%add3A_204, %dma_wait3A_242] : memref<100000x32xf32, #tpu.memory_space<hbm>> -> memref<512x32xf32, #tpu.memory_space<hbm>>
      %dma_wait3A_244 = arith.constant 0 : i32
      %dma_wait3A_245 = arith.constant 0 : i32
      %dma_wait3A_246 = tpu.memref_slice %arg8[%dma_wait3A_244, %dma_wait3A_245] : memref<512x32xf32, #tpu.memory_space<vmem>> -> memref<512x32xf32, #tpu.memory_space<vmem>>
      tpu.wait_dma2 semaphore(%run_scoped3A : memref<!tpu.dma_semaphore, #tpu.memory_space<semaphore_mem>>) src(%dma_wait3A_246 : memref<512x32xf32, #tpu.memory_space<vmem>>) dst(%dma_wait3A_243 : memref<512x32xf32, #tpu.memory_space<hbm>>)
      tpu.yield
    }) : () -> ()
    %add3A_205 = arith.constant 512 : i32
    %add3A_206 = arith.addi %mul3A_201, %add3A_205 : i32
    "tpu.region"() ({
      %run_scoped3A = tpu.sem_alloc : memref<!tpu.dma_semaphore, #tpu.memory_space<semaphore_mem>>
      %dma_start3A_227 = arith.constant 0 : i32
      %dma_start3A_228 = arith.constant 0 : i32
      %dma_start3A_229 = tpu.memref_slice %arg8[%dma_start3A_227, %dma_start3A_228] : memref<512x32xf32, #tpu.memory_space<vmem>> -> memref<512x32xf32, #tpu.memory_space<vmem>>
      %dma_start3A_230 = arith.constant 0 : i32
      %dma_start3A_231 = tpu.memref_slice %arg9[%add3A_206, %dma_start3A_230] : memref<50048x32xf32, #tpu.memory_space<vmem_shared>> -> memref<512x32xf32, #tpu.memory_space<vmem_shared>>
      %dma_start3A_232 = arith.constant 0 : i32
      %dma_start3A_233 = arith.constant 0 : i32
      %dma_start3A_234 = tpu.memref_slice %arg8[%dma_start3A_232, %dma_start3A_233] : memref<512x32xf32, #tpu.memory_space<vmem>> -> memref<512x32xf32, #tpu.memory_space<vmem>>
      %dma_start3A_235 = arith.constant 0 : i32
      %dma_start3A_236 = tpu.memref_slice %arg9[%add3A_206, %dma_start3A_235] : memref<50048x32xf32, #tpu.memory_space<vmem_shared>> -> memref<512x32xf32, #tpu.memory_space<vmem_shared>>
      tpu.enqueue_dma source(%dma_start3A_236 : memref<512x32xf32, #tpu.memory_space<vmem_shared>>) target(%dma_start3A_234 : memref<512x32xf32, #tpu.memory_space<vmem>>) target_semaphore(%run_scoped3A : memref<!tpu.dma_semaphore, #tpu.memory_space<semaphore_mem>>)
      %dma_wait3A_237 = arith.constant 0 : i32
      %dma_wait3A_238 = arith.constant 0 : i32
      %dma_wait3A_239 = tpu.memref_slice %arg8[%dma_wait3A_237, %dma_wait3A_238] : memref<512x32xf32, #tpu.memory_space<vmem>> -> memref<512x32xf32, #tpu.memory_space<vmem>>
      %dma_wait3A_240 = arith.constant 0 : i32
      %dma_wait3A_241 = tpu.memref_slice %arg9[%add3A_206, %dma_wait3A_240] : memref<50048x32xf32, #tpu.memory_space<vmem_shared>> -> memref<512x32xf32, #tpu.memory_space<vmem_shared>>
      %dma_wait3A_242 = arith.constant 0 : i32
      %dma_wait3A_243 = arith.constant 0 : i32
      %dma_wait3A_244 = tpu.memref_slice %arg8[%dma_wait3A_242, %dma_wait3A_243] : memref<512x32xf32, #tpu.memory_space<vmem>> -> memref<512x32xf32, #tpu.memory_space<vmem>>
      %dma_wait3A_245 = arith.constant 0 : i32
      %dma_wait3A_246 = tpu.memref_slice %arg9[%add3A_206, %dma_wait3A_245] : memref<50048x32xf32, #tpu.memory_space<vmem_shared>> -> memref<512x32xf32, #tpu.memory_space<vmem_shared>>
      tpu.wait_dma2 semaphore(%run_scoped3A : memref<!tpu.dma_semaphore, #tpu.memory_space<semaphore_mem>>) src(%dma_wait3A_246 : memref<512x32xf32, #tpu.memory_space<vmem_shared>>) dst(%dma_wait3A_244 : memref<512x32xf32, #tpu.memory_space<vmem>>)
      tpu.yield
    }) : () -> ()
    %add3A_207 = arith.addi %mul3A_0, %add3A_206 : i32
    "tpu.region"() ({
      %run_scoped3A = tpu.sem_alloc : memref<!tpu.dma_semaphore, #tpu.memory_space<semaphore_mem>>
      %dma_start3A_227 = arith.constant 0 : i32
      %dma_start3A_228 = arith.constant 0 : i32
      %dma_start3A_229 = tpu.memref_slice %arg8[%dma_start3A_227, %dma_start3A_228] : memref<512x32xf32, #tpu.memory_space<vmem>> -> memref<512x32xf32, #tpu.memory_space<vmem>>
      %dma_start3A_230 = arith.constant 0 : i32
      %dma_start3A_231 = tpu.memref_slice %arg4[%add3A_207, %dma_start3A_230] : memref<100000x32xf32, #tpu.memory_space<hbm>> -> memref<512x32xf32, #tpu.memory_space<hbm>>
      %dma_start3A_232 = arith.constant 0 : i32
      %dma_start3A_233 = tpu.memref_slice %arg4[%add3A_207, %dma_start3A_232] : memref<100000x32xf32, #tpu.memory_space<hbm>> -> memref<512x32xf32, #tpu.memory_space<hbm>>
      %dma_start3A_234 = arith.constant 0 : i32
      %dma_start3A_235 = arith.constant 0 : i32
      %dma_start3A_236 = tpu.memref_slice %arg8[%dma_start3A_234, %dma_start3A_235] : memref<512x32xf32, #tpu.memory_space<vmem>> -> memref<512x32xf32, #tpu.memory_space<vmem>>
      tpu.enqueue_dma source(%dma_start3A_236 : memref<512x32xf32, #tpu.memory_space<vmem>>) target(%dma_start3A_233 : memref<512x32xf32, #tpu.memory_space<hbm>>) target_semaphore(%run_scoped3A : memref<!tpu.dma_semaphore, #tpu.memory_space<semaphore_mem>>)
      %dma_wait3A_237 = arith.constant 0 : i32
      %dma_wait3A_238 = arith.constant 0 : i32
      %dma_wait3A_239 = tpu.memref_slice %arg8[%dma_wait3A_237, %dma_wait3A_238] : memref<512x32xf32, #tpu.memory_space<vmem>> -> memref<512x32xf32, #tpu.memory_space<vmem>>
      %dma_wait3A_240 = arith.constant 0 : i32
      %dma_wait3A_241 = tpu.memref_slice %arg4[%add3A_207, %dma_wait3A_240] : memref<100000x32xf32, #tpu.memory_space<hbm>> -> memref<512x32xf32, #tpu.memory_space<hbm>>
      %dma_wait3A_242 = arith.constant 0 : i32
      %dma_wait3A_243 = tpu.memref_slice %arg4[%add3A_207, %dma_wait3A_242] : memref<100000x32xf32, #tpu.memory_space<hbm>> -> memref<512x32xf32, #tpu.memory_space<hbm>>
      %dma_wait3A_244 = arith.constant 0 : i32
      %dma_wait3A_245 = arith.constant 0 : i32
      %dma_wait3A_246 = tpu.memref_slice %arg8[%dma_wait3A_244, %dma_wait3A_245] : memref<512x32xf32, #tpu.memory_space<vmem>> -> memref<512x32xf32, #tpu.memory_space<vmem>>
      tpu.wait_dma2 semaphore(%run_scoped3A : memref<!tpu.dma_semaphore, #tpu.memory_space<semaphore_mem>>) src(%dma_wait3A_246 : memref<512x32xf32, #tpu.memory_space<vmem>>) dst(%dma_wait3A_243 : memref<512x32xf32, #tpu.memory_space<hbm>>)
      tpu.yield
    }) : () -> ()
    %add3A_208 = arith.constant 1024 : i32
    %add3A_209 = arith.addi %mul3A_201, %add3A_208 : i32
    "tpu.region"() ({
      %run_scoped3A = tpu.sem_alloc : memref<!tpu.dma_semaphore, #tpu.memory_space<semaphore_mem>>
      %dma_start3A_227 = arith.constant 0 : i32
      %dma_start3A_228 = arith.constant 0 : i32
      %dma_start3A_229 = tpu.memref_slice %arg8[%dma_start3A_227, %dma_start3A_228] : memref<512x32xf32, #tpu.memory_space<vmem>> -> memref<512x32xf32, #tpu.memory_space<vmem>>
      %dma_start3A_230 = arith.constant 0 : i32
      %dma_start3A_231 = tpu.memref_slice %arg9[%add3A_209, %dma_start3A_230] : memref<50048x32xf32, #tpu.memory_space<vmem_shared>> -> memref<512x32xf32, #tpu.memory_space<vmem_shared>>
      %dma_start3A_232 = arith.constant 0 : i32
      %dma_start3A_233 = arith.constant 0 : i32
      %dma_start3A_234 = tpu.memref_slice %arg8[%dma_start3A_232, %dma_start3A_233] : memref<512x32xf32, #tpu.memory_space<vmem>> -> memref<512x32xf32, #tpu.memory_space<vmem>>
      %dma_start3A_235 = arith.constant 0 : i32
      %dma_start3A_236 = tpu.memref_slice %arg9[%add3A_209, %dma_start3A_235] : memref<50048x32xf32, #tpu.memory_space<vmem_shared>> -> memref<512x32xf32, #tpu.memory_space<vmem_shared>>
      tpu.enqueue_dma source(%dma_start3A_236 : memref<512x32xf32, #tpu.memory_space<vmem_shared>>) target(%dma_start3A_234 : memref<512x32xf32, #tpu.memory_space<vmem>>) target_semaphore(%run_scoped3A : memref<!tpu.dma_semaphore, #tpu.memory_space<semaphore_mem>>)
      %dma_wait3A_237 = arith.constant 0 : i32
      %dma_wait3A_238 = arith.constant 0 : i32
      %dma_wait3A_239 = tpu.memref_slice %arg8[%dma_wait3A_237, %dma_wait3A_238] : memref<512x32xf32, #tpu.memory_space<vmem>> -> memref<512x32xf32, #tpu.memory_space<vmem>>
      %dma_wait3A_240 = arith.constant 0 : i32
      %dma_wait3A_241 = tpu.memref_slice %arg9[%add3A_209, %dma_wait3A_240] : memref<50048x32xf32, #tpu.memory_space<vmem_shared>> -> memref<512x32xf32, #tpu.memory_space<vmem_shared>>
      %dma_wait3A_242 = arith.constant 0 : i32
      %dma_wait3A_243 = arith.constant 0 : i32
      %dma_wait3A_244 = tpu.memref_slice %arg8[%dma_wait3A_242, %dma_wait3A_243] : memref<512x32xf32, #tpu.memory_space<vmem>> -> memref<512x32xf32, #tpu.memory_space<vmem>>
      %dma_wait3A_245 = arith.constant 0 : i32
      %dma_wait3A_246 = tpu.memref_slice %arg9[%add3A_209, %dma_wait3A_245] : memref<50048x32xf32, #tpu.memory_space<vmem_shared>> -> memref<512x32xf32, #tpu.memory_space<vmem_shared>>
      tpu.wait_dma2 semaphore(%run_scoped3A : memref<!tpu.dma_semaphore, #tpu.memory_space<semaphore_mem>>) src(%dma_wait3A_246 : memref<512x32xf32, #tpu.memory_space<vmem_shared>>) dst(%dma_wait3A_244 : memref<512x32xf32, #tpu.memory_space<vmem>>)
      tpu.yield
    }) : () -> ()
    %add3A_210 = arith.addi %mul3A_0, %add3A_209 : i32
    "tpu.region"() ({
      %run_scoped3A = tpu.sem_alloc : memref<!tpu.dma_semaphore, #tpu.memory_space<semaphore_mem>>
      %dma_start3A_227 = arith.constant 0 : i32
      %dma_start3A_228 = arith.constant 0 : i32
      %dma_start3A_229 = tpu.memref_slice %arg8[%dma_start3A_227, %dma_start3A_228] : memref<512x32xf32, #tpu.memory_space<vmem>> -> memref<512x32xf32, #tpu.memory_space<vmem>>
      %dma_start3A_230 = arith.constant 0 : i32
      %dma_start3A_231 = tpu.memref_slice %arg4[%add3A_210, %dma_start3A_230] : memref<100000x32xf32, #tpu.memory_space<hbm>> -> memref<512x32xf32, #tpu.memory_space<hbm>>
      %dma_start3A_232 = arith.constant 0 : i32
      %dma_start3A_233 = tpu.memref_slice %arg4[%add3A_210, %dma_start3A_232] : memref<100000x32xf32, #tpu.memory_space<hbm>> -> memref<512x32xf32, #tpu.memory_space<hbm>>
      %dma_start3A_234 = arith.constant 0 : i32
      %dma_start3A_235 = arith.constant 0 : i32
      %dma_start3A_236 = tpu.memref_slice %arg8[%dma_start3A_234, %dma_start3A_235] : memref<512x32xf32, #tpu.memory_space<vmem>> -> memref<512x32xf32, #tpu.memory_space<vmem>>
      tpu.enqueue_dma source(%dma_start3A_236 : memref<512x32xf32, #tpu.memory_space<vmem>>) target(%dma_start3A_233 : memref<512x32xf32, #tpu.memory_space<hbm>>) target_semaphore(%run_scoped3A : memref<!tpu.dma_semaphore, #tpu.memory_space<semaphore_mem>>)
      %dma_wait3A_237 = arith.constant 0 : i32
      %dma_wait3A_238 = arith.constant 0 : i32
      %dma_wait3A_239 = tpu.memref_slice %arg8[%dma_wait3A_237, %dma_wait3A_238] : memref<512x32xf32, #tpu.memory_space<vmem>> -> memref<512x32xf32, #tpu.memory_space<vmem>>
      %dma_wait3A_240 = arith.constant 0 : i32
      %dma_wait3A_241 = tpu.memref_slice %arg4[%add3A_210, %dma_wait3A_240] : memref<100000x32xf32, #tpu.memory_space<hbm>> -> memref<512x32xf32, #tpu.memory_space<hbm>>
      %dma_wait3A_242 = arith.constant 0 : i32
      %dma_wait3A_243 = tpu.memref_slice %arg4[%add3A_210, %dma_wait3A_242] : memref<100000x32xf32, #tpu.memory_space<hbm>> -> memref<512x32xf32, #tpu.memory_space<hbm>>
      %dma_wait3A_244 = arith.constant 0 : i32
      %dma_wait3A_245 = arith.constant 0 : i32
      %dma_wait3A_246 = tpu.memref_slice %arg8[%dma_wait3A_244, %dma_wait3A_245] : memref<512x32xf32, #tpu.memory_space<vmem>> -> memref<512x32xf32, #tpu.memory_space<vmem>>
      tpu.wait_dma2 semaphore(%run_scoped3A : memref<!tpu.dma_semaphore, #tpu.memory_space<semaphore_mem>>) src(%dma_wait3A_246 : memref<512x32xf32, #tpu.memory_space<vmem>>) dst(%dma_wait3A_243 : memref<512x32xf32, #tpu.memory_space<hbm>>)
      tpu.yield
    }) : () -> ()
    %add3A_211 = arith.constant 1536 : i32
    %add3A_212 = arith.addi %mul3A_201, %add3A_211 : i32
    "tpu.region"() ({
      %run_scoped3A = tpu.sem_alloc : memref<!tpu.dma_semaphore, #tpu.memory_space<semaphore_mem>>
      %dma_start3A_227 = arith.constant 0 : i32
      %dma_start3A_228 = arith.constant 0 : i32
      %dma_start3A_229 = tpu.memref_slice %arg8[%dma_start3A_227, %dma_start3A_228] : memref<512x32xf32, #tpu.memory_space<vmem>> -> memref<512x32xf32, #tpu.memory_space<vmem>>
      %dma_start3A_230 = arith.constant 0 : i32
      %dma_start3A_231 = tpu.memref_slice %arg9[%add3A_212, %dma_start3A_230] : memref<50048x32xf32, #tpu.memory_space<vmem_shared>> -> memref<512x32xf32, #tpu.memory_space<vmem_shared>>
      %dma_start3A_232 = arith.constant 0 : i32
      %dma_start3A_233 = arith.constant 0 : i32
      %dma_start3A_234 = tpu.memref_slice %arg8[%dma_start3A_232, %dma_start3A_233] : memref<512x32xf32, #tpu.memory_space<vmem>> -> memref<512x32xf32, #tpu.memory_space<vmem>>
      %dma_start3A_235 = arith.constant 0 : i32
      %dma_start3A_236 = tpu.memref_slice %arg9[%add3A_212, %dma_start3A_235] : memref<50048x32xf32, #tpu.memory_space<vmem_shared>> -> memref<512x32xf32, #tpu.memory_space<vmem_shared>>
      tpu.enqueue_dma source(%dma_start3A_236 : memref<512x32xf32, #tpu.memory_space<vmem_shared>>) target(%dma_start3A_234 : memref<512x32xf32, #tpu.memory_space<vmem>>) target_semaphore(%run_scoped3A : memref<!tpu.dma_semaphore, #tpu.memory_space<semaphore_mem>>)
      %dma_wait3A_237 = arith.constant 0 : i32
      %dma_wait3A_238 = arith.constant 0 : i32
      %dma_wait3A_239 = tpu.memref_slice %arg8[%dma_wait3A_237, %dma_wait3A_238] : memref<512x32xf32, #tpu.memory_space<vmem>> -> memref<512x32xf32, #tpu.memory_space<vmem>>
      %dma_wait3A_240 = arith.constant 0 : i32
      %dma_wait3A_241 = tpu.memref_slice %arg9[%add3A_212, %dma_wait3A_240] : memref<50048x32xf32, #tpu.memory_space<vmem_shared>> -> memref<512x32xf32, #tpu.memory_space<vmem_shared>>
      %dma_wait3A_242 = arith.constant 0 : i32
      %dma_wait3A_243 = arith.constant 0 : i32
      %dma_wait3A_244 = tpu.memref_slice %arg8[%dma_wait3A_242, %dma_wait3A_243] : memref<512x32xf32, #tpu.memory_space<vmem>> -> memref<512x32xf32, #tpu.memory_space<vmem>>
      %dma_wait3A_245 = arith.constant 0 : i32
      %dma_wait3A_246 = tpu.memref_slice %arg9[%add3A_212, %dma_wait3A_245] : memref<50048x32xf32, #tpu.memory_space<vmem_shared>> -> memref<512x32xf32, #tpu.memory_space<vmem_shared>>
      tpu.wait_dma2 semaphore(%run_scoped3A : memref<!tpu.dma_semaphore, #tpu.memory_space<semaphore_mem>>) src(%dma_wait3A_246 : memref<512x32xf32, #tpu.memory_space<vmem_shared>>) dst(%dma_wait3A_244 : memref<512x32xf32, #tpu.memory_space<vmem>>)
      tpu.yield
    }) : () -> ()
    %add3A_213 = arith.addi %mul3A_0, %add3A_212 : i32
    "tpu.region"() ({
      %run_scoped3A = tpu.sem_alloc : memref<!tpu.dma_semaphore, #tpu.memory_space<semaphore_mem>>
      %dma_start3A_227 = arith.constant 0 : i32
      %dma_start3A_228 = arith.constant 0 : i32
      %dma_start3A_229 = tpu.memref_slice %arg8[%dma_start3A_227, %dma_start3A_228] : memref<512x32xf32, #tpu.memory_space<vmem>> -> memref<512x32xf32, #tpu.memory_space<vmem>>
      %dma_start3A_230 = arith.constant 0 : i32
      %dma_start3A_231 = tpu.memref_slice %arg4[%add3A_213, %dma_start3A_230] : memref<100000x32xf32, #tpu.memory_space<hbm>> -> memref<512x32xf32, #tpu.memory_space<hbm>>
      %dma_start3A_232 = arith.constant 0 : i32
      %dma_start3A_233 = tpu.memref_slice %arg4[%add3A_213, %dma_start3A_232] : memref<100000x32xf32, #tpu.memory_space<hbm>> -> memref<512x32xf32, #tpu.memory_space<hbm>>
      %dma_start3A_234 = arith.constant 0 : i32
      %dma_start3A_235 = arith.constant 0 : i32
      %dma_start3A_236 = tpu.memref_slice %arg8[%dma_start3A_234, %dma_start3A_235] : memref<512x32xf32, #tpu.memory_space<vmem>> -> memref<512x32xf32, #tpu.memory_space<vmem>>
      tpu.enqueue_dma source(%dma_start3A_236 : memref<512x32xf32, #tpu.memory_space<vmem>>) target(%dma_start3A_233 : memref<512x32xf32, #tpu.memory_space<hbm>>) target_semaphore(%run_scoped3A : memref<!tpu.dma_semaphore, #tpu.memory_space<semaphore_mem>>)
      %dma_wait3A_237 = arith.constant 0 : i32
      %dma_wait3A_238 = arith.constant 0 : i32
      %dma_wait3A_239 = tpu.memref_slice %arg8[%dma_wait3A_237, %dma_wait3A_238] : memref<512x32xf32, #tpu.memory_space<vmem>> -> memref<512x32xf32, #tpu.memory_space<vmem>>
      %dma_wait3A_240 = arith.constant 0 : i32
      %dma_wait3A_241 = tpu.memref_slice %arg4[%add3A_213, %dma_wait3A_240] : memref<100000x32xf32, #tpu.memory_space<hbm>> -> memref<512x32xf32, #tpu.memory_space<hbm>>
      %dma_wait3A_242 = arith.constant 0 : i32
      %dma_wait3A_243 = tpu.memref_slice %arg4[%add3A_213, %dma_wait3A_242] : memref<100000x32xf32, #tpu.memory_space<hbm>> -> memref<512x32xf32, #tpu.memory_space<hbm>>
      %dma_wait3A_244 = arith.constant 0 : i32
      %dma_wait3A_245 = arith.constant 0 : i32
      %dma_wait3A_246 = tpu.memref_slice %arg8[%dma_wait3A_244, %dma_wait3A_245] : memref<512x32xf32, #tpu.memory_space<vmem>> -> memref<512x32xf32, #tpu.memory_space<vmem>>
      tpu.wait_dma2 semaphore(%run_scoped3A : memref<!tpu.dma_semaphore, #tpu.memory_space<semaphore_mem>>) src(%dma_wait3A_246 : memref<512x32xf32, #tpu.memory_space<vmem>>) dst(%dma_wait3A_243 : memref<512x32xf32, #tpu.memory_space<hbm>>)
      tpu.yield
    }) : () -> ()
    %add3A_214 = arith.constant 2048 : i32
    %add3A_215 = arith.addi %mul3A_201, %add3A_214 : i32
    "tpu.region"() ({
      %run_scoped3A = tpu.sem_alloc : memref<!tpu.dma_semaphore, #tpu.memory_space<semaphore_mem>>
      %dma_start3A_227 = arith.constant 0 : i32
      %dma_start3A_228 = arith.constant 0 : i32
      %dma_start3A_229 = tpu.memref_slice %arg8[%dma_start3A_227, %dma_start3A_228] : memref<512x32xf32, #tpu.memory_space<vmem>> -> memref<512x32xf32, #tpu.memory_space<vmem>>
      %dma_start3A_230 = arith.constant 0 : i32
      %dma_start3A_231 = tpu.memref_slice %arg9[%add3A_215, %dma_start3A_230] : memref<50048x32xf32, #tpu.memory_space<vmem_shared>> -> memref<512x32xf32, #tpu.memory_space<vmem_shared>>
      %dma_start3A_232 = arith.constant 0 : i32
      %dma_start3A_233 = arith.constant 0 : i32
      %dma_start3A_234 = tpu.memref_slice %arg8[%dma_start3A_232, %dma_start3A_233] : memref<512x32xf32, #tpu.memory_space<vmem>> -> memref<512x32xf32, #tpu.memory_space<vmem>>
      %dma_start3A_235 = arith.constant 0 : i32
      %dma_start3A_236 = tpu.memref_slice %arg9[%add3A_215, %dma_start3A_235] : memref<50048x32xf32, #tpu.memory_space<vmem_shared>> -> memref<512x32xf32, #tpu.memory_space<vmem_shared>>
      tpu.enqueue_dma source(%dma_start3A_236 : memref<512x32xf32, #tpu.memory_space<vmem_shared>>) target(%dma_start3A_234 : memref<512x32xf32, #tpu.memory_space<vmem>>) target_semaphore(%run_scoped3A : memref<!tpu.dma_semaphore, #tpu.memory_space<semaphore_mem>>)
      %dma_wait3A_237 = arith.constant 0 : i32
      %dma_wait3A_238 = arith.constant 0 : i32
      %dma_wait3A_239 = tpu.memref_slice %arg8[%dma_wait3A_237, %dma_wait3A_238] : memref<512x32xf32, #tpu.memory_space<vmem>> -> memref<512x32xf32, #tpu.memory_space<vmem>>
      %dma_wait3A_240 = arith.constant 0 : i32
      %dma_wait3A_241 = tpu.memref_slice %arg9[%add3A_215, %dma_wait3A_240] : memref<50048x32xf32, #tpu.memory_space<vmem_shared>> -> memref<512x32xf32, #tpu.memory_space<vmem_shared>>
      %dma_wait3A_242 = arith.constant 0 : i32
      %dma_wait3A_243 = arith.constant 0 : i32
      %dma_wait3A_244 = tpu.memref_slice %arg8[%dma_wait3A_242, %dma_wait3A_243] : memref<512x32xf32, #tpu.memory_space<vmem>> -> memref<512x32xf32, #tpu.memory_space<vmem>>
      %dma_wait3A_245 = arith.constant 0 : i32
      %dma_wait3A_246 = tpu.memref_slice %arg9[%add3A_215, %dma_wait3A_245] : memref<50048x32xf32, #tpu.memory_space<vmem_shared>> -> memref<512x32xf32, #tpu.memory_space<vmem_shared>>
      tpu.wait_dma2 semaphore(%run_scoped3A : memref<!tpu.dma_semaphore, #tpu.memory_space<semaphore_mem>>) src(%dma_wait3A_246 : memref<512x32xf32, #tpu.memory_space<vmem_shared>>) dst(%dma_wait3A_244 : memref<512x32xf32, #tpu.memory_space<vmem>>)
      tpu.yield
    }) : () -> ()
    %add3A_216 = arith.addi %mul3A_0, %add3A_215 : i32
    "tpu.region"() ({
      %run_scoped3A = tpu.sem_alloc : memref<!tpu.dma_semaphore, #tpu.memory_space<semaphore_mem>>
      %dma_start3A_227 = arith.constant 0 : i32
      %dma_start3A_228 = arith.constant 0 : i32
      %dma_start3A_229 = tpu.memref_slice %arg8[%dma_start3A_227, %dma_start3A_228] : memref<512x32xf32, #tpu.memory_space<vmem>> -> memref<512x32xf32, #tpu.memory_space<vmem>>
      %dma_start3A_230 = arith.constant 0 : i32
      %dma_start3A_231 = tpu.memref_slice %arg4[%add3A_216, %dma_start3A_230] : memref<100000x32xf32, #tpu.memory_space<hbm>> -> memref<512x32xf32, #tpu.memory_space<hbm>>
      %dma_start3A_232 = arith.constant 0 : i32
      %dma_start3A_233 = tpu.memref_slice %arg4[%add3A_216, %dma_start3A_232] : memref<100000x32xf32, #tpu.memory_space<hbm>> -> memref<512x32xf32, #tpu.memory_space<hbm>>
      %dma_start3A_234 = arith.constant 0 : i32
      %dma_start3A_235 = arith.constant 0 : i32
      %dma_start3A_236 = tpu.memref_slice %arg8[%dma_start3A_234, %dma_start3A_235] : memref<512x32xf32, #tpu.memory_space<vmem>> -> memref<512x32xf32, #tpu.memory_space<vmem>>
      tpu.enqueue_dma source(%dma_start3A_236 : memref<512x32xf32, #tpu.memory_space<vmem>>) target(%dma_start3A_233 : memref<512x32xf32, #tpu.memory_space<hbm>>) target_semaphore(%run_scoped3A : memref<!tpu.dma_semaphore, #tpu.memory_space<semaphore_mem>>)
      %dma_wait3A_237 = arith.constant 0 : i32
      %dma_wait3A_238 = arith.constant 0 : i32
      %dma_wait3A_239 = tpu.memref_slice %arg8[%dma_wait3A_237, %dma_wait3A_238] : memref<512x32xf32, #tpu.memory_space<vmem>> -> memref<512x32xf32, #tpu.memory_space<vmem>>
      %dma_wait3A_240 = arith.constant 0 : i32
      %dma_wait3A_241 = tpu.memref_slice %arg4[%add3A_216, %dma_wait3A_240] : memref<100000x32xf32, #tpu.memory_space<hbm>> -> memref<512x32xf32, #tpu.memory_space<hbm>>
      %dma_wait3A_242 = arith.constant 0 : i32
      %dma_wait3A_243 = tpu.memref_slice %arg4[%add3A_216, %dma_wait3A_242] : memref<100000x32xf32, #tpu.memory_space<hbm>> -> memref<512x32xf32, #tpu.memory_space<hbm>>
      %dma_wait3A_244 = arith.constant 0 : i32
      %dma_wait3A_245 = arith.constant 0 : i32
      %dma_wait3A_246 = tpu.memref_slice %arg8[%dma_wait3A_244, %dma_wait3A_245] : memref<512x32xf32, #tpu.memory_space<vmem>> -> memref<512x32xf32, #tpu.memory_space<vmem>>
      tpu.wait_dma2 semaphore(%run_scoped3A : memref<!tpu.dma_semaphore, #tpu.memory_space<semaphore_mem>>) src(%dma_wait3A_246 : memref<512x32xf32, #tpu.memory_space<vmem>>) dst(%dma_wait3A_243 : memref<512x32xf32, #tpu.memory_space<hbm>>)
      tpu.yield
    }) : () -> ()
    %add3A_217 = arith.constant 2560 : i32
    %add3A_218 = arith.addi %mul3A_201, %add3A_217 : i32
    "tpu.region"() ({
      %run_scoped3A = tpu.sem_alloc : memref<!tpu.dma_semaphore, #tpu.memory_space<semaphore_mem>>
      %dma_start3A_227 = arith.constant 0 : i32
      %dma_start3A_228 = arith.constant 0 : i32
      %dma_start3A_229 = tpu.memref_slice %arg8[%dma_start3A_227, %dma_start3A_228] : memref<512x32xf32, #tpu.memory_space<vmem>> -> memref<512x32xf32, #tpu.memory_space<vmem>>
      %dma_start3A_230 = arith.constant 0 : i32
      %dma_start3A_231 = tpu.memref_slice %arg9[%add3A_218, %dma_start3A_230] : memref<50048x32xf32, #tpu.memory_space<vmem_shared>> -> memref<512x32xf32, #tpu.memory_space<vmem_shared>>
      %dma_start3A_232 = arith.constant 0 : i32
      %dma_start3A_233 = arith.constant 0 : i32
      %dma_start3A_234 = tpu.memref_slice %arg8[%dma_start3A_232, %dma_start3A_233] : memref<512x32xf32, #tpu.memory_space<vmem>> -> memref<512x32xf32, #tpu.memory_space<vmem>>
      %dma_start3A_235 = arith.constant 0 : i32
      %dma_start3A_236 = tpu.memref_slice %arg9[%add3A_218, %dma_start3A_235] : memref<50048x32xf32, #tpu.memory_space<vmem_shared>> -> memref<512x32xf32, #tpu.memory_space<vmem_shared>>
      tpu.enqueue_dma source(%dma_start3A_236 : memref<512x32xf32, #tpu.memory_space<vmem_shared>>) target(%dma_start3A_234 : memref<512x32xf32, #tpu.memory_space<vmem>>) target_semaphore(%run_scoped3A : memref<!tpu.dma_semaphore, #tpu.memory_space<semaphore_mem>>)
      %dma_wait3A_237 = arith.constant 0 : i32
      %dma_wait3A_238 = arith.constant 0 : i32
      %dma_wait3A_239 = tpu.memref_slice %arg8[%dma_wait3A_237, %dma_wait3A_238] : memref<512x32xf32, #tpu.memory_space<vmem>> -> memref<512x32xf32, #tpu.memory_space<vmem>>
      %dma_wait3A_240 = arith.constant 0 : i32
      %dma_wait3A_241 = tpu.memref_slice %arg9[%add3A_218, %dma_wait3A_240] : memref<50048x32xf32, #tpu.memory_space<vmem_shared>> -> memref<512x32xf32, #tpu.memory_space<vmem_shared>>
      %dma_wait3A_242 = arith.constant 0 : i32
      %dma_wait3A_243 = arith.constant 0 : i32
      %dma_wait3A_244 = tpu.memref_slice %arg8[%dma_wait3A_242, %dma_wait3A_243] : memref<512x32xf32, #tpu.memory_space<vmem>> -> memref<512x32xf32, #tpu.memory_space<vmem>>
      %dma_wait3A_245 = arith.constant 0 : i32
      %dma_wait3A_246 = tpu.memref_slice %arg9[%add3A_218, %dma_wait3A_245] : memref<50048x32xf32, #tpu.memory_space<vmem_shared>> -> memref<512x32xf32, #tpu.memory_space<vmem_shared>>
      tpu.wait_dma2 semaphore(%run_scoped3A : memref<!tpu.dma_semaphore, #tpu.memory_space<semaphore_mem>>) src(%dma_wait3A_246 : memref<512x32xf32, #tpu.memory_space<vmem_shared>>) dst(%dma_wait3A_244 : memref<512x32xf32, #tpu.memory_space<vmem>>)
      tpu.yield
    }) : () -> ()
    %add3A_219 = arith.addi %mul3A_0, %add3A_218 : i32
    "tpu.region"() ({
      %run_scoped3A = tpu.sem_alloc : memref<!tpu.dma_semaphore, #tpu.memory_space<semaphore_mem>>
      %dma_start3A_227 = arith.constant 0 : i32
      %dma_start3A_228 = arith.constant 0 : i32
      %dma_start3A_229 = tpu.memref_slice %arg8[%dma_start3A_227, %dma_start3A_228] : memref<512x32xf32, #tpu.memory_space<vmem>> -> memref<512x32xf32, #tpu.memory_space<vmem>>
      %dma_start3A_230 = arith.constant 0 : i32
      %dma_start3A_231 = tpu.memref_slice %arg4[%add3A_219, %dma_start3A_230] : memref<100000x32xf32, #tpu.memory_space<hbm>> -> memref<512x32xf32, #tpu.memory_space<hbm>>
      %dma_start3A_232 = arith.constant 0 : i32
      %dma_start3A_233 = tpu.memref_slice %arg4[%add3A_219, %dma_start3A_232] : memref<100000x32xf32, #tpu.memory_space<hbm>> -> memref<512x32xf32, #tpu.memory_space<hbm>>
      %dma_start3A_234 = arith.constant 0 : i32
      %dma_start3A_235 = arith.constant 0 : i32
      %dma_start3A_236 = tpu.memref_slice %arg8[%dma_start3A_234, %dma_start3A_235] : memref<512x32xf32, #tpu.memory_space<vmem>> -> memref<512x32xf32, #tpu.memory_space<vmem>>
      tpu.enqueue_dma source(%dma_start3A_236 : memref<512x32xf32, #tpu.memory_space<vmem>>) target(%dma_start3A_233 : memref<512x32xf32, #tpu.memory_space<hbm>>) target_semaphore(%run_scoped3A : memref<!tpu.dma_semaphore, #tpu.memory_space<semaphore_mem>>)
      %dma_wait3A_237 = arith.constant 0 : i32
      %dma_wait3A_238 = arith.constant 0 : i32
      %dma_wait3A_239 = tpu.memref_slice %arg8[%dma_wait3A_237, %dma_wait3A_238] : memref<512x32xf32, #tpu.memory_space<vmem>> -> memref<512x32xf32, #tpu.memory_space<vmem>>
      %dma_wait3A_240 = arith.constant 0 : i32
      %dma_wait3A_241 = tpu.memref_slice %arg4[%add3A_219, %dma_wait3A_240] : memref<100000x32xf32, #tpu.memory_space<hbm>> -> memref<512x32xf32, #tpu.memory_space<hbm>>
      %dma_wait3A_242 = arith.constant 0 : i32
      %dma_wait3A_243 = tpu.memref_slice %arg4[%add3A_219, %dma_wait3A_242] : memref<100000x32xf32, #tpu.memory_space<hbm>> -> memref<512x32xf32, #tpu.memory_space<hbm>>
      %dma_wait3A_244 = arith.constant 0 : i32
      %dma_wait3A_245 = arith.constant 0 : i32
      %dma_wait3A_246 = tpu.memref_slice %arg8[%dma_wait3A_244, %dma_wait3A_245] : memref<512x32xf32, #tpu.memory_space<vmem>> -> memref<512x32xf32, #tpu.memory_space<vmem>>
      tpu.wait_dma2 semaphore(%run_scoped3A : memref<!tpu.dma_semaphore, #tpu.memory_space<semaphore_mem>>) src(%dma_wait3A_246 : memref<512x32xf32, #tpu.memory_space<vmem>>) dst(%dma_wait3A_243 : memref<512x32xf32, #tpu.memory_space<hbm>>)
      tpu.yield
    }) : () -> ()
    %lt3A_220 = arith.constant 15 : i32
    %lt3A_221 = arith.cmpi slt, %arg1, %lt3A_220 : i32
    %convert_element_type3A = arith.extui %lt3A_221 : i1 to i32
    %cond3A = arith.constant 0 : i32
    %cond3A_222 = arith.cmpi ne, %convert_element_type3A, %cond3A : i32
    scf.if %cond3A_222 {
      %add3A_227 = arith.constant 3072 : i32
      %add3A_228 = arith.addi %mul3A_201, %add3A_227 : i32
      "tpu.region"() ({
        %run_scoped3A = tpu.sem_alloc : memref<!tpu.dma_semaphore, #tpu.memory_space<semaphore_mem>>
        %dma_start3A_230 = arith.constant 0 : i32
        %dma_start3A_231 = arith.constant 0 : i32
        %dma_start3A_232 = tpu.memref_slice %arg8[%dma_start3A_230, %dma_start3A_231] : memref<512x32xf32, #tpu.memory_space<vmem>> -> memref<56x32xf32, #tpu.memory_space<vmem>>
        %dma_start3A_233 = arith.constant 0 : i32
        %dma_start3A_234 = tpu.memref_slice %arg9[%add3A_228, %dma_start3A_233] : memref<50048x32xf32, #tpu.memory_space<vmem_shared>> -> memref<56x32xf32, #tpu.memory_space<vmem_shared>>
        %dma_start3A_235 = arith.constant 0 : i32
        %dma_start3A_236 = arith.constant 0 : i32
        %dma_start3A_237 = tpu.memref_slice %arg8[%dma_start3A_235, %dma_start3A_236] : memref<512x32xf32, #tpu.memory_space<vmem>> -> memref<56x32xf32, #tpu.memory_space<vmem>>
        %dma_start3A_238 = arith.constant 0 : i32
        %dma_start3A_239 = tpu.memref_slice %arg9[%add3A_228, %dma_start3A_238] : memref<50048x32xf32, #tpu.memory_space<vmem_shared>> -> memref<56x32xf32, #tpu.memory_space<vmem_shared>>
        tpu.enqueue_dma source(%dma_start3A_239 : memref<56x32xf32, #tpu.memory_space<vmem_shared>>) target(%dma_start3A_237 : memref<56x32xf32, #tpu.memory_space<vmem>>) target_semaphore(%run_scoped3A : memref<!tpu.dma_semaphore, #tpu.memory_space<semaphore_mem>>)
        %dma_wait3A_240 = arith.constant 0 : i32
        %dma_wait3A_241 = arith.constant 0 : i32
        %dma_wait3A_242 = tpu.memref_slice %arg8[%dma_wait3A_240, %dma_wait3A_241] : memref<512x32xf32, #tpu.memory_space<vmem>> -> memref<56x32xf32, #tpu.memory_space<vmem>>
        %dma_wait3A_243 = arith.constant 0 : i32
        %dma_wait3A_244 = tpu.memref_slice %arg9[%add3A_228, %dma_wait3A_243] : memref<50048x32xf32, #tpu.memory_space<vmem_shared>> -> memref<56x32xf32, #tpu.memory_space<vmem_shared>>
        %dma_wait3A_245 = arith.constant 0 : i32
        %dma_wait3A_246 = arith.constant 0 : i32
        %dma_wait3A_247 = tpu.memref_slice %arg8[%dma_wait3A_245, %dma_wait3A_246] : memref<512x32xf32, #tpu.memory_space<vmem>> -> memref<56x32xf32, #tpu.memory_space<vmem>>
        %dma_wait3A_248 = arith.constant 0 : i32
        %dma_wait3A_249 = tpu.memref_slice %arg9[%add3A_228, %dma_wait3A_248] : memref<50048x32xf32, #tpu.memory_space<vmem_shared>> -> memref<56x32xf32, #tpu.memory_space<vmem_shared>>
        tpu.wait_dma2 semaphore(%run_scoped3A : memref<!tpu.dma_semaphore, #tpu.memory_space<semaphore_mem>>) src(%dma_wait3A_249 : memref<56x32xf32, #tpu.memory_space<vmem_shared>>) dst(%dma_wait3A_247 : memref<56x32xf32, #tpu.memory_space<vmem>>)
        tpu.yield
      }) : () -> ()
      %add3A_229 = arith.addi %mul3A_0, %add3A_228 : i32
      "tpu.region"() ({
        %run_scoped3A = tpu.sem_alloc : memref<!tpu.dma_semaphore, #tpu.memory_space<semaphore_mem>>
        %dma_start3A_230 = arith.constant 0 : i32
        %dma_start3A_231 = arith.constant 0 : i32
        %dma_start3A_232 = tpu.memref_slice %arg8[%dma_start3A_230, %dma_start3A_231] : memref<512x32xf32, #tpu.memory_space<vmem>> -> memref<56x32xf32, #tpu.memory_space<vmem>>
        %dma_start3A_233 = arith.constant 0 : i32
        %dma_start3A_234 = tpu.memref_slice %arg4[%add3A_229, %dma_start3A_233] : memref<100000x32xf32, #tpu.memory_space<hbm>> -> memref<56x32xf32, #tpu.memory_space<hbm>>
        %dma_start3A_235 = arith.constant 0 : i32
        %dma_start3A_236 = tpu.memref_slice %arg4[%add3A_229, %dma_start3A_235] : memref<100000x32xf32, #tpu.memory_space<hbm>> -> memref<56x32xf32, #tpu.memory_space<hbm>>
        %dma_start3A_237 = arith.constant 0 : i32
        %dma_start3A_238 = arith.constant 0 : i32
        %dma_start3A_239 = tpu.memref_slice %arg8[%dma_start3A_237, %dma_start3A_238] : memref<512x32xf32, #tpu.memory_space<vmem>> -> memref<56x32xf32, #tpu.memory_space<vmem>>
        tpu.enqueue_dma source(%dma_start3A_239 : memref<56x32xf32, #tpu.memory_space<vmem>>) target(%dma_start3A_236 : memref<56x32xf32, #tpu.memory_space<hbm>>) target_semaphore(%run_scoped3A : memref<!tpu.dma_semaphore, #tpu.memory_space<semaphore_mem>>)
        %dma_wait3A_240 = arith.constant 0 : i32
        %dma_wait3A_241 = arith.constant 0 : i32
        %dma_wait3A_242 = tpu.memref_slice %arg8[%dma_wait3A_240, %dma_wait3A_241] : memref<512x32xf32, #tpu.memory_space<vmem>> -> memref<56x32xf32, #tpu.memory_space<vmem>>
        %dma_wait3A_243 = arith.constant 0 : i32
        %dma_wait3A_244 = tpu.memref_slice %arg4[%add3A_229, %dma_wait3A_243] : memref<100000x32xf32, #tpu.memory_space<hbm>> -> memref<56x32xf32, #tpu.memory_space<hbm>>
        %dma_wait3A_245 = arith.constant 0 : i32
        %dma_wait3A_246 = tpu.memref_slice %arg4[%add3A_229, %dma_wait3A_245] : memref<100000x32xf32, #tpu.memory_space<hbm>> -> memref<56x32xf32, #tpu.memory_space<hbm>>
        %dma_wait3A_247 = arith.constant 0 : i32
        %dma_wait3A_248 = arith.constant 0 : i32
        %dma_wait3A_249 = tpu.memref_slice %arg8[%dma_wait3A_247, %dma_wait3A_248] : memref<512x32xf32, #tpu.memory_space<vmem>> -> memref<56x32xf32, #tpu.memory_space<vmem>>
        tpu.wait_dma2 semaphore(%run_scoped3A : memref<!tpu.dma_semaphore, #tpu.memory_space<semaphore_mem>>) src(%dma_wait3A_249 : memref<56x32xf32, #tpu.memory_space<vmem>>) dst(%dma_wait3A_246 : memref<56x32xf32, #tpu.memory_space<hbm>>)
        tpu.yield
      }) : () -> ()
    } else {
    }
    %eq3A = arith.constant 15 : i32
    %eq3A_223 = arith.cmpi eq, %arg1, %eq3A : i32
    %convert_element_type3A_224 = arith.extui %eq3A_223 : i1 to i32
    %cond3A_225 = arith.constant 0 : i32
    %cond3A_226 = arith.cmpi ne, %convert_element_type3A_224, %cond3A_225 : i32
    scf.if %cond3A_226 {
      %add3A_227 = arith.constant 3072 : i32
      %add3A_228 = arith.addi %mul3A_201, %add3A_227 : i32
      "tpu.region"() ({
        %run_scoped3A = tpu.sem_alloc : memref<!tpu.dma_semaphore, #tpu.memory_space<semaphore_mem>>
        %dma_start3A_230 = arith.constant 0 : i32
        %dma_start3A_231 = arith.constant 0 : i32
        %dma_start3A_232 = tpu.memref_slice %arg8[%dma_start3A_230, %dma_start3A_231] : memref<512x32xf32, #tpu.memory_space<vmem>> -> memref<8x32xf32, #tpu.memory_space<vmem>>
        %dma_start3A_233 = arith.constant 0 : i32
        %dma_start3A_234 = tpu.memref_slice %arg9[%add3A_228, %dma_start3A_233] : memref<50048x32xf32, #tpu.memory_space<vmem_shared>> -> memref<8x32xf32, #tpu.memory_space<vmem_shared>>
        %dma_start3A_235 = arith.constant 0 : i32
        %dma_start3A_236 = arith.constant 0 : i32
        %dma_start3A_237 = tpu.memref_slice %arg8[%dma_start3A_235, %dma_start3A_236] : memref<512x32xf32, #tpu.memory_space<vmem>> -> memref<8x32xf32, #tpu.memory_space<vmem>>
        %dma_start3A_238 = arith.constant 0 : i32
        %dma_start3A_239 = tpu.memref_slice %arg9[%add3A_228, %dma_start3A_238] : memref<50048x32xf32, #tpu.memory_space<vmem_shared>> -> memref<8x32xf32, #tpu.memory_space<vmem_shared>>
        tpu.enqueue_dma source(%dma_start3A_239 : memref<8x32xf32, #tpu.memory_space<vmem_shared>>) target(%dma_start3A_237 : memref<8x32xf32, #tpu.memory_space<vmem>>) target_semaphore(%run_scoped3A : memref<!tpu.dma_semaphore, #tpu.memory_space<semaphore_mem>>)
        %dma_wait3A_240 = arith.constant 0 : i32
        %dma_wait3A_241 = arith.constant 0 : i32
        %dma_wait3A_242 = tpu.memref_slice %arg8[%dma_wait3A_240, %dma_wait3A_241] : memref<512x32xf32, #tpu.memory_space<vmem>> -> memref<8x32xf32, #tpu.memory_space<vmem>>
        %dma_wait3A_243 = arith.constant 0 : i32
        %dma_wait3A_244 = tpu.memref_slice %arg9[%add3A_228, %dma_wait3A_243] : memref<50048x32xf32, #tpu.memory_space<vmem_shared>> -> memref<8x32xf32, #tpu.memory_space<vmem_shared>>
        %dma_wait3A_245 = arith.constant 0 : i32
        %dma_wait3A_246 = arith.constant 0 : i32
        %dma_wait3A_247 = tpu.memref_slice %arg8[%dma_wait3A_245, %dma_wait3A_246] : memref<512x32xf32, #tpu.memory_space<vmem>> -> memref<8x32xf32, #tpu.memory_space<vmem>>
        %dma_wait3A_248 = arith.constant 0 : i32
        %dma_wait3A_249 = tpu.memref_slice %arg9[%add3A_228, %dma_wait3A_248] : memref<50048x32xf32, #tpu.memory_space<vmem_shared>> -> memref<8x32xf32, #tpu.memory_space<vmem_shared>>
        tpu.wait_dma2 semaphore(%run_scoped3A : memref<!tpu.dma_semaphore, #tpu.memory_space<semaphore_mem>>) src(%dma_wait3A_249 : memref<8x32xf32, #tpu.memory_space<vmem_shared>>) dst(%dma_wait3A_247 : memref<8x32xf32, #tpu.memory_space<vmem>>)
        tpu.yield
      }) : () -> ()
      %add3A_229 = arith.addi %mul3A_0, %add3A_228 : i32
      "tpu.region"() ({
        %run_scoped3A = tpu.sem_alloc : memref<!tpu.dma_semaphore, #tpu.memory_space<semaphore_mem>>
        %dma_start3A_230 = arith.constant 0 : i32
        %dma_start3A_231 = arith.constant 0 : i32
        %dma_start3A_232 = tpu.memref_slice %arg8[%dma_start3A_230, %dma_start3A_231] : memref<512x32xf32, #tpu.memory_space<vmem>> -> memref<8x32xf32, #tpu.memory_space<vmem>>
        %dma_start3A_233 = arith.constant 0 : i32
        %dma_start3A_234 = tpu.memref_slice %arg4[%add3A_229, %dma_start3A_233] : memref<100000x32xf32, #tpu.memory_space<hbm>> -> memref<8x32xf32, #tpu.memory_space<hbm>>
        %dma_start3A_235 = arith.constant 0 : i32
        %dma_start3A_236 = tpu.memref_slice %arg4[%add3A_229, %dma_start3A_235] : memref<100000x32xf32, #tpu.memory_space<hbm>> -> memref<8x32xf32, #tpu.memory_space<hbm>>
        %dma_start3A_237 = arith.constant 0 : i32
        %dma_start3A_238 = arith.constant 0 : i32
        %dma_start3A_239 = tpu.memref_slice %arg8[%dma_start3A_237, %dma_start3A_238] : memref<512x32xf32, #tpu.memory_space<vmem>> -> memref<8x32xf32, #tpu.memory_space<vmem>>
        tpu.enqueue_dma source(%dma_start3A_239 : memref<8x32xf32, #tpu.memory_space<vmem>>) target(%dma_start3A_236 : memref<8x32xf32, #tpu.memory_space<hbm>>) target_semaphore(%run_scoped3A : memref<!tpu.dma_semaphore, #tpu.memory_space<semaphore_mem>>)
        %dma_wait3A_240 = arith.constant 0 : i32
        %dma_wait3A_241 = arith.constant 0 : i32
        %dma_wait3A_242 = tpu.memref_slice %arg8[%dma_wait3A_240, %dma_wait3A_241] : memref<512x32xf32, #tpu.memory_space<vmem>> -> memref<8x32xf32, #tpu.memory_space<vmem>>
        %dma_wait3A_243 = arith.constant 0 : i32
        %dma_wait3A_244 = tpu.memref_slice %arg4[%add3A_229, %dma_wait3A_243] : memref<100000x32xf32, #tpu.memory_space<hbm>> -> memref<8x32xf32, #tpu.memory_space<hbm>>
        %dma_wait3A_245 = arith.constant 0 : i32
        %dma_wait3A_246 = tpu.memref_slice %arg4[%add3A_229, %dma_wait3A_245] : memref<100000x32xf32, #tpu.memory_space<hbm>> -> memref<8x32xf32, #tpu.memory_space<hbm>>
        %dma_wait3A_247 = arith.constant 0 : i32
        %dma_wait3A_248 = arith.constant 0 : i32
        %dma_wait3A_249 = tpu.memref_slice %arg8[%dma_wait3A_247, %dma_wait3A_248] : memref<512x32xf32, #tpu.memory_space<vmem>> -> memref<8x32xf32, #tpu.memory_space<vmem>>
        tpu.wait_dma2 semaphore(%run_scoped3A : memref<!tpu.dma_semaphore, #tpu.memory_space<semaphore_mem>>) src(%dma_wait3A_249 : memref<8x32xf32, #tpu.memory_space<vmem>>) dst(%dma_wait3A_246 : memref<8x32xf32, #tpu.memory_space<hbm>>)
        tpu.yield
      }) : () -> ()
    } else {
    }
    return
  }
}

module attributes {stable_mosaic.version = 14 : i64} {
  func.func @body(%arg0: i32, %arg1: memref<5000x32xf32, #tpu.memory_space<vmem>>, %arg2: memref<32x32xf32, #tpu.memory_space<vmem>>, %arg3: memref<32x32xf32, #tpu.memory_space<vmem>>, %arg4: memref<8x32xf32, #tpu.memory_space<vmem>>, %arg5: memref<5000x32xf32, #tpu.memory_space<vmem>>, %arg6: memref<5000x32xf32, #tpu.memory_space<vmem>>) attributes {dimension_semantics = [#tpu.dimension_semantics<arbitrary>], iteration_bounds = array<i64: 20>, scalar_prefetch = 0 : i64, scratch_operands = 0 : i64, tpu.core_type = #tpu.core_type<tc>, window_params = [{transform_indices = @transform_0, window_bounds = array<i64: 5000, 32>}, {pipeline_mode = #tpu.pipeline_mode<synchronous>, transform_indices = @transform_1, window_bounds = array<i64: 32, 32>}, {pipeline_mode = #tpu.pipeline_mode<synchronous>, transform_indices = @transform_2, window_bounds = array<i64: 32, 32>}, {pipeline_mode = #tpu.pipeline_mode<synchronous>, transform_indices = @transform_3, window_bounds = array<i64: 8, 32>}, {transform_indices = @transform_4, window_bounds = array<i64: 5000, 32>}, {transform_indices = @transform_5, window_bounds = array<i64: 5000, 32>}]} {
    %get3A = arith.constant 0 : index
    %get3A_0 = arith.constant 0 : index
    %get3A_1 = vector.load %arg1[%get3A, %get3A_0] : memref<5000x32xf32, #tpu.memory_space<vmem>>, vector<5000x32xf32>
    %get3A_2 = arith.constant 0 : index
    %get3A_3 = arith.constant 0 : index
    %get3A_4 = vector.load %arg2[%get3A_2, %get3A_3] : memref<32x32xf32, #tpu.memory_space<vmem>>, vector<32x32xf32>
    %dot_general3A = arith.constant dense<0.000000e+00> : vector<5000x32xf32>
    %dot_general3A_5 = tpu.matmul %get3A_1, %get3A_4, %dot_general3A {dimension_numbers = #tpu.dot_dimension_numbers<[1], [0], [0], [1], [0, 0, 1, 1], [], []>, transpose_lhs_hint = false} : vector<5000x32xf32>, vector<32x32xf32>, vector<5000x32xf32> -> vector<5000x32xf32>
    %get3A_6 = arith.constant 0 : index
    %get3A_7 = arith.constant 0 : index
    %get3A_8 = vector.load %arg4[%get3A_6, %get3A_7] : memref<8x32xf32, #tpu.memory_space<vmem>>, vector<1x32xf32>
    %add3A = vector.broadcast %get3A_8 : vector<1x32xf32> to vector<5000x32xf32>
    %add3A_9 = arith.addf %dot_general3A_5, %add3A : vector<5000x32xf32>
    %swap3A = arith.constant 0 : index
    %swap3A_10 = arith.constant 0 : index
    %swap3A_11 = vector.load %arg5[%swap3A, %swap3A_10] : memref<5000x32xf32, #tpu.memory_space<vmem>>, vector<5000x32xf32>
    tpu.vector_store %arg5[%swap3A, %swap3A_10], %add3A_9 {strides = array<i32>} : memref<5000x32xf32, #tpu.memory_space<vmem>>, vector<5000x32xf32>,
    %get3A_12 = arith.constant 0 : index
    %get3A_13 = arith.constant 0 : index
    %get3A_14 = vector.load %arg3[%get3A_12, %get3A_13] : memref<32x32xf32, #tpu.memory_space<vmem>>, vector<32x32xf32>
    %dot_general3A_15 = arith.constant dense<0.000000e+00> : vector<5000x32xf32>
    %dot_general3A_16 = tpu.matmul %get3A_1, %get3A_14, %dot_general3A_15 {dimension_numbers = #tpu.dot_dimension_numbers<[1], [0], [0], [1], [0, 0, 1, 1], [], []>, transpose_lhs_hint = false} : vector<5000x32xf32>, vector<32x32xf32>, vector<5000x32xf32> -> vector<5000x32xf32>
    %swap3A_17 = arith.constant 0 : index
    %swap3A_18 = arith.constant 0 : index
    %swap3A_19 = vector.load %arg6[%swap3A_17, %swap3A_18] : memref<5000x32xf32, #tpu.memory_space<vmem>>, vector<5000x32xf32>
    tpu.vector_store %arg6[%swap3A_17, %swap3A_18], %dot_general3A_16 {strides = array<i32>} : memref<5000x32xf32, #tpu.memory_space<vmem>>, vector<5000x32xf32>,
    return
  }
  func.func @transform_0(%arg0: i32) -> (i32, i32) {
    %c0_i32 = arith.constant 0 : i32
    %c0_i32_0 = arith.constant 0 : i32
    return %arg0, %c0_i32 : i32, i32
  }
  func.func @transform_1(%arg0: i32) -> (i32, i32) {
    %c0_i32 = arith.constant 0 : i32
    %c0_i32_0 = arith.constant 0 : i32
    %c0_i32_1 = arith.constant 0 : i32
    return %c0_i32, %c0_i32_0 : i32, i32
  }
  func.func @transform_2(%arg0: i32) -> (i32, i32) {
    %c0_i32 = arith.constant 0 : i32
    %c0_i32_0 = arith.constant 0 : i32
    %c0_i32_1 = arith.constant 0 : i32
    return %c0_i32, %c0_i32_0 : i32, i32
  }
  func.func @transform_3(%arg0: i32) -> (i32, i32) {
    %c0_i32 = arith.constant 0 : i32
    %c0_i32_0 = arith.constant 0 : i32
    %c0_i32_1 = arith.constant 0 : i32
    return %c0_i32, %c0_i32_0 : i32, i32
  }
  func.func @transform_4(%arg0: i32) -> (i32, i32) {
    %c0_i32 = arith.constant 0 : i32
    %c0_i32_0 = arith.constant 0 : i32
    return %arg0, %c0_i32 : i32, i32
  }
  func.func @transform_5(%arg0: i32) -> (i32, i32) {
    %c0_i32 = arith.constant 0 : i32
    %c0_i32_0 = arith.constant 0 : i32
    return %arg0, %c0_i32 : i32, i32
  }
}

module attributes {stable_mosaic.version = 14 : i64} {
  func.func @body(%arg0: i32, %arg1: memref<2000x128xf32, #tpu.memory_space<vmem>>, %arg2: memref<2000x128xf32, #tpu.memory_space<vmem>>, %arg3: memref<2000x24xf32, #tpu.memory_space<vmem>>, %arg4: memref<24x128xf32, #tpu.memory_space<vmem>>, %arg5: memref<128x24xf32, #tpu.memory_space<vmem>>, %arg6: memref<8x24xf32, #tpu.memory_space<vmem>>, %arg7: memref<128x256xf32, #tpu.memory_space<vmem>>, %arg8: memref<24x256xf32, #tpu.memory_space<vmem>>, %arg9: memref<8x256xf32, #tpu.memory_space<vmem>>, %arg10: memref<256x128xf32, #tpu.memory_space<vmem>>, %arg11: memref<8x128xf32, #tpu.memory_space<vmem>>, %arg12: memref<2000x24xf32, #tpu.memory_space<vmem>>, %arg13: memref<2000x128xf32, #tpu.memory_space<vmem>>) attributes {dimension_semantics = [#tpu.dimension_semantics<arbitrary>], iteration_bounds = array<i64: 200>, scalar_prefetch = 0 : i64, scratch_operands = 0 : i64, tpu.core_type = #tpu.core_type<tc>, window_params = [{transform_indices = @transform_0, window_bounds = array<i64: 2000, 128>}, {transform_indices = @transform_1, window_bounds = array<i64: 2000, 128>}, {transform_indices = @transform_2, window_bounds = array<i64: 2000, 24>}, {pipeline_mode = #tpu.pipeline_mode<synchronous>, transform_indices = @transform_3, window_bounds = array<i64: 24, 128>}, {pipeline_mode = #tpu.pipeline_mode<synchronous>, transform_indices = @transform_4, window_bounds = array<i64: 128, 24>}, {pipeline_mode = #tpu.pipeline_mode<synchronous>, transform_indices = @transform_5, window_bounds = array<i64: 8, 24>}, {pipeline_mode = #tpu.pipeline_mode<synchronous>, transform_indices = @transform_6, window_bounds = array<i64: 128, 256>}, {pipeline_mode = #tpu.pipeline_mode<synchronous>, transform_indices = @transform_7, window_bounds = array<i64: 24, 256>}, {pipeline_mode = #tpu.pipeline_mode<synchronous>, transform_indices = @transform_8, window_bounds = array<i64: 8, 256>}, {pipeline_mode = #tpu.pipeline_mode<synchronous>, transform_indices = @transform_9, window_bounds = array<i64: 256, 128>}, {pipeline_mode = #tpu.pipeline_mode<synchronous>, transform_indices = @transform_10, window_bounds = array<i64: 8, 128>}, {transform_indices = @transform_11, window_bounds = array<i64: 2000, 24>}, {transform_indices = @transform_12, window_bounds = array<i64: 2000, 128>}]} {
    %get3A = arith.constant 0 : index
    %get3A_0 = arith.constant 0 : index
    %get3A_1 = vector.load %arg1[%get3A, %get3A_0] : memref<2000x128xf32, #tpu.memory_space<vmem>>, vector<2000x128xf32>
    %get3A_2 = arith.constant 0 : index
    %get3A_3 = arith.constant 0 : index
    %get3A_4 = vector.load %arg3[%get3A_2, %get3A_3] : memref<2000x24xf32, #tpu.memory_space<vmem>>, vector<2000x24xf32>
    %get3A_5 = arith.constant 0 : index
    %get3A_6 = arith.constant 0 : index
    %get3A_7 = vector.load %arg4[%get3A_5, %get3A_6] : memref<24x128xf32, #tpu.memory_space<vmem>>, vector<24x128xf32>
    %dot_general3A = arith.constant dense<0.000000e+00> : vector<2000x128xf32>
    %dot_general3A_8 = tpu.matmul %get3A_4, %get3A_7, %dot_general3A {dimension_numbers = #tpu.dot_dimension_numbers<[1], [0], [0], [1], [0, 0, 1, 1], [], []>, transpose_lhs_hint = false} : vector<2000x24xf32>, vector<24x128xf32>, vector<2000x128xf32> -> vector<2000x128xf32>
    %add3A = arith.addf %get3A_1, %dot_general3A_8 : vector<2000x128xf32>
    %max3A = arith.constant 0.000000e+00 : f32
    %max3A_9 = vector.broadcast %max3A : f32 to vector<2000x128xf32>
    %max3A_10 = arith.maximumf %add3A, %max3A_9 : vector<2000x128xf32>
    %get3A_11 = arith.constant 0 : index
    %get3A_12 = arith.constant 0 : index
    %get3A_13 = vector.load %arg5[%get3A_11, %get3A_12] : memref<128x24xf32, #tpu.memory_space<vmem>>, vector<128x24xf32>
    %dot_general3A_14 = arith.constant dense<0.000000e+00> : vector<2000x24xf32>
    %dot_general3A_15 = tpu.matmul %max3A_10, %get3A_13, %dot_general3A_14 {dimension_numbers = #tpu.dot_dimension_numbers<[1], [0], [0], [1], [0, 0, 1, 1], [], []>, transpose_lhs_hint = false} : vector<2000x128xf32>, vector<128x24xf32>, vector<2000x24xf32> -> vector<2000x24xf32>
    %get3A_16 = arith.constant 0 : index
    %get3A_17 = arith.constant 0 : index
    %get3A_18 = vector.load %arg6[%get3A_16, %get3A_17] : memref<8x24xf32, #tpu.memory_space<vmem>>, vector<1x24xf32>
    %add3A_19 = vector.broadcast %get3A_18 : vector<1x24xf32> to vector<2000x24xf32>
    %add3A_20 = arith.addf %dot_general3A_15, %add3A_19 : vector<2000x24xf32>
    %get3A_21 = arith.constant 0 : index
    %get3A_22 = arith.constant 0 : index
    %get3A_23 = vector.load %arg2[%get3A_21, %get3A_22] : memref<2000x128xf32, #tpu.memory_space<vmem>>, vector<2000x128xf32>
    %get3A_24 = arith.constant 0 : index
    %get3A_25 = arith.constant 0 : index
    %get3A_26 = vector.load %arg7[%get3A_24, %get3A_25] : memref<128x256xf32, #tpu.memory_space<vmem>>, vector<128x256xf32>
    %dot_general3A_27 = arith.constant dense<0.000000e+00> : vector<2000x256xf32>
    %dot_general3A_28 = tpu.matmul %get3A_23, %get3A_26, %dot_general3A_27 {dimension_numbers = #tpu.dot_dimension_numbers<[1], [0], [0], [1], [0, 0, 1, 1], [], []>, transpose_lhs_hint = false} : vector<2000x128xf32>, vector<128x256xf32>, vector<2000x256xf32> -> vector<2000x256xf32>
    %get3A_29 = arith.constant 0 : index
    %get3A_30 = arith.constant 0 : index
    %get3A_31 = vector.load %arg8[%get3A_29, %get3A_30] : memref<24x256xf32, #tpu.memory_space<vmem>>, vector<24x256xf32>
    %dot_general3A_32 = arith.constant dense<0.000000e+00> : vector<2000x256xf32>
    %dot_general3A_33 = tpu.matmul %add3A_20, %get3A_31, %dot_general3A_32 {dimension_numbers = #tpu.dot_dimension_numbers<[1], [0], [0], [1], [0, 0, 1, 1], [], []>, transpose_lhs_hint = false} : vector<2000x24xf32>, vector<24x256xf32>, vector<2000x256xf32> -> vector<2000x256xf32>
    %add3A_34 = arith.addf %dot_general3A_28, %dot_general3A_33 : vector<2000x256xf32>
    %get3A_35 = arith.constant 0 : index
    %get3A_36 = arith.constant 0 : index
    %get3A_37 = vector.load %arg9[%get3A_35, %get3A_36] : memref<8x256xf32, #tpu.memory_space<vmem>>, vector<1x256xf32>
    %add3A_38 = vector.broadcast %get3A_37 : vector<1x256xf32> to vector<2000x256xf32>
    %add3A_39 = arith.addf %add3A_34, %add3A_38 : vector<2000x256xf32>
    %max3A_40 = arith.constant 0.000000e+00 : f32
    %max3A_41 = vector.broadcast %max3A_40 : f32 to vector<2000x256xf32>
    %max3A_42 = arith.maximumf %add3A_39, %max3A_41 : vector<2000x256xf32>
    %get3A_43 = arith.constant 0 : index
    %get3A_44 = arith.constant 0 : index
    %get3A_45 = vector.load %arg10[%get3A_43, %get3A_44] : memref<256x128xf32, #tpu.memory_space<vmem>>, vector<256x128xf32>
    %dot_general3A_46 = arith.constant dense<0.000000e+00> : vector<2000x128xf32>
    %dot_general3A_47 = tpu.matmul %max3A_42, %get3A_45, %dot_general3A_46 {dimension_numbers = #tpu.dot_dimension_numbers<[1], [0], [0], [1], [0, 0, 1, 1], [], []>, transpose_lhs_hint = false} : vector<2000x256xf32>, vector<256x128xf32>, vector<2000x128xf32> -> vector<2000x128xf32>
    %get3A_48 = arith.constant 0 : index
    %get3A_49 = arith.constant 0 : index
    %get3A_50 = vector.load %arg11[%get3A_48, %get3A_49] : memref<8x128xf32, #tpu.memory_space<vmem>>, vector<1x128xf32>
    %add3A_51 = vector.broadcast %get3A_50 : vector<1x128xf32> to vector<2000x128xf32>
    %add3A_52 = arith.addf %dot_general3A_47, %add3A_51 : vector<2000x128xf32>
    %swap3A = arith.constant 0 : index
    %swap3A_53 = arith.constant 0 : index
    %swap3A_54 = vector.load %arg12[%swap3A, %swap3A_53] : memref<2000x24xf32, #tpu.memory_space<vmem>>, vector<2000x24xf32>
    tpu.vector_store %arg12[%swap3A, %swap3A_53], %add3A_20 {strides = array<i32>} : memref<2000x24xf32, #tpu.memory_space<vmem>>, vector<2000x24xf32>,
    %swap3A_55 = arith.constant 0 : index
    %swap3A_56 = arith.constant 0 : index
    %swap3A_57 = vector.load %arg13[%swap3A_55, %swap3A_56] : memref<2000x128xf32, #tpu.memory_space<vmem>>, vector<2000x128xf32>
    tpu.vector_store %arg13[%swap3A_55, %swap3A_56], %add3A_52 {strides = array<i32>} : memref<2000x128xf32, #tpu.memory_space<vmem>>, vector<2000x128xf32>,
    return
  }
  func.func @transform_0(%arg0: i32) -> (i32, i32) {
    %c0_i32 = arith.constant 0 : i32
    %c0_i32_0 = arith.constant 0 : i32
    return %arg0, %c0_i32 : i32, i32
  }
  func.func @transform_1(%arg0: i32) -> (i32, i32) {
    %c0_i32 = arith.constant 0 : i32
    %c0_i32_0 = arith.constant 0 : i32
    return %arg0, %c0_i32 : i32, i32
  }
  func.func @transform_2(%arg0: i32) -> (i32, i32) {
    %add3A = arith.constant 0 : i32
    %add3A_0 = arith.addi %arg0, %add3A : i32
    %c0_i32 = arith.constant 0 : i32
    %c0_i32_1 = arith.constant 0 : i32
    return %add3A_0, %c0_i32 : i32, i32
  }
  func.func @transform_3(%arg0: i32) -> (i32, i32) {
    %c0_i32 = arith.constant 0 : i32
    %c0_i32_0 = arith.constant 0 : i32
    %c0_i32_1 = arith.constant 0 : i32
    return %c0_i32, %c0_i32_0 : i32, i32
  }
  func.func @transform_4(%arg0: i32) -> (i32, i32) {
    %c0_i32 = arith.constant 0 : i32
    %c0_i32_0 = arith.constant 0 : i32
    %c0_i32_1 = arith.constant 0 : i32
    return %c0_i32, %c0_i32_0 : i32, i32
  }
  func.func @transform_5(%arg0: i32) -> (i32, i32) {
    %c0_i32 = arith.constant 0 : i32
    %c0_i32_0 = arith.constant 0 : i32
    %c0_i32_1 = arith.constant 0 : i32
    return %c0_i32, %c0_i32_0 : i32, i32
  }
  func.func @transform_6(%arg0: i32) -> (i32, i32) {
    %c0_i32 = arith.constant 0 : i32
    %c0_i32_0 = arith.constant 0 : i32
    %c0_i32_1 = arith.constant 0 : i32
    return %c0_i32, %c0_i32_0 : i32, i32
  }
  func.func @transform_7(%arg0: i32) -> (i32, i32) {
    %c0_i32 = arith.constant 0 : i32
    %c0_i32_0 = arith.constant 0 : i32
    %c0_i32_1 = arith.constant 0 : i32
    return %c0_i32, %c0_i32_0 : i32, i32
  }
  func.func @transform_8(%arg0: i32) -> (i32, i32) {
    %c0_i32 = arith.constant 0 : i32
    %c0_i32_0 = arith.constant 0 : i32
    %c0_i32_1 = arith.constant 0 : i32
    return %c0_i32, %c0_i32_0 : i32, i32
  }
  func.func @transform_9(%arg0: i32) -> (i32, i32) {
    %c0_i32 = arith.constant 0 : i32
    %c0_i32_0 = arith.constant 0 : i32
    %c0_i32_1 = arith.constant 0 : i32
    return %c0_i32, %c0_i32_0 : i32, i32
  }
  func.func @transform_10(%arg0: i32) -> (i32, i32) {
    %c0_i32 = arith.constant 0 : i32
    %c0_i32_0 = arith.constant 0 : i32
    %c0_i32_1 = arith.constant 0 : i32
    return %c0_i32, %c0_i32_0 : i32, i32
  }
  func.func @transform_11(%arg0: i32) -> (i32, i32) {
    %c0_i32 = arith.constant 0 : i32
    %c0_i32_0 = arith.constant 0 : i32
    return %arg0, %c0_i32 : i32, i32
  }
  func.func @transform_12(%arg0: i32) -> (i32, i32) {
    %c0_i32 = arith.constant 0 : i32
    %c0_i32_0 = arith.constant 0 : i32
    return %arg0, %c0_i32 : i32, i32
  }
}

</mosaic_0001>

<sc_bundles>
// kernel: kernel.6.cloned.1.call-start
scs
__scs_entry_jumppad:
0x0: {  	(pc) =	sbr.rel $0x88, $3  }
0x1: {  	(tag) =	ssettag $0x0;
	lr =	simm.s32 $0x1  }
0x2: {  	[smem:$0x3F95] =	sst lr;
	_ =	strace $0xD0000000  }
0x3: {  	_ = 	snop  }
0x4: {  	_ = 	snop  }
0x5: {  	_ = 	snop  }
0x6: {  	_ = 	snop  }
0x7: {  	_ = 	snop  }
__scs_overlays_trampoline_lowered:
0x8: {  	[smem:$0x3FA4] =	sst s0  }
0x9: {  	[smem:$0x3FA5] =	sst s1  }
0xa: {  	[smem:$0x3FA6] =	sst s2  }
0xb: {  	[smem:$0x3FA7] =	sst s3  }
0xc: {  	[smem:$0x3FA8] =	sst s4  }
0xd: {  	[smem:$0x3FA9] =	sst s5  }
0xe: {  	[smem:$0x3FAA] =	sst s6  }
0xf: {  	[smem:$0x3FAB] =	sst s7  }
0x10: {  	[smem:$0x3FAC] =	sst s8  }
0x11: {  	[smem:$0x3FAD] =	sst s9;
	s0 =	simm.s32 @!p0 $0x0  }
0x12: {  	s1 =	sld [smem:$0x3F93];
	s0 =	simm.s32 @p0 $0x1  }
0x13: {  	[smem:$0x3FAE] =	sst s0;
	s0 =	simm.s32 @!p1 $0x0  }
0x14: {  	s2 =	sld [smem:$0x3F92];
	s0 =	simm.s32 @p1 $0x1  }
0x15: {  	[smem:$0x3FAF] =	sst s0;
	s0 =	simm.s32 @!p2 $0x0  }
0x16: {  	s3 =	sld [smem:$0x3FDB];
	s0 =	simm.s32 @p2 $0x1  }
0x17: {  	s4 =	simm.s32 $0x1BF5;
	[smem:$0x3FB1] =	sst s0  }
0x18: {  	s0 =	sld [smem:$0x3F94];
	_ =	swait.ge [sflag:s4], $0x0  }
0x19: {  	s7 =	sld [smem:$0x3F95]  }
0x1a: {  	s8 =	sadd.s32 $0xFFFFE003, lr  }
0x1b: {  	s9 =	sadd.s32 $0xFFFFFEF7, lr;
	s5 =	simm.s32 $0xFFFFFFFF;
	p2 =	slt.u32 s8, $0xFFFFF086  }
0x1c: {  	p1 =	slt.u32 s9, $0xF7A;
	s5 =	simm.s32 @!p2 $0x0  }
0x1d: {  	s5 =	simm.s32 @p1 $0x1;
	p0 =	seq.s32 s7, s2  }
0x1e: {  	s7 =	smul.u32 @!p0 $0xF7A, s2;
	p2 =	seq.s32 @!p0 s5, $0x0  }
0x1f: {  	s9 =	smul.u32 $0xF7A, s1;
	s8 =	simm.s32 @!p0 $0x1BF5;
	p2 =	por !p2, p0  }
0x20: {  	[sflag:s8] =	ssyncset.s32 @!p0 $0xFFFFF086;
	s6 =	sadd.s32 @!p0 s3, s7;
	s7 =	simm.s32 @!p0 $0x108  }
0x21: {  	s3 =	sadd.s32 s3, s9;
	s6 =	sadd.s32 @!p0 $0x88, s6;
	s7 =	simm.s32 @p2 $0x1082  }
0x22: {  	[simem:s7], [sflag:s8] =	dma.local @!p0 [hbm:s6], $0xF7A  }
0x23: {  	s9 =	sor.u32 $0xD0000000, s2;
	s6 =	simm.s32 $0x108;
	_ =	swait.ge @!p0 [sflag:s8], $0x0  }
0x24: {  	s3 =	sadd.s32 $0x88, s3;
	s6 =	simm.s32 @!p1 $0x1082;
	[sflag:s4] =	ssyncset.s32 $0xFFFFF086  }
0x25: {  	[simem:s6], [sflag:s4] =	dma.local [hbm:s3], $0xF7A  }
0x26: {  	[smem:$0x3F95] =	sst s1;
	(tag) =	ssettag s2;
	_ =	strace s9  }
0x27: {  	s1 =	sld [smem:$0x3FA5]  }
0x28: {  	s2 =	sld [smem:$0x3FA6]  }
0x29: {  	s4 =	sld [smem:$0x3FA8]  }
0x2a: {  	p0 =	seq.s32 s5, $0x0;
	s5 =	sld [smem:$0x3FA9]  }
0x2b: {  	s6 =	sld [smem:$0x3FAA]  }
0x2c: {  	s7 =	sld [smem:$0x3FAB]  }
0x2d: {  	s3 =	simm.s32 $0x108;
	s8 =	sld [smem:$0x3FAC]  }
0x2e: {  	s3 =	simm.s32 @!p0 $0x1082;
	s9 =	sld [smem:$0x3FAD]  }
0x2f: {  	lr =	sadd.s32 s0, s3;
	s0 =	sld [smem:$0x3FA4]  }
0x30: {  	s3 =	sld [smem:$0x3FA7]  }
0x31: {  	[smem:$0x3FB0] =	sst s10  }
0x32: {  	s10 =	sld [smem:$0x3FAE];
	_ =	sdelay $0x3  }
0x33: {  	p0 =	seq.s32 s10, $0x1;
	s10 =	sld [smem:$0x3FB0];
	_ =	sdelay $0x3  }
0x34: {  	[smem:$0x3FB0] =	sst s10  }
0x35: {  	s10 =	sld [smem:$0x3FAF];
	_ =	sdelay $0x3  }
0x36: {  	p1 =	seq.s32 s10, $0x1;
	s10 =	sld [smem:$0x3FB0];
	_ =	sdelay $0x3  }
0x37: {  	[smem:$0x3FB0] =	sst s10  }
0x38: {  	s10 =	sld [smem:$0x3FB1]  }
0x39: {  	_ = 	snop;
	(pc) =	sbr.ind lr, $3  }
0x3a: {  	_ = 	snop  }
0x3b: {  	_ = 	snop  }
0x3c: {  	p2 =	seq.s32 s10, $0x1;
	s10 =	sld [smem:$0x3FB0]  }
0x3d: {  	_ =	shalt  }
0x3e: {  	_ =	shalt  }
0x3f: {  	_ =	shalt  }
0x40: {  	_ =	shalt  }
0x41: {  	_ =	shalt  }
0x42: {  	_ =	shalt  }
0x43: {  	_ =	shalt  }
0x44: {  	_ =	shalt  }
0x45: {  	_ =	shalt  }
0x46: {  	_ =	shalt  }
0x47: {  	_ =	shalt  }
0x48: {  	_ =	shalt  }
0x49: {  	_ =	shalt  }
0x4a: {  	_ =	shalt  }
0x4b: {  	_ =	shalt  }
0x4c: {  	_ =	shalt  }
0x4d: {  	_ =	shalt  }
0x4e: {  	_ =	shalt  }
0x4f: {  	_ =	shalt  }
0x50: {  	_ =	shalt  }
0x51: {  	_ =	shalt  }
0x52: {  	_ =	shalt  }
0x53: {  	_ =	shalt  }
0x54: {  	_ =	shalt  }
0x55: {  	_ =	shalt  }
0x56: {  	_ =	shalt  }
0x57: {  	_ =	shalt  }
0x58: {  	_ =	shalt  }
0x59: {  	_ =	shalt  }
0x5a: {  	_ =	shalt  }
0x5b: {  	_ =	shalt  }
0x5c: {  	_ =	shalt  }
0x5d: {  	_ =	shalt  }
0x5e: {  	_ =	shalt  }
0x5f: {  	_ =	shalt  }
0x60: {  	_ =	shalt  }
0x61: {  	_ =	shalt  }
0x62: {  	_ =	shalt  }
0x63: {  	_ =	shalt  }
0x64: {  	_ =	shalt  }
0x65: {  	_ =	shalt  }
0x66: {  	_ =	shalt  }
0x67: {  	_ =	shalt  }
0x68: {  	_ =	shalt  }
0x69: {  	_ =	shalt  }
0x6a: {  	_ =	shalt  }
0x6b: {  	_ =	shalt  }
0x6c: {  	_ =	shalt  }
0x6d: {  	_ =	shalt  }
0x6e: {  	_ =	shalt  }
0x6f: {  	_ =	shalt  }
0x70: {  	_ =	shalt  }
0x71: {  	_ =	shalt  }
0x72: {  	_ =	shalt  }
0x73: {  	_ =	shalt  }
0x74: {  	_ =	shalt  }
0x75: {  	_ =	shalt  }
0x76: {  	_ =	shalt  }
0x77: {  	_ =	shalt  }
0x78: {  	_ =	shalt  }
0x79: {  	_ =	shalt  }
0x7a: {  	_ =	shalt  }
0x7b: {  	_ =	shalt  }
0x7c: {  	_ =	shalt  }
0x7d: {  	_ =	shalt  }
0x7e: {  	_ =	shalt  }
0x7f: {  	_ =	shalt  }
0x80: {  	_ =	shalt  }
0x81: {  	_ =	shalt  }
0x82: {  	_ =	shalt  }
0x83: {  	_ =	shalt  }
0x84: {  	_ =	shalt  }
0x85: {  	_ =	shalt  }
0x86: {  	_ =	shalt  }
0x87: {  	_ =	shalt  }
.Lfunc_end0:
.L_simem_size_0:
called_computation.1_lowered:
.L_overlay_start_0:
0x88: {  	s2 =	sld [smem:$0x3FD9]  }
0x89: {  	s3 =	sld [smem:$0x3FFE];
	_ =	sdelay $0x1  }
0x8a: {  	s1 =	srdreg.scid  }
0x8b: {  	s0 =	sand.u32 $0x1, s1  }
0x8c: {  	s14 =	sshll.u32 s0, $0xA;
	s2 =	sadd.s32 s3, s2  }
0x8d: {  	s2 =	sadd.s32 s2, s14  }
0x8e: {  	[smem:$0x3FBC] =	sst s2  }
0x8f: {  	_ = 	snop  }
0x90: {  	s2 =	sld [smem:$0x3FD0];
	_ =	sdelay $0x2  }
0x91: {  	s4 =	simm.s32 $0xB;
	s5 =	simm.s32 $0x10;
	s15 =	sld [smem:$0x3FC6]  }
0x92: {  	[smem:s5], [sflag:s4] =	dma.local [hbm:s2], $0x1  }
0x93: {  	_ =	swait.eq [sflag:s4], $0x1  }
0x94: {  	[sflag:s4] =	ssyncset.done $0x0  }
0x95: {  	s16 =	sld [smem:$0x10];
	[sflag:s4] =	ssyncadd.s32 $0xFFFFFFFF  }
0x96: {  	s17 =	sld [smem:$0x11];
	(tm) =	ssettm $0x1  }
0x97: {  	s18 =	sld [smem:$0x3FFB];
	_ =	sdelay $0x3  }
0x98: {  	_ =	strace s18  }
0x99: {  	s5 =	sld [smem:$0x3FFC];
	_ =	sdelay $0x3  }
0x9a: {  	_ =	strace s5  }
0x9b: {  	s5 =	sld [smem:$0x3FFD];
	_ =	sdelay $0x3  }
0x9c: {  	_ =	strace s5  }
0x9d: {  	_ =	strace $0x8FFFFFFF  }
0x9e: {  	s19 =	sld [smem:$0x3FDB];
	_ =	sdelay $0x1  }
0x9f: {  	s6 =	simm.s32 $_scs_section_size  }
0xa0: {  	s7 =	simm.s32 $_size__tile_overlayer_lowered;
	s8 =	simm.s32 $_tile_overlayer_lowered  }
0xa1: {  	s22 =	simm.s32 $0x1BFF;
	s21 =	sshll.u32 s8, $0x1;
	s5 =	sadd.s32 s6, s19  }
0xa2: {  	s9 =	simm.s32 $0x0;
	s20 =	sshll.u32 s7, $0x1;
	s7 =	sadd.s32 s21, s5  }
0xa3: {  	[timem:s9], [sflag:s22] =	dma.local [hbm:s7], s20  }
0xa4: {  	_ =	swait.ge [sflag:s22], s20  }
0xa5: {  	s6 =	ssub.s32 $0x0, s20;
	[sflag:s22] =	ssyncset.done $0x0  }
0xa6: {  	[sflag:s22] =	ssyncadd.s32 s6;
	_ =	sdelay $0x1  }
0xa7: {  	s23 =	simm.s32 $0x1B8B  }
0xa8: {  	_ =	swait.ge [sflag:s23], $0x1  }
0xa9: {  	[sflag:s23] =	ssyncset.done $0x0  }
0xaa: {  	s25 =	simm.s32 $0x1B8E;
	s24 =	sld [smem:$0x3FFE];
	[sflag:s23] =	ssyncadd.s32 $0xFFFFFFFF  }
0xab: {  	s26 =	simm.s32 $execute0_lowered;
	[smem:$0x3FD2] =	sst s25  }
0xac: {  	s7 =	sshll.u32 s26, $0x1;
	_ =	strace $0x80000046;
	[dreg:$0x1] =	wrdreg $0xFFFFFFFF  }
0xad: {  	s28 =	simm.s32 $_size_execute0_lowered;
	s5 =	sadd.s32 s5, s7;
	[dreg:$0x0] =	wrdreg $0x0  }
0xae: {  	s7 =	sshll.u32 s28, $0x1;
	[dreg:$0x2] =	wrdreg s5  }
0xaf: {  	[dreg:$0x3] =	wrdreg s7  }
0xb0: {  	[dreg:$0x4] =	wrdreg $0xC0  }
0xb1: {  	_ =	task [dreg:s9], $0x5FFFF  }
0xb2: {  	[dreg:$0x1] =	wrdreg $0xFFFFFFFF  }
0xb3: {  	[dreg:$0x0] =	wrdreg $0x60  }
0xb4: {  	[dreg:$0x2] =	wrdreg s16  }
0xb5: {  	[dreg:$0x3] =	wrdreg s17  }
0xb6: {  	[dreg:$0x4] =	wrdreg s24  }
0xb7: {  	[dreg:$0x5] =	wrdreg s15  }
0xb8: {  	[dreg:$0x6] =	wrdreg $0x9  }
0xb9: {  	_ =	task.clear_ibuf [dreg:s9], $0x7FFFF;
	_ =	strace $0x90000046  }
0xba: {  	s29 =	simm.s32 $0x9;
	_ =	strace $0x80000048  }
0xbb: {  	_ =	swait.ge [sflag:s29], $0x1  }
0xbc: {  	[sflag:s29] =	ssyncadd.s32 $0xFFFFFFFF  }
0xbd: {  	_ =	strace $0x90000048  }
0xbe: {  	_ =	sfence  }
0xbf: {  	s30 =	sld [smem:$0x0];
	_ =	sdelay $0x2  }
0xc0: {  	s31 =	sshll.u32 s1, $0xD;
	s1 =	sshrl.u32 s1, $0x2  }
0xc1: {  	s3 =	sand.u32 $0x4000, s31;
	s1 =	sadd.s32 s1, s30  }
0xc2: {  	s0 =	sor.u32 s3, s0;
	s1 =	sshll.u32 s1, $0x11  }
0xc3: {  	s0 =	sor.u32 s1, s0  }
0xc4: {  	s0 =	sadd.s32 $0x8F2B, s0  }
0xc5: {  	[sflag:s0] =	ssyncadd.remote.s32 $0x1  }
0xc6: {  	_ =	sfence.sel $0xFFFF  }
0xc7: {  	[dreg:$0x0] =	wrdreg $0xFFFFFFFF;
	(pc) =	sbr.abs _section_cstart, $3  }
0xc8: {  	[dreg:$0x1] =	wrdreg $0xFFFFFFFF  }
0xc9: {  	_ =	task.clear_ibuf [dreg:s9], $0x2FFFF;
	_ =	strace $0x9FFFFFFF  }
0xca: {  	(tm) =	ssettm $0x7FFFFFFF  }
0xcb: {  	_ =	shalt  }
tec
execute0_lowered:
.L_overlay_start_1:
0x0: {  	(tag) =	ssettag $0x1  }
0x1: {  	s1 =	rddreg [dreg:$0x0]  }
0x2: {  	s2 =	rddreg [dreg:$0x1]  }
0x3: {  	s0 =	rddreg [dreg:$0x2]  }
0x4: {  	s4 =	rddreg [dreg:$0x3]  }
0x5: {  	s3 =	srdreg.scid;
	s6 =	stileid.u32  }
0x6: {  	s5 =	simm.s32 $0x0;
	s20 =	simm.s32 $0xA0;
	s21 =	simm.s32 $0x140  }
0x7: {  	s22 =	simm.s32 $0x50;
	s30 =	simm.s32 $0x1;
	s31 =	simm.s32 $0x2  }
0x8: {  	s3 =	sand.u32 $0x1, s3;
	s6 =	sshll.u32 s6, $0x1;
	[smem:$0x7FF] =	sst s5  }
0x9: {  	s8 =	sadd.s32 $0x65200, s0;
	s9 =	sadd.s32 $0x96000, s0;
	s7 =	sor.u32 s3, s6  }
0xa: {  	s10 =	sadd.s32 $0xC6E00, s0;
	s11 =	sadd.s32 $0x6E1600, s0;
	s7 =	smul.u32 $0xC350, s7  }
0xb: {  	_ =	strace $0x80000047;
	s6 =	sadd.s32 $0x3600, s0;
	s3 =	ssub.s32 $0x2, s3  }
0xc: {  	s0 =	simm.s32 $0x3;
	s12 =	sshrl.u32 s3, $0x1;
	s15 =	sshrl.u32 s7, $0x3  }
0xd: {  	s24 =	ssub.s32 s3, s12;
	s3 =	simm.s32 $0x0;
	s25 =	sadd.s32 s8, s15  }
0xe: {  	s18 =	sadd.s32 $0xA0, s7;
	s26 =	sadd.s32 s9, s15;
	[dreg:$0x5] =	wrdreg s25  }
0xf: {  	s28 =	sadd.s32 s4, s15;
	s29 =	sadd.s32 $0xA, s15;
	[dreg:$0x6] =	wrdreg s26  }
0x10: {  	s19 =	smax.u32 s24, $0x1;
	[dreg:$0x7] =	wrdreg s28;
	s15 =	sadd.s32 s8, s29  }
0x11: {  	s16 =	sadd.s32 s9, s29;
	s17 =	sadd.s32 s4, s29;
	s25 =	simm.s32 $0x4  }
.LBB2_1:
0x12: {  	s12 =	rddreg [dreg:$0x5]  }
0x13: {  	[tilespmem:s5], [sflag:$0x4] =	stream.linear.gather [hbm4b:s12+s5], $0x50, $0x38;
	[tilespmem:$0x3DE0] =	vst v63  }
0x14: {  	s13 =	rddreg [dreg:$0x6]  }
0x15: {  	[tilespmem:s20], [sflag:$0x4] =	stream.linear.gather [hbm4b:s13+s5], $0x50, $0x38;
	[tilespmem:$0x3DE0] =	vst v63  }
0x16: {  	s14 =	rddreg [dreg:$0x7]  }
0x17: {  	[tilespmem:s21], [sflag:$0x4] =	stream.linear.gather [hbm4b:s14+s5], $0x50, $0x38;
	[tilespmem:$0x3DE0] =	vst v63  }
0x18: {  	_ = 	snop  }
0x19: {  	[tilespmem:s22], [sflag:$0x4] =	stream.linear.gather [hbm4b:s15+s5], $0x50, $0x38;
	[tilespmem:$0x3DE0] =	vst v63  }
0x1a: {  	s23 =	simm.s32 $0xF0  }
0x1b: {  	[tilespmem:s23], [sflag:$0x4] =	stream.linear.gather [hbm4b:s16+s5], $0x50, $0x38;
	[tilespmem:$0x3DE0] =	vst v63  }
0x1c: {  	s24 =	simm.s32 $0x190  }
0x1d: {  	[tilespmem:s24], [sflag:$0x4] =	stream.linear.gather [hbm4b:s17+s5], $0x50, $0x38;
	[tilespmem:$0x3DE0] =	vst v63  }
0x1e: {  	_ =	swait.ge [sflag:s25], $0x50  }
0x1f: {  	[sflag:s25] =	ssyncset.done $0x0  }
0x20: {  	[sflag:s25] =	ssyncadd.s32 $0xFFFFFFB0  }
0x21: {  	_ =	swait.ge [sflag:s25], $0x50  }
0x22: {  	[sflag:s25] =	ssyncset.done $0x0  }
0x23: {  	[sflag:s25] =	ssyncadd.s32 $0xFFFFFFB0  }
0x24: {  	_ =	swait.ge [sflag:s25], $0x50  }
0x25: {  	[sflag:s25] =	ssyncset.done $0x0  }
0x26: {  	[sflag:s25] =	ssyncadd.s32 $0xFFFFFFB0  }
0x27: {  	v0 =	vld [tilespmem:$0x0]  }
0x28: {  	v1 =	vld [tilespmem:$0xA0]  }
0x29: {  	v2 =	vld [tilespmem:$0x140]  }
0x2a: {  	v3 =	vld [tilespmem:$0x10]  }
0x2b: {  	v4 =	vld [tilespmem:$0xB0]  }
0x2c: {  	v5 =	vld [tilespmem:$0x150]  }
0x2d: {  	v6 =	vld [tilespmem:$0x20]  }
0x2e: {  	v7 =	vld [tilespmem:$0xC0]  }
0x2f: {  	v8 =	vld [tilespmem:$0x160]  }
0x30: {  	v9 =	vld [tilespmem:$0x30]  }
0x31: {  	v52 =	vld [tilespmem:$0xD0];
	vm0 =	veq.s32 v2, $0x0  }
0x32: {  	v11 =	vld [tilespmem:$0x170];
	v10 =	vsel vm0, v0, v1  }
0x33: {  	v53 =	vld [tilespmem:$0x40];
	vm12 =	veq.s32 v5, $0x0;
	v0 =	vsel vm0, v1, v0;
	[tilespmem:$0x0] =	vst v10  }
0x34: {  	v55 =	vld [tilespmem:$0x180];
	v54 =	vsel vm12, v3, v4;
	[tilespmem:$0x140] =	vst v0  }
0x35: {  	v57 =	vld [tilespmem:$0xE0];
	vm13 =	veq.s32 v8, $0x0;
	v56 =	vsel vm12, v4, v3;
	[tilespmem:$0x10] =	vst v54  }
0x36: {  	v58 =	vsel vm13, v6, v7;
	[tilespmem:$0x150] =	vst v56  }
0x37: {  	vm14 =	veq.s32 v11, $0x0;
	v59 =	vsel vm13, v7, v6;
	[tilespmem:$0x20] =	vst v58  }
0x38: {  	v60 =	vsel vm14, v9, v52;
	[tilespmem:$0x160] =	vst v59  }
0x39: {  	vm15 =	veq.s32 v55, $0x0;
	v61 =	vsel vm14, v52, v9;
	[tilespmem:$0x30] =	vst v60  }
0x3a: {  	v62 =	vsel vm15, v53, v57;
	[tilespmem:$0x170] =	vst v61  }
0x3b: {  	v63 =	vsel vm15, v57, v53;
	[tilespmem:$0x40] =	vst v62  }
0x3c: {  	s26 =	simm.s32 $0x1E0;
	[tilespmem:$0x180] =	vst v63  }
0x3d: {  	[tilespmem:s26], [sflag:$0x1] =	stream.indirect.gather [hbm4b:s2+s22], $0x20, s5, s22, $0xb8;
	[tilespmem:$0x3DE0] =	vst v63  }
0x3e: {  	s28 =	simm.s32 $0x15E0  }
0x3f: {  	[tilespmem:s28], [sflag:$0x1] =	stream.indirect.gather [hbm4b:s6+s22], $0x20, s21, s22, $0xb8;
	[tilespmem:$0x3DE0] =	vst v63  }
0x40: {  	s29 =	simm.s32 $0x29E0;
	p0 =	por $0x0, $0x0;
	s23 =	simm.s32 $0x0  }
0x41: {  	[tilespmem:s29], [sflag:$0x2] =	stream.indirect.gather [hbm4b:s1+s22], $0x20, s20, s22, $0xb8;
	[tilespmem:$0x3DE0] =	vst v63  }
.LBB2_2:
0x42: {  	_ =	swait.ge [sflag:s30], $0xA00  }
0x43: {  	[sflag:s30] =	ssyncset.done $0x0  }
0x44: {  	[sflag:s30] =	ssyncadd.s32 $0xFFFFF600  }
0x45: {  	_ =	swait.ge [sflag:s30], $0xA00  }
0x46: {  	[sflag:s30] =	ssyncset.done $0x0  }
0x47: {  	[sflag:s30] =	ssyncadd.s32 $0xFFFFF600  }
0x48: {  	_ =	swait.ge [sflag:s31], $0xA00  }
0x49: {  	p1 =	seq.s32 s23, $0x0;
	[sflag:s31] =	ssyncset.done $0x0  }
0x4a: {  	s26 =	simm.s32 @!p1 $0x3;
	p2 =	seq.s32 @!p1 s23, $0x270;
	[sflag:s31] =	ssyncadd.s32 $0xFFFFF600  }
0x4b: {  	p2 =	por p1, !p2;
	_ =	swait.ge @!p1 [sflag:s26], $0xA00  }
.Ltmp0:
0x4c: {  	[sflag:s26] =	ssyncset.done @!p1 $0x0;
	(pc) =	sbr.rel @!p2 .LBB2_4-.Ltmp0, $4  }
0x4d: {  	[sflag:s26] =	ssyncadd.s32 @!p1 $0xFFFFF600  }
0x4e: {  	_ =	swait.ge @!p1 [sflag:s26], $0xA00  }
0x4f: {  	[sflag:s26] =	ssyncset.done @!p1 $0x0  }
0x50: {  	s12 =	sand.u32 $0x1, s23;
	s24 =	sadd.s32 $0x1, s23;
	[sflag:s26] =	ssyncadd.s32 @!p1 $0xFFFFF600  }
0x51: {  	_ =	swait.ge [sflag:s25], $0x50  }
0x52: {  	[sflag:s25] =	ssyncset.done $0x0  }
0x53: {  	[sflag:s25] =	ssyncadd.s32 $0xFFFFFFB0  }
0x54: {  	_ =	swait.ge [sflag:s25], $0x50  }
0x55: {  	[sflag:s25] =	ssyncset.done $0x0  }
0x56: {  	[sflag:s25] =	ssyncadd.s32 $0xFFFFFFB0  }
0x57: {  	s26 =	sand.u32 $0x1, s24;
	_ =	swait.ge [sflag:s25], $0x50  }
0x58: {  	s28 =	smul.u32 $0x50, s26;
	[sflag:s25] =	ssyncset.done $0x0  }
0x59: {  	[sflag:s25] =	ssyncadd.s32 $0xFFFFFFB0  }
0x5a: {  	v0 =	vld [tilespmem:s28+$0x0]  }
0x5b: {  	v1 =	vld [tilespmem:s28+$0xA0]  }
0x5c: {  	v2 =	vld [tilespmem:s28+$0x140]  }
0x5d: {  	v3 =	vld [tilespmem:s28+$0x10]  }
0x5e: {  	v4 =	vld [tilespmem:s28+$0xB0]  }
0x5f: {  	v5 =	vld [tilespmem:s28+$0x150]  }
0x60: {  	v6 =	vld [tilespmem:s28+$0x20]  }
0x61: {  	v7 =	vld [tilespmem:s28+$0xC0]  }
0x62: {  	v8 =	vld [tilespmem:s28+$0x160]  }
0x63: {  	v9 =	vld [tilespmem:s28+$0x30]  }
0x64: {  	v52 =	vld [tilespmem:s28+$0xD0];
	vm0 =	veq.s32 v2, $0x0  }
0x65: {  	v11 =	vld [tilespmem:s28+$0x170];
	v10 =	vsel vm0, v0, v1  }
0x66: {  	v53 =	vld [tilespmem:s28+$0x40];
	vm12 =	veq.s32 v5, $0x0;
	v0 =	vsel vm0, v1, v0;
	[tilespmem:s28+$0x0] =	vst v10  }
0x67: {  	v55 =	vld [tilespmem:s28+$0x180];
	v54 =	vsel vm12, v3, v4;
	[tilespmem:s28+$0x140] =	vst v0  }
0x68: {  	v57 =	vld [tilespmem:s28+$0xE0];
	vm13 =	veq.s32 v8, $0x0;
	v56 =	vsel vm12, v4, v3;
	[tilespmem:s28+$0x10] =	vst v54  }
0x69: {  	v58 =	vsel vm13, v6, v7;
	[tilespmem:s28+$0x150] =	vst v56  }
0x6a: {  	vm14 =	veq.s32 v11, $0x0;
	v59 =	vsel vm13, v7, v6;
	[tilespmem:s28+$0x20] =	vst v58  }
0x6b: {  	v60 =	vsel vm14, v9, v52;
	[tilespmem:s28+$0x160] =	vst v59  }
0x6c: {  	vm15 =	veq.s32 v55, $0x0;
	v61 =	vsel vm14, v52, v9;
	[tilespmem:s28+$0x30] =	vst v60  }
0x6d: {  	s26 =	smul.u32 $0xA00, s26;
	v62 =	vsel vm15, v53, v57;
	[tilespmem:s28+$0x170] =	vst v61  }
0x6e: {  	v63 =	vsel vm15, v57, v53;
	[tilespmem:s28+$0x40] =	vst v62  }
0x6f: {  	p1 =	sgt.u32 s23, $0x26E;
	s29 =	sor.u32 $0x1E0, s26;
	s14 =	sadd.s32 $0x140, s28;
	[tilespmem:s28+$0x180] =	vst v63  }
0x70: {  	[tilespmem:s29], [sflag:$0x1] =	stream.indirect.gather [hbm4b:s2+s22], $0x20, s28, s22, $0xb8;
	[tilespmem:$0x3DE0] =	vst v63  }
0x71: {  	s13 =	sadd.s32 $0x15E0, s26;
	s29 =	sadd.s32 $0xA0, s28;
	s28 =	smul.u32 @!p1 $0x50, s23  }
0x72: {  	[tilespmem:s13], [sflag:$0x1] =	stream.indirect.gather [hbm4b:s6+s22], $0x20, s14, s22, $0xb8;
	[tilespmem:$0x3DE0] =	vst v63  }
0x73: {  	s26 =	sadd.s32 $0x29E0, s26;
	s13 =	sadd.s32 @!p1 s28, s18  }
0x74: {  	[tilespmem:s26], [sflag:$0x2] =	stream.indirect.gather [hbm4b:s1+s22], $0x20, s29, s22, $0xb8;
	[tilespmem:$0x3DE0] =	vst v63  }
0x75: {  	s13 =	sshrl.u32 @!p1 s13, $0x3;
	s26 =	smul.u32 @!p1 $0x50, s12  }
0x76: {  	s28 =	sadd.s32 @!p1 s8, s13;
	s29 =	simm.s32 @!p1 $0x0  }
0x77: {  	[tilespmem:s26], [sflag:$0x4] =	stream.linear.gather @!p1 [hbm4b:s28+s29], $0x50, $0x38;
	[tilespmem:$0x3DE0] =	vst v63  }
0x78: {  	s14 =	sadd.s32 @!p1 s9, s13;
	s28 =	sadd.s32 @!p1 $0xA0, s26  }
0x79: {  	[tilespmem:s28], [sflag:$0x4] =	stream.linear.gather @!p1 [hbm4b:s14+s29], $0x50, $0x38;
	[tilespmem:$0x3DE0] =	vst v63  }
0x7a: {  	s13 =	sadd.s32 @!p1 s4, s13;
	s14 =	sadd.s32 @!p1 $0x140, s26  }
0x7b: {  	[tilespmem:s14], [sflag:$0x4] =	stream.linear.gather @!p1 [hbm4b:s13+s29], $0x50, $0x38;
	[tilespmem:$0x3DE0] =	vst v63  }
.LBB2_4:
0x7c: {  	s13 =	simm.s32 $0x1  }
0x7d: {  	s13 =	simm.s32 @!p0 $0x0  }
0x7e: {  	s13 =	smul.u32 $0x2800, s13;
	_ =	sdelay $0x1  }
0x7f: {  	s13 =	sshrl.u32 s13, $0x2  }
0x80: {  	s14 =	sadd.s32 $0x220, s13  }
0x81: {  	s13 =	sadd.s32 $0x1620, s13;
	v0 =	vmov s14  }
0x82: {  	v1 =	vmov s13;
	_ =	sdelay $0x2  }
0x83: {  	s26 =	simm.s32 $0x0  }
0x84: {  	v2 =	vld.idx.msk [tilespmem:v0+s26+$0xFFFFFFC0 ss:$0x1], $0xffff  }
0x85: {  	v3 =	vld.idx.msk [tilespmem:v1+s26+$0xFFFFFFC0 ss:$0x1], $0xffff;
	_ =	sdelay $0x4  }
0x86: {  	v2 =	vadd.f32 v3, v2;
	_ =	sdelay $0x1  }
0x87: {  	[tilespmem:v0+s26+$0xFFFFFFC0 ss:$0x1] =	vst.idx.msk $0xffff, v2  }
0x88: {  	v2 =	vld.idx.msk [tilespmem:v0+s26+$0xFFFFFFD0 ss:$0x1], $0xffff  }
0x89: {  	v3 =	vld.idx.msk [tilespmem:v1+s26+$0xFFFFFFD0 ss:$0x1], $0xffff;
	_ =	sdelay $0x4  }
0x8a: {  	v2 =	vadd.f32 v3, v2;
	_ =	sdelay $0x1  }
0x8b: {  	[tilespmem:v0+s26+$0xFFFFFFD0 ss:$0x1] =	vst.idx.msk $0xffff, v2  }
0x8c: {  	v2 =	vld.idx.msk [tilespmem:v0+s26+$0xFFFFFFE0 ss:$0x1], $0xffff  }
0x8d: {  	v3 =	vld.idx.msk [tilespmem:v1+s26+$0xFFFFFFE0 ss:$0x1], $0xffff;
	_ =	sdelay $0x4  }
0x8e: {  	v2 =	vadd.f32 v3, v2;
	_ =	sdelay $0x1  }
0x8f: {  	[tilespmem:v0+s26+$0xFFFFFFE0 ss:$0x1] =	vst.idx.msk $0xffff, v2  }
0x90: {  	v2 =	vld.idx.msk [tilespmem:v0+s26+$0xFFFFFFF0 ss:$0x1], $0xffff  }
0x91: {  	v3 =	vld.idx.msk [tilespmem:v1+s26+$0xFFFFFFF0 ss:$0x1], $0xffff;
	_ =	sdelay $0x4  }
0x92: {  	v2 =	vadd.f32 v3, v2;
	_ =	sdelay $0x1  }
0x93: {  	[tilespmem:v0+s26+$0xFFFFFFF0 ss:$0x1] =	vst.idx.msk $0xffff, v2  }
0x94: {  	v2 =	vld.idx.msk [tilespmem:v0+s26+$0x0 ss:$0x1], $0xffff  }
0x95: {  	v3 =	vld.idx.msk [tilespmem:v1+s26+$0x0 ss:$0x1], $0xffff;
	_ =	sdelay $0x4  }
0x96: {  	v2 =	vadd.f32 v3, v2;
	_ =	sdelay $0x1  }
0x97: {  	[tilespmem:v0+s26+$0x0 ss:$0x1] =	vst.idx.msk $0xffff, v2  }
0x98: {  	v2 =	vld.idx.msk [tilespmem:v0+s26+$0x10 ss:$0x1], $0xffff  }
0x99: {  	v3 =	vld.idx.msk [tilespmem:v1+s26+$0x10 ss:$0x1], $0xffff;
	_ =	sdelay $0x4  }
0x9a: {  	v2 =	vadd.f32 v3, v2;
	_ =	sdelay $0x1  }
0x9b: {  	[tilespmem:v0+s26+$0x10 ss:$0x1] =	vst.idx.msk $0xffff, v2  }
0x9c: {  	v2 =	vld.idx.msk [tilespmem:v0+s26+$0x20 ss:$0x1], $0xffff  }
0x9d: {  	v3 =	vld.idx.msk [tilespmem:v1+s26+$0x20 ss:$0x1], $0xffff;
	_ =	sdelay $0x4  }
0x9e: {  	v2 =	vadd.f32 v3, v2  }
0x9f: {  	s12 =	smul.u32 $0xA00, s12  }
0xa0: {  	[tilespmem:v0+s26+$0x20 ss:$0x1] =	vst.idx.msk $0xffff, v2  }
0xa1: {  	s29 =	sor.u32 $0x1E0, s12;
	s28 =	sadd.s32 $0x29E0, s12;
	s12 =	simm.s32 $0x200;
	v2 =	vld.idx.msk [tilespmem:v0+s26+$0x30 ss:$0x1], $0xffff  }
.LBB2_5:
0xa2: {  	p1 =	sne.s32 s12, $0x2600;
	v3 =	vld.idx.msk [tilespmem:v1+s26+$0x30 ss:$0x1], $0xffff;
	s13 =	smov.u32 s12;
	s12 =	sadd.s32 $0x200, s12  }
0xa3: {  	_ =	sdelay $0x4  }
0xa4: {  	v2 =	vadd.f32 v3, v2;
	_ =	sdelay $0x1  }
0xa5: {  	[tilespmem:v0+s26+$0x30 ss:$0x1] =	vst.idx.msk $0xffff, v2;
	s26 =	sshra.s32 s13, $0x2  }
0xa6: {  	v2 =	vld.idx.msk [tilespmem:v0+s26+$0xFFFFFFC0 ss:$0x1], $0xffff  }
0xa7: {  	v3 =	vld.idx.msk [tilespmem:v1+s26+$0xFFFFFFC0 ss:$0x1], $0xffff;
	_ =	sdelay $0x5  }
0xa8: {  	v2 =	vadd.f32 v3, v2;
	_ =	sdelay $0x1  }
0xa9: {  	[tilespmem:v0+s26+$0xFFFFFFC0 ss:$0x1] =	vst.idx.msk $0xffff, v2  }
0xaa: {  	v2 =	vld.idx.msk [tilespmem:v0+s26+$0xFFFFFFD0 ss:$0x1], $0xffff  }
0xab: {  	v3 =	vld.idx.msk [tilespmem:v1+s26+$0xFFFFFFD0 ss:$0x1], $0xffff;
	_ =	sdelay $0x5  }
0xac: {  	v2 =	vadd.f32 v3, v2;
	_ =	sdelay $0x1  }
0xad: {  	[tilespmem:v0+s26+$0xFFFFFFD0 ss:$0x1] =	vst.idx.msk $0xffff, v2  }
0xae: {  	v2 =	vld.idx.msk [tilespmem:v0+s26+$0xFFFFFFE0 ss:$0x1], $0xffff  }
0xaf: {  	v3 =	vld.idx.msk [tilespmem:v1+s26+$0xFFFFFFE0 ss:$0x1], $0xffff;
	_ =	sdelay $0x5  }
0xb0: {  	v2 =	vadd.f32 v3, v2;
	_ =	sdelay $0x1  }
0xb1: {  	[tilespmem:v0+s26+$0xFFFFFFE0 ss:$0x1] =	vst.idx.msk $0xffff, v2  }
0xb2: {  	v2 =	vld.idx.msk [tilespmem:v0+s26+$0xFFFFFFF0 ss:$0x1], $0xffff  }
0xb3: {  	v3 =	vld.idx.msk [tilespmem:v1+s26+$0xFFFFFFF0 ss:$0x1], $0xffff;
	_ =	sdelay $0x5  }
0xb4: {  	v2 =	vadd.f32 v3, v2;
	_ =	sdelay $0x1  }
0xb5: {  	[tilespmem:v0+s26+$0xFFFFFFF0 ss:$0x1] =	vst.idx.msk $0xffff, v2  }
0xb6: {  	v2 =	vld.idx.msk [tilespmem:v0+s26+$0x0 ss:$0x1], $0xffff  }
0xb7: {  	v3 =	vld.idx.msk [tilespmem:v1+s26+$0x0 ss:$0x1], $0xffff;
	_ =	sdelay $0x5  }
0xb8: {  	v2 =	vadd.f32 v3, v2;
	_ =	sdelay $0x1  }
0xb9: {  	[tilespmem:v0+s26+$0x0 ss:$0x1] =	vst.idx.msk $0xffff, v2  }
0xba: {  	v2 =	vld.idx.msk [tilespmem:v0+s26+$0x10 ss:$0x1], $0xffff  }
0xbb: {  	v3 =	vld.idx.msk [tilespmem:v1+s26+$0x10 ss:$0x1], $0xffff;
	_ =	sdelay $0x5  }
0xbc: {  	v2 =	vadd.f32 v3, v2;
	_ =	sdelay $0x1  }
0xbd: {  	[tilespmem:v0+s26+$0x10 ss:$0x1] =	vst.idx.msk $0xffff, v2  }
0xbe: {  	v2 =	vld.idx.msk [tilespmem:v0+s26+$0x20 ss:$0x1], $0xffff  }
0xbf: {  	v3 =	vld.idx.msk [tilespmem:v1+s26+$0x20 ss:$0x1], $0xffff;
	_ =	sdelay $0x4  }
.Ltmp1:
0xc0: {  	(pc) =	sbr.rel @p1 .LBB2_5-.Ltmp1, $3  }
0xc1: {  	v2 =	vadd.f32 v3, v2;
	_ =	sdelay $0x1  }
0xc2: {  	[tilespmem:v0+s26+$0x20 ss:$0x1] =	vst.idx.msk $0xffff, v2  }
0xc3: {  	v2 =	vld.idx.msk [tilespmem:v0+s26+$0x30 ss:$0x1], $0xffff  }
0xc4: {  	_ =	sdelay $0x3  }
0xc5: {  	v1 =	vld.idx.msk [tilespmem:v1+s26+$0x30 ss:$0x1], $0xffff;
	_ =	sdelay $0x2  }
0xc6: {  	s12 =	smul.u32 $0x50, s23;
	_ =	sdelay $0x1  }
0xc7: {  	p1 =	sne.s32 s24, $0x271;
	s12 =	sadd.s32 s7, s12;
	v1 =	vadd.f32 v1, v2  }
.Ltmp2:
0xc8: {  	s12 =	sshll.u32 s12, $0x2;
	(pc) =	sbr.rel @p1 .LBB2_2-.Ltmp2, $4  }
0xc9: {  	s13 =	sadd.s32 s10, s12;
	[tilespmem:v0+s26+$0x30 ss:$0x1] =	vst.idx.msk $0xffff, v1  }
0xca: {  	[hbm4b:s13+s5] =	stream.linear.scatter [tilespmem:s29], [sflag:$0x3], $0xA00, $0x38;
	[tilespmem:$0x3DE0] =	vst v63  }
0xcb: {  	p0 =	por !p0, !p0;
	s23 =	smov.u32 s24;
	s12 =	sadd.s32 s11, s12  }
0xcc: {  	[hbm4b:s12+s5] =	stream.linear.scatter [tilespmem:s28], [sflag:$0x3], $0xA00, $0x38;
	[tilespmem:$0x3DE0] =	vst v63  }
0xcd: {  	s3 =	sadd.s32 $0x1, s3  }
0xce: {  	_ =	swait.ge [sflag:s0], $0xA00;
	p0 =	sne.s32 s3, s19  }
.Ltmp3:
0xcf: {  	[sflag:s0] =	ssyncset.done $0x0;
	(pc) =	sbr.rel @p0 .LBB2_1-.Ltmp3, $4  }
0xd0: {  	[sflag:s0] =	ssyncadd.s32 $0xFFFFF600  }
0xd1: {  	_ =	swait.ge [sflag:s0], $0xA00  }
0xd2: {  	[sflag:s0] =	ssyncset.done $0x0  }
0xd3: {  	[sflag:s0] =	ssyncadd.s32 $0xFFFFF600  }
0xd4: {  	_ =	sfence.sel $0x180000  }
0xd5: {  	[bflag:$0x0] =	sbarrier.arrive $0xFFFF  }
0xd6: {  	_ =	strace $0x90000047  }
0xd7: {  	s0 =	stileid.u32;
	[bflag:$0x2] =	sbarrier.arrive $0xFFFF  }
0xd8: {  	p0 =	sne.s32 s0, $0x0;
	s0 =	rddreg [dreg:$0x4]  }
0xd9: {  	s0 =	sadd.s32 @!p0 $0x100000, s0  }
0xda: {  	[sflag:s0] =	ssyncadd.tile.s32 @!p0 $0x1;
	_ =	shalt  }
.Lfunc_end2:
_tile_overlayer_lowered:
.L_overlay_start_2:
0xdb: {  	(tag) =	ssettag $0x2  }
0xdc: {  	s0 =	rddreg [dreg:$0x0];
	s2 =	stileid.u32  }
0xdd: {  	s1 =	rddreg [dreg:$0x1];
	p0 =	sne.s32 s2, $0x0  }
0xde: {  	s3 =	rddreg [dreg:$0x2];
	[bflag:$0x3] =	sbarrier.arrive $0xFFFF;
	s2 =	simm.s32 @!p0 $0x1C05  }
0xdf: {  	[timem:s3], [sflag:s2] =	dma.local @!p0 [hbm:s0], s1  }
0xe0: {  	s0 =	simm.s32 @!p0 $0x5  }
0xe1: {  	_ =	swait.ge @!p0 [sflag:s0], s1  }
0xe2: {  	s1 =	ssub.s32 @!p0 $0x0, s1;
	[sflag:s0] =	ssyncset.done @!p0 $0x0  }
0xe3: {  	[sflag:s0] =	ssyncadd.s32 @!p0 s1  }
0xe4: {  	[bflag:$0x3] =	sbarrier.arrive $0xFFFF  }
0xe5: {  	_ =	shalt  }

// kernel: kernel.9.cloned.1.call-start
scs
__scs_entry_jumppad:
0x0: {  	(pc) =	sbr.rel $0x88, $3  }
0x1: {  	(tag) =	ssettag $0x0;
	lr =	simm.s32 $0x1  }
0x2: {  	[smem:$0x3F95] =	sst lr;
	_ =	strace $0xD0000000  }
0x3: {  	_ = 	snop  }
0x4: {  	_ = 	snop  }
0x5: {  	_ = 	snop  }
0x6: {  	_ = 	snop  }
0x7: {  	_ = 	snop  }
__scs_overlays_trampoline_lowered:
0x8: {  	[smem:$0x3FA4] =	sst s0  }
0x9: {  	[smem:$0x3FA5] =	sst s1  }
0xa: {  	[smem:$0x3FA6] =	sst s2  }
0xb: {  	[smem:$0x3FA7] =	sst s3  }
0xc: {  	[smem:$0x3FA8] =	sst s4  }
0xd: {  	[smem:$0x3FA9] =	sst s5  }
0xe: {  	[smem:$0x3FAA] =	sst s6  }
0xf: {  	[smem:$0x3FAB] =	sst s7  }
0x10: {  	[smem:$0x3FAC] =	sst s8  }
0x11: {  	[smem:$0x3FAD] =	sst s9;
	s0 =	simm.s32 @!p0 $0x0  }
0x12: {  	s1 =	sld [smem:$0x3F93];
	s0 =	simm.s32 @p0 $0x1  }
0x13: {  	[smem:$0x3FAE] =	sst s0;
	s0 =	simm.s32 @!p1 $0x0  }
0x14: {  	s2 =	sld [smem:$0x3F92];
	s0 =	simm.s32 @p1 $0x1  }
0x15: {  	[smem:$0x3FAF] =	sst s0;
	s0 =	simm.s32 @!p2 $0x0  }
0x16: {  	s3 =	sld [smem:$0x3FDB];
	s0 =	simm.s32 @p2 $0x1  }
0x17: {  	s4 =	simm.s32 $0x1BF5;
	[smem:$0x3FB1] =	sst s0  }
0x18: {  	s0 =	sld [smem:$0x3F94];
	_ =	swait.ge [sflag:s4], $0x0  }
0x19: {  	s7 =	sld [smem:$0x3F95]  }
0x1a: {  	s8 =	sadd.s32 $0xFFFFE003, lr  }
0x1b: {  	s9 =	sadd.s32 $0xFFFFFEF7, lr;
	s5 =	simm.s32 $0xFFFFFFFF;
	p2 =	slt.u32 s8, $0xFFFFF086  }
0x1c: {  	p1 =	slt.u32 s9, $0xF7A;
	s5 =	simm.s32 @!p2 $0x0  }
0x1d: {  	s5 =	simm.s32 @p1 $0x1;
	p0 =	seq.s32 s7, s2  }
0x1e: {  	s7 =	smul.u32 @!p0 $0xF7A, s2;
	p2 =	seq.s32 @!p0 s5, $0x0  }
0x1f: {  	s9 =	smul.u32 $0xF7A, s1;
	s8 =	simm.s32 @!p0 $0x1BF5;
	p2 =	por !p2, p0  }
0x20: {  	[sflag:s8] =	ssyncset.s32 @!p0 $0xFFFFF086;
	s6 =	sadd.s32 @!p0 s3, s7;
	s7 =	simm.s32 @!p0 $0x108  }
0x21: {  	s3 =	sadd.s32 s3, s9;
	s6 =	sadd.s32 @!p0 $0x88, s6;
	s7 =	simm.s32 @p2 $0x1082  }
0x22: {  	[simem:s7], [sflag:s8] =	dma.local @!p0 [hbm:s6], $0xF7A  }
0x23: {  	s9 =	sor.u32 $0xD0000000, s2;
	s6 =	simm.s32 $0x108;
	_ =	swait.ge @!p0 [sflag:s8], $0x0  }
0x24: {  	s3 =	sadd.s32 $0x88, s3;
	s6 =	simm.s32 @!p1 $0x1082;
	[sflag:s4] =	ssyncset.s32 $0xFFFFF086  }
0x25: {  	[simem:s6], [sflag:s4] =	dma.local [hbm:s3], $0xF7A  }
0x26: {  	[smem:$0x3F95] =	sst s1;
	(tag) =	ssettag s2;
	_ =	strace s9  }
0x27: {  	s1 =	sld [smem:$0x3FA5]  }
0x28: {  	s2 =	sld [smem:$0x3FA6]  }
0x29: {  	s4 =	sld [smem:$0x3FA8]  }
0x2a: {  	p0 =	seq.s32 s5, $0x0;
	s5 =	sld [smem:$0x3FA9]  }
0x2b: {  	s6 =	sld [smem:$0x3FAA]  }
0x2c: {  	s7 =	sld [smem:$0x3FAB]  }
0x2d: {  	s3 =	simm.s32 $0x108;
	s8 =	sld [smem:$0x3FAC]  }
0x2e: {  	s3 =	simm.s32 @!p0 $0x1082;
	s9 =	sld [smem:$0x3FAD]  }
0x2f: {  	lr =	sadd.s32 s0, s3;
	s0 =	sld [smem:$0x3FA4]  }
0x30: {  	s3 =	sld [smem:$0x3FA7]  }
0x31: {  	[smem:$0x3FB0] =	sst s10  }
0x32: {  	s10 =	sld [smem:$0x3FAE];
	_ =	sdelay $0x3  }
0x33: {  	p0 =	seq.s32 s10, $0x1;
	s10 =	sld [smem:$0x3FB0];
	_ =	sdelay $0x3  }
0x34: {  	[smem:$0x3FB0] =	sst s10  }
0x35: {  	s10 =	sld [smem:$0x3FAF];
	_ =	sdelay $0x3  }
0x36: {  	p1 =	seq.s32 s10, $0x1;
	s10 =	sld [smem:$0x3FB0];
	_ =	sdelay $0x3  }
0x37: {  	[smem:$0x3FB0] =	sst s10  }
0x38: {  	s10 =	sld [smem:$0x3FB1]  }
0x39: {  	_ = 	snop;
	(pc) =	sbr.ind lr, $3  }
0x3a: {  	_ = 	snop  }
0x3b: {  	_ = 	snop  }
0x3c: {  	p2 =	seq.s32 s10, $0x1;
	s10 =	sld [smem:$0x3FB0]  }
0x3d: {  	_ =	shalt  }
0x3e: {  	_ =	shalt  }
0x3f: {  	_ =	shalt  }
0x40: {  	_ =	shalt  }
0x41: {  	_ =	shalt  }
0x42: {  	_ =	shalt  }
0x43: {  	_ =	shalt  }
0x44: {  	_ =	shalt  }
0x45: {  	_ =	shalt  }
0x46: {  	_ =	shalt  }
0x47: {  	_ =	shalt  }
0x48: {  	_ =	shalt  }
0x49: {  	_ =	shalt  }
0x4a: {  	_ =	shalt  }
0x4b: {  	_ =	shalt  }
0x4c: {  	_ =	shalt  }
0x4d: {  	_ =	shalt  }
0x4e: {  	_ =	shalt  }
0x4f: {  	_ =	shalt  }
0x50: {  	_ =	shalt  }
0x51: {  	_ =	shalt  }
0x52: {  	_ =	shalt  }
0x53: {  	_ =	shalt  }
0x54: {  	_ =	shalt  }
0x55: {  	_ =	shalt  }
0x56: {  	_ =	shalt  }
0x57: {  	_ =	shalt  }
0x58: {  	_ =	shalt  }
0x59: {  	_ =	shalt  }
0x5a: {  	_ =	shalt  }
0x5b: {  	_ =	shalt  }
0x5c: {  	_ =	shalt  }
0x5d: {  	_ =	shalt  }
0x5e: {  	_ =	shalt  }
0x5f: {  	_ =	shalt  }
0x60: {  	_ =	shalt  }
0x61: {  	_ =	shalt  }
0x62: {  	_ =	shalt  }
0x63: {  	_ =	shalt  }
0x64: {  	_ =	shalt  }
0x65: {  	_ =	shalt  }
0x66: {  	_ =	shalt  }
0x67: {  	_ =	shalt  }
0x68: {  	_ =	shalt  }
0x69: {  	_ =	shalt  }
0x6a: {  	_ =	shalt  }
0x6b: {  	_ =	shalt  }
0x6c: {  	_ =	shalt  }
0x6d: {  	_ =	shalt  }
0x6e: {  	_ =	shalt  }
0x6f: {  	_ =	shalt  }
0x70: {  	_ =	shalt  }
0x71: {  	_ =	shalt  }
0x72: {  	_ =	shalt  }
0x73: {  	_ =	shalt  }
0x74: {  	_ =	shalt  }
0x75: {  	_ =	shalt  }
0x76: {  	_ =	shalt  }
0x77: {  	_ =	shalt  }
0x78: {  	_ =	shalt  }
0x79: {  	_ =	shalt  }
0x7a: {  	_ =	shalt  }
0x7b: {  	_ =	shalt  }
0x7c: {  	_ =	shalt  }
0x7d: {  	_ =	shalt  }
0x7e: {  	_ =	shalt  }
0x7f: {  	_ =	shalt  }
0x80: {  	_ =	shalt  }
0x81: {  	_ =	shalt  }
0x82: {  	_ =	shalt  }
0x83: {  	_ =	shalt  }
0x84: {  	_ =	shalt  }
0x85: {  	_ =	shalt  }
0x86: {  	_ =	shalt  }
0x87: {  	_ =	shalt  }
.Lfunc_end0:
.L_simem_size_0:
called_computation.2_lowered:
.L_overlay_start_0:
0x88: {  	s2 =	sld [smem:$0x3FD9]  }
0x89: {  	s3 =	sld [smem:$0x3FFE];
	_ =	sdelay $0x1  }
0x8a: {  	s1 =	srdreg.scid  }
0x8b: {  	s0 =	sand.u32 $0x1, s1  }
0x8c: {  	s14 =	sshll.u32 s0, $0xA;
	s2 =	sadd.s32 s3, s2  }
0x8d: {  	s2 =	sadd.s32 s2, s14  }
0x8e: {  	[smem:$0x3FBC] =	sst s2  }
0x8f: {  	_ = 	snop  }
0x90: {  	s2 =	sld [smem:$0x3FD0];
	_ =	sdelay $0x2  }
0x91: {  	s15 =	simm.s32 $0xB;
	s4 =	simm.s32 $0x10  }
0x92: {  	[smem:s4], [sflag:s15] =	dma.local [hbm:s2], $0x1  }
0x93: {  	_ =	swait.eq [sflag:s15], $0x1  }
0x94: {  	[sflag:s15] =	ssyncset.done $0x0  }
0x95: {  	[sflag:s15] =	ssyncadd.s32 $0xFFFFFFFF  }
0x96: {  	s16 =	sld [smem:$0x10];
	(tm) =	ssettm $0x1  }
0x97: {  	s17 =	sld [smem:$0x3FFB];
	_ =	sdelay $0x3  }
0x98: {  	_ =	strace s17  }
0x99: {  	s3 =	sld [smem:$0x3FFC];
	_ =	sdelay $0x3  }
0x9a: {  	_ =	strace s3  }
0x9b: {  	s3 =	sld [smem:$0x3FFD];
	_ =	sdelay $0x3  }
0x9c: {  	_ =	strace s3  }
0x9d: {  	_ =	strace $0x8FFFFFFF  }
0x9e: {  	s18 =	sld [smem:$0x3FDB];
	_ =	sdelay $0x1  }
0x9f: {  	s19 =	simm.s32 $_scs_section_size  }
0xa0: {  	s5 =	simm.s32 $_size__tile_overlayer_lowered;
	s6 =	simm.s32 $_tile_overlayer_lowered  }
0xa1: {  	s22 =	simm.s32 $0x1BFF;
	s21 =	sshll.u32 s6, $0x1;
	s3 =	sadd.s32 s19, s18  }
0xa2: {  	s7 =	simm.s32 $0x0;
	s20 =	sshll.u32 s5, $0x1;
	s5 =	sadd.s32 s21, s3  }
0xa3: {  	[timem:s7], [sflag:s22] =	dma.local [hbm:s5], s20  }
0xa4: {  	_ =	swait.ge [sflag:s22], s20  }
0xa5: {  	s4 =	ssub.s32 $0x0, s20;
	[sflag:s22] =	ssyncset.done $0x0  }
0xa6: {  	[sflag:s22] =	ssyncadd.s32 s4;
	_ =	sdelay $0x1  }
0xa7: {  	s23 =	simm.s32 $0x1B8B  }
0xa8: {  	_ =	swait.ge [sflag:s23], $0x1  }
0xa9: {  	[sflag:s23] =	ssyncset.done $0x0  }
0xaa: {  	s25 =	simm.s32 $0x1B8E;
	s24 =	sld [smem:$0x3FFE];
	[sflag:s23] =	ssyncadd.s32 $0xFFFFFFFF  }
0xab: {  	s26 =	simm.s32 $execute0_lowered;
	[smem:$0x3FD2] =	sst s25  }
0xac: {  	s5 =	sshll.u32 s26, $0x1;
	_ =	strace $0x80000049;
	[dreg:$0x1] =	wrdreg $0xFFFFFFFF  }
0xad: {  	s28 =	simm.s32 $_size_execute0_lowered;
	s3 =	sadd.s32 s3, s5;
	[dreg:$0x0] =	wrdreg $0x0  }
0xae: {  	s5 =	sshll.u32 s28, $0x1;
	[dreg:$0x2] =	wrdreg s3  }
0xaf: {  	[dreg:$0x3] =	wrdreg s5  }
0xb0: {  	[dreg:$0x4] =	wrdreg $0xC0  }
0xb1: {  	_ =	task [dreg:s7], $0x5FFFF  }
0xb2: {  	[dreg:$0x1] =	wrdreg $0xFFFFFFFF  }
0xb3: {  	[dreg:$0x0] =	wrdreg $0x60  }
0xb4: {  	[dreg:$0x2] =	wrdreg s24  }
0xb5: {  	[dreg:$0x3] =	wrdreg s16  }
0xb6: {  	[dreg:$0x4] =	wrdreg $0x55400  }
0xb7: {  	[dreg:$0x5] =	wrdreg $0xA  }
0xb8: {  	_ =	task.clear_ibuf [dreg:s7], $0x6FFFF;
	_ =	strace $0x90000049  }
0xb9: {  	s29 =	simm.s32 $0xA;
	_ =	strace $0x8000004B  }
0xba: {  	_ =	swait.ge [sflag:s29], $0x1  }
0xbb: {  	[sflag:s29] =	ssyncadd.s32 $0xFFFFFFFF  }
0xbc: {  	_ =	strace $0x9000004B  }
0xbd: {  	_ =	sfence  }
0xbe: {  	s30 =	sld [smem:$0x0];
	_ =	sdelay $0x2  }
0xbf: {  	s31 =	sshll.u32 s1, $0xD;
	s1 =	sshrl.u32 s1, $0x2  }
0xc0: {  	s3 =	sand.u32 $0x4000, s31;
	s1 =	sadd.s32 s1, s30  }
0xc1: {  	s0 =	sor.u32 s3, s0;
	s1 =	sshll.u32 s1, $0x11  }
0xc2: {  	s0 =	sor.u32 s1, s0  }
0xc3: {  	s0 =	sadd.s32 $0x8F2B, s0  }
0xc4: {  	[sflag:s0] =	ssyncadd.remote.s32 $0x1  }
0xc5: {  	_ =	sfence.sel $0xFFFF  }
0xc6: {  	[dreg:$0x0] =	wrdreg $0xFFFFFFFF;
	(pc) =	sbr.abs _section_cstart, $3  }
0xc7: {  	[dreg:$0x1] =	wrdreg $0xFFFFFFFF  }
0xc8: {  	_ =	task.clear_ibuf [dreg:s7], $0x2FFFF;
	_ =	strace $0x9FFFFFFF  }
0xc9: {  	(tm) =	ssettm $0x7FFFFFFF  }
tec
execute0_lowered:
.L_overlay_start_1:
0x0: {  	(tag) =	ssettag $0x1  }
0x1: {  	s1 =	rddreg [dreg:$0x0]  }
0x2: {  	s0 =	rddreg [dreg:$0x1]  }
0x3: {  	s2 =	rddreg [dreg:$0x2];
	s3 =	simm.s32 $0x0;
	s23 =	stileid.u32  }
0x4: {  	s4 =	srdreg.scid;
	s28 =	simm.s32 $0x3;
	s5 =	smul.u32 $0x61A80, s23  }
0x5: {  	s30 =	simm.s32 $0x1;
	s31 =	simm.s32 $0x2;
	s7 =	smul.u32 $0x61C00, s23  }
0x6: {  	[smem:$0x7FF] =	sst s3;
	s4 =	sand.u32 $0x1, s4;
	s12 =	smul.u32 $0xC38, s23  }
0x7: {  	s10 =	smul.u32 $0x186A0, s23;
	p0 =	seq.s32 s23, $0xF;
	_ =	strace $0x8000004A  }
0x8: {  	s6 =	ssub.s32 $0x2, s4;
	s22 =	smul.u32 $0xC350, s4;
	s13 =	sadd.s32 s5, s1  }
0x9: {  	s16 =	sshrl.u32 s6, $0x1;
	s1 =	sadd.s32 $0x96000, s1;
	s17 =	sshrl.u32 s7, $0x2  }
0xa: {  	s15 =	sadd.s32 $0x200, s12;
	s21 =	sshrl.u32 s10, $0x3;
	s14 =	ssub.s32 s6, s16  }
0xb: {  	s4 =	sadd.s32 s17, s2;
	s18 =	sshll.u32 s15, $0x5;
	s16 =	sadd.s32 $0x400, s12  }
0xc: {  	s17 =	sadd.s32 $0x600, s12;
	s21 =	sadd.s32 s1, s21;
	s15 =	sadd.s32 s22, s15  }
0xd: {  	s29 =	sadd.s32 $0x1316740, s13;
	s5 =	sadd.s32 s18, s2;
	s19 =	sshll.u32 s16, $0x5  }
0xe: {  	s20 =	sshll.u32 s17, $0x5;
	s18 =	sadd.s32 $0x800, s12;
	[dreg:$0x4] =	wrdreg s21  }
0xf: {  	s25 =	sshll.u32 s15, $0x2;
	s26 =	sadd.s32 s22, s16;
	s6 =	sadd.s32 s19, s2  }
0x10: {  	s7 =	sadd.s32 s20, s2;
	s8 =	sshll.u32 s18, $0x5;
	s19 =	sadd.s32 $0xA00, s12  }
0x11: {  	s20 =	sadd.s32 $0xC00, s12;
	s12 =	sadd.s32 s12, s22;
	s16 =	sadd.s32 s0, s25  }
0x12: {  	s8 =	sadd.s32 s8, s2;
	s11 =	sshll.u32 s20, $0x5;
	s12 =	sshll.u32 s12, $0x2  }
0x13: {  	[dreg:$0x7] =	wrdreg s16;
	s10 =	sadd.s32 s11, s2;
	s11 =	sadd.s32 $0xA, s21  }
0x14: {  	s9 =	sshll.u32 s19, $0x5;
	s24 =	sadd.s32 s0, s12;
	[dreg:$0x5] =	wrdreg s11  }
0x15: {  	s9 =	sadd.s32 s9, s2;
	s21 =	sshll.u32 s26, $0x2;
	[dreg:$0x6] =	wrdreg s24  }
0x16: {  	s24 =	sadd.s32 s22, s17;
	s25 =	sadd.s32 s0, s21;
	s11 =	sadd.s32 s22, s18  }
0x17: {  	s18 =	sadd.s32 s22, s19;
	s21 =	sadd.s32 s22, s20;
	s20 =	sadd.s32 $0x1316600, s13  }
0x18: {  	[dreg:$0x8] =	wrdreg s25;
	s26 =	sshll.u32 s24, $0x2;
	s24 =	smul.u32 $0x30D4, s23  }
.Ltmp0:
0x19: {  	s15 =	sshll.u32 s11, $0x2;
	s19 =	sshll.u32 s18, $0x2;
	(pc) =	sbr.rel .LBB2_1-.Ltmp0, $4  }
0x1a: {  	s25 =	sshll.u32 s21, $0x2;
	s21 =	smax.u32 s14, $0x1;
	s16 =	sadd.s32 s0, s26  }
0x1b: {  	s17 =	sadd.s32 s0, s15;
	s18 =	sadd.s32 s0, s19;
	s19 =	sadd.s32 s0, s25  }
0x1c: {  	s25 =	simm.s32 $0x4;
	s0 =	simm.s32 $0x0;
	s26 =	sadd.s32 s24, s1  }
0x1d: {  	v1 =	vimm.f32 $0.0e+00;
	v0 =	vmov s22;
	s24 =	simm.s32 $0x1540;
	s12 =	sadd.s32 $0x14, s26;
	s26 =	simm.s32 $0x50  }
.LBB2_7:
0x1e: {  	_ =	swait.ge [sflag:s31], $0xA00  }
0x1f: {  	[sflag:s31] =	ssyncset.done $0x0  }
0x20: {  	[sflag:s31] =	ssyncadd.s32 $0xFFFFF600  }
0x21: {  	[bflag:$0x0] =	sbarrier.arrive $0xFFFF  }
0x22: {  	[tilespmem:s24], [sflag:$0x4] =	stream.linear.gather [spmem:s4], $0x4000, $0x38;
	[tilespmem:$0x1DC40] =	vst v63  }
0x23: {  	_ =	swait.ge [sflag:s25], $0x4000  }
0x24: {  	[sflag:s25] =	ssyncset.done $0x0  }
0x25: {  	s1 =	rddreg [dreg:$0x6];
	[sflag:s25] =	ssyncadd.s32 $0xFFFFC000  }
0x26: {  	[hbm4b:s1+s3] =	stream.linear.scatter [tilespmem:s24], [sflag:$0x4], $0x4000, $0x38;
	[tilespmem:$0x1DC40] =	vst v63  }
0x27: {  	_ =	swait.ge [sflag:s25], $0x4000  }
0x28: {  	[sflag:s25] =	ssyncset.done $0x0  }
0x29: {  	[sflag:s25] =	ssyncadd.s32 $0xFFFFC000  }
0x2a: {  	[tilespmem:s24], [sflag:$0x4] =	stream.linear.gather [spmem:s5], $0x4000, $0x38;
	[tilespmem:$0x1DC40] =	vst v63  }
0x2b: {  	_ =	swait.ge [sflag:s25], $0x4000  }
0x2c: {  	[sflag:s25] =	ssyncset.done $0x0  }
0x2d: {  	s22 =	rddreg [dreg:$0x7];
	[sflag:s25] =	ssyncadd.s32 $0xFFFFC000  }
0x2e: {  	[hbm4b:s22+s3] =	stream.linear.scatter [tilespmem:s24], [sflag:$0x4], $0x4000, $0x38;
	[tilespmem:$0x1DC40] =	vst v63  }
0x2f: {  	_ =	swait.ge [sflag:s25], $0x4000  }
0x30: {  	[sflag:s25] =	ssyncset.done $0x0  }
0x31: {  	[sflag:s25] =	ssyncadd.s32 $0xFFFFC000  }
0x32: {  	[tilespmem:s24], [sflag:$0x4] =	stream.linear.gather [spmem:s6], $0x4000, $0x38;
	[tilespmem:$0x1DC40] =	vst v63  }
0x33: {  	_ =	swait.ge [sflag:s25], $0x4000  }
0x34: {  	[sflag:s25] =	ssyncset.done $0x0  }
0x35: {  	s23 =	rddreg [dreg:$0x8];
	[sflag:s25] =	ssyncadd.s32 $0xFFFFC000  }
0x36: {  	[hbm4b:s23+s3] =	stream.linear.scatter [tilespmem:s24], [sflag:$0x4], $0x4000, $0x38;
	[tilespmem:$0x1DC40] =	vst v63  }
0x37: {  	_ =	swait.ge [sflag:s25], $0x4000  }
0x38: {  	[sflag:s25] =	ssyncset.done $0x0  }
0x39: {  	[sflag:s25] =	ssyncadd.s32 $0xFFFFC000  }
0x3a: {  	[tilespmem:s24], [sflag:$0x4] =	stream.linear.gather [spmem:s7], $0x4000, $0x38;
	[tilespmem:$0x1DC40] =	vst v63  }
0x3b: {  	_ =	swait.ge [sflag:s25], $0x4000  }
0x3c: {  	[sflag:s25] =	ssyncset.done $0x0  }
0x3d: {  	[sflag:s25] =	ssyncadd.s32 $0xFFFFC000  }
0x3e: {  	[hbm4b:s16+s3] =	stream.linear.scatter [tilespmem:s24], [sflag:$0x4], $0x4000, $0x38;
	[tilespmem:$0x1DC40] =	vst v63  }
0x3f: {  	_ =	swait.ge [sflag:s25], $0x4000  }
0x40: {  	[sflag:s25] =	ssyncset.done $0x0  }
0x41: {  	[sflag:s25] =	ssyncadd.s32 $0xFFFFC000  }
0x42: {  	[tilespmem:s24], [sflag:$0x4] =	stream.linear.gather [spmem:s8], $0x4000, $0x38;
	[tilespmem:$0x1DC40] =	vst v63  }
0x43: {  	_ =	swait.ge [sflag:s25], $0x4000  }
0x44: {  	[sflag:s25] =	ssyncset.done $0x0  }
0x45: {  	[sflag:s25] =	ssyncadd.s32 $0xFFFFC000  }
0x46: {  	[hbm4b:s17+s3] =	stream.linear.scatter [tilespmem:s24], [sflag:$0x4], $0x4000, $0x38;
	[tilespmem:$0x1DC40] =	vst v63  }
0x47: {  	_ =	swait.ge [sflag:s25], $0x4000  }
0x48: {  	[sflag:s25] =	ssyncset.done $0x0  }
0x49: {  	[sflag:s25] =	ssyncadd.s32 $0xFFFFC000  }
0x4a: {  	[tilespmem:s24], [sflag:$0x4] =	stream.linear.gather [spmem:s9], $0x4000, $0x38;
	[tilespmem:$0x1DC40] =	vst v63  }
0x4b: {  	_ =	swait.ge [sflag:s25], $0x4000  }
0x4c: {  	[sflag:s25] =	ssyncset.done $0x0  }
0x4d: {  	[sflag:s25] =	ssyncadd.s32 $0xFFFFC000  }
0x4e: {  	[hbm4b:s18+s3] =	stream.linear.scatter [tilespmem:s24], [sflag:$0x4], $0x4000, $0x38;
	[tilespmem:$0x1DC40] =	vst v63  }
0x4f: {  	_ =	swait.ge [sflag:s25], $0x4000  }
0x50: {  	[sflag:s25] =	ssyncset.done $0x0  }
0x51: {  	s11 =	simm.s32 @p0 $0x4;
	s1 =	simm.s32 @p0 $0x1540;
	[sflag:s25] =	ssyncadd.s32 $0xFFFFC000  }
0x52: {  	[tilespmem:s1], [sflag:$0x4] =	stream.linear.gather @p0 [spmem:s10], $0x100, $0x38;
	[tilespmem:$0x1DC40] =	vst v63  }
0x53: {  	_ =	swait.ge @p0 [sflag:s11], $0x100  }
0x54: {  	[sflag:s11] =	ssyncset.done @p0 $0x0  }
0x55: {  	s13 =	simm.s32 @p0 $0x0;
	[sflag:s11] =	ssyncadd.s32 @p0 $0xFFFFFF00  }
0x56: {  	[hbm4b:s19+s13] =	stream.linear.scatter @p0 [tilespmem:s1], [sflag:$0x4], $0x100, $0x38;
	[tilespmem:$0x1DC40] =	vst v63  }
0x57: {  	_ =	swait.ge @p0 [sflag:s11], $0x100  }
0x58: {  	[sflag:s11] =	ssyncset.done @p0 $0x0  }
0x59: {  	s1 =	simm.s32 @!p0 $0x1540;
	[sflag:s11] =	ssyncadd.s32 @p0 $0xFFFFFF00;
	s11 =	simm.s32 @!p0 $0x4  }
0x5a: {  	[tilespmem:s1], [sflag:$0x4] =	stream.linear.gather @!p0 [spmem:s10], $0x700, $0x38;
	[tilespmem:$0x1DC40] =	vst v63  }
0x5b: {  	s0 =	sadd.s32 $0x1, s0;
	_ =	swait.ge @!p0 [sflag:s11], $0x700  }
0x5c: {  	p1 =	sne.s32 s0, s21;
	[sflag:s11] =	ssyncset.done @!p0 $0x0  }
.Ltmp1:
0x5d: {  	s13 =	simm.s32 @!p0 $0x0;
	[sflag:s11] =	ssyncadd.s32 @!p0 $0xFFFFF900;
	(pc) =	sbr.rel @!p1 .LBB2_8-.Ltmp1, $4  }
0x5e: {  	[hbm4b:s19+s13] =	stream.linear.scatter @!p0 [tilespmem:s1], [sflag:$0x4], $0x700, $0x38;
	[tilespmem:$0x1DC40] =	vst v63  }
0x5f: {  	_ =	swait.ge @!p0 [sflag:s11], $0x700  }
0x60: {  	[sflag:s11] =	ssyncset.done @!p0 $0x0  }
0x61: {  	[sflag:s11] =	ssyncadd.s32 @!p0 $0xFFFFF900  }
.LBB2_1:
0x62: {  	s1 =	simm.s32 $0x80;
	s13 =	simm.s32 $0x0  }
.LBB2_2:
0x63: {  	p1 =	sne.s32 s1, $0xFF80;
	[tilespmem:s13+$0x1540] =	vst v1;
	s14 =	smov.u32 s1;
	s1 =	sadd.s32 $0x80, s1  }
.Ltmp2:
0x64: {  	[tilespmem:s13+$0x1550] =	vst v1;
	(pc) =	sbr.rel @p1 .LBB2_2-.Ltmp2, $2  }
0x65: {  	_ =	sdelay $0x2  }
0x66: {  	s13 =	sshra.s32 s14, $0x2  }
0x67: {  	[tilespmem:s13+$0x1540] =	vst v1  }
0x68: {  	[tilespmem:s13+$0x1550] =	vst v1  }
0x69: {  	[spmem:s4] =	stream.linear.scatter [tilespmem:s24], [sflag:$0x4], $0x4000, $0x38;
	[tilespmem:$0x1DC40] =	vst v63  }
0x6a: {  	_ =	swait.ge [sflag:s25], $0x4000  }
0x6b: {  	[sflag:s25] =	ssyncset.done $0x0  }
0x6c: {  	[sflag:s25] =	ssyncadd.s32 $0xFFFFC000  }
0x6d: {  	[spmem:s5] =	stream.linear.scatter [tilespmem:s24], [sflag:$0x4], $0x4000, $0x38;
	[tilespmem:$0x1DC40] =	vst v63  }
0x6e: {  	_ =	swait.ge [sflag:s25], $0x4000  }
0x6f: {  	[sflag:s25] =	ssyncset.done $0x0  }
0x70: {  	[sflag:s25] =	ssyncadd.s32 $0xFFFFC000  }
0x71: {  	[spmem:s6] =	stream.linear.scatter [tilespmem:s24], [sflag:$0x4], $0x4000, $0x38;
	[tilespmem:$0x1DC40] =	vst v63  }
0x72: {  	_ =	swait.ge [sflag:s25], $0x4000  }
0x73: {  	[sflag:s25] =	ssyncset.done $0x0  }
0x74: {  	[sflag:s25] =	ssyncadd.s32 $0xFFFFC000  }
0x75: {  	[spmem:s7] =	stream.linear.scatter [tilespmem:s24], [sflag:$0x4], $0x4000, $0x38;
	[tilespmem:$0x1DC40] =	vst v63  }
0x76: {  	_ =	swait.ge [sflag:s25], $0x4000  }
0x77: {  	[sflag:s25] =	ssyncset.done $0x0  }
0x78: {  	[sflag:s25] =	ssyncadd.s32 $0xFFFFC000  }
0x79: {  	[spmem:s8] =	stream.linear.scatter [tilespmem:s24], [sflag:$0x4], $0x4000, $0x38;
	[tilespmem:$0x1DC40] =	vst v63  }
0x7a: {  	_ =	swait.ge [sflag:s25], $0x4000  }
0x7b: {  	[sflag:s25] =	ssyncset.done $0x0  }
0x7c: {  	[sflag:s25] =	ssyncadd.s32 $0xFFFFC000  }
0x7d: {  	[spmem:s9] =	stream.linear.scatter [tilespmem:s24], [sflag:$0x4], $0x4000, $0x38;
	[tilespmem:$0x1DC40] =	vst v63  }
0x7e: {  	_ =	swait.ge [sflag:s25], $0x4000  }
0x7f: {  	[sflag:s25] =	ssyncset.done $0x0  }
0x80: {  	[sflag:s25] =	ssyncadd.s32 $0xFFFFC000  }
0x81: {  	[spmem:s10] =	stream.linear.scatter [tilespmem:s24], [sflag:$0x4], $0x700, $0x38;
	[tilespmem:$0x1DC40] =	vst v63  }
0x82: {  	_ =	swait.ge [sflag:s25], $0x700  }
0x83: {  	[sflag:s25] =	ssyncset.done $0x0  }
0x84: {  	[sflag:s25] =	ssyncadd.s32 $0xFFFFF900  }
0x85: {  	[bflag:$0x0] =	sbarrier.arrive $0xFFFF  }
0x86: {  	s1 =	simm.s32 $0x0;
	s11 =	rddreg [dreg:$0x4]  }
0x87: {  	[tilespmem:s1], [sflag:$0x3] =	stream.linear.gather [hbm4b:s11+s1], $0x50, $0x38;
	[tilespmem:$0x1DC40] =	vst v63  }
0x88: {  	s22 =	rddreg [dreg:$0x5]  }
0x89: {  	[tilespmem:s26], [sflag:$0x3] =	stream.linear.gather [hbm4b:s22+s1], $0x50, $0x38;
	[tilespmem:$0x1DC40] =	vst v63  }
0x8a: {  	_ =	swait.ge [sflag:s28], $0x50  }
0x8b: {  	[sflag:s28] =	ssyncset.done $0x0  }
0x8c: {  	s23 =	simm.s32 $0x140;
	[sflag:s28] =	ssyncadd.s32 $0xFFFFFFB0  }
0x8d: {  	[tilespmem:s23], [sflag:$0x1] =	stream.linear.gather [hbm4b:s20+s1], $0xA00, $0x38;
	[tilespmem:$0x1DC40] =	vst v63  }
0x8e: {  	v2 =	vld [tilespmem:$0x0]  }
0x8f: {  	v3 =	vld [tilespmem:$0x10]  }
0x90: {  	v4 =	vld [tilespmem:$0x20]  }
0x91: {  	v5 =	vld [tilespmem:$0x30]  }
0x92: {  	v6 =	vld [tilespmem:$0x40]  }
0x93: {  	v2 =	vsub.s32 v2, v0  }
0x94: {  	v3 =	vsub.s32 v3, v0;
	v2 =	vmin.u32 v2, $0xC350  }
.Ltmp3:
0x95: {  	[tilespmem:$0xA0] =	vst v2;
	v2 =	vmin.u32 v3, $0xC350;
	v3 =	vsub.s32 v4, v0;
	(pc) =	sbr.rel .LBB2_4-.Ltmp3, $4  }
0x96: {  	[tilespmem:$0xB0] =	vst v2;
	v2 =	vmin.u32 v3, $0xC350;
	v3 =	vsub.s32 v5, v0  }
0x97: {  	[tilespmem:$0xC0] =	vst v2;
	v2 =	vmin.u32 v3, $0xC350;
	v3 =	vsub.s32 v6, v0  }
0x98: {  	[tilespmem:$0xD0] =	vst v2;
	v2 =	vmin.u32 v3, $0xC350  }
0x99: {  	s22 =	smov.u32 s12;
	s23 =	smov.u32 s29;
	[tilespmem:$0xE0] =	vst v2  }
.LBB2_6:
0x9a: {  	s1 =	smul.u32 $0x2800, s14  }
0x9b: {  	s11 =	smul.u32 $0x140, s14;
	p1 =	sne.s32 s13, $0x4E2  }
.Ltmp4:
0x9c: {  	_ =	swait.ge [sflag:s30], $0xA00;
	(pc) =	sbr.rel @!p1 .LBB2_7-.Ltmp4, $4  }
0x9d: {  	[sflag:s30] =	ssyncset.done $0x0;
	s1 =	sshrl.u32 s1, $0x2;
	s11 =	sshrl.u32 s11, $0x2  }
0x9e: {  	[sflag:s30] =	ssyncadd.s32 $0xFFFFF600;
	s1 =	sor.u32 $0x140, s1;
	s11 =	sadd.s32 $0xA0, s11  }
0x9f: {  	[spmem:s2] =	stream.indirect.scatter.add.f32 [tilespmem:s1], [sflag:$0x2], $0x20, s11, s26, $0xb8;
	[tilespmem:$0x1DC40] =	vst v63  }
0xa0: {  	s22 =	sadd.s32 $0xA, s22;
	s23 =	sadd.s32 $0x140, s23;
	s1 =	smov.u32 s13  }
.LBB2_4:
0xa1: {  	p1 =	seq.s32 s1, $0x0  }
0xa2: {  	p2 =	seq.s32 @!p1 s1, $0x4E1  }
0xa3: {  	p2 =	por p1, !p2  }
.Ltmp5:
0xa4: {  	_ = 	snop;
	(pc) =	sbr.rel @!p2 .LBB2_6-.Ltmp5, $4  }
0xa5: {  	s11 =	simm.s32 @!p1 $0x2  }
0xa6: {  	_ =	swait.ge @!p1 [sflag:s11], $0xA00  }
0xa7: {  	[sflag:s11] =	ssyncset.done @!p1 $0x0  }
0xa8: {  	s14 =	sand.u32 $0x1, s1;
	s13 =	sadd.s32 $0x1, s1;
	[sflag:s11] =	ssyncadd.s32 @!p1 $0xFFFFF600  }
0xa9: {  	s11 =	sand.u32 $0x1, s13  }
0xaa: {  	s15 =	smul.u32 $0x2800, s11  }
0xab: {  	_ =	swait.ge [sflag:s28], $0x50  }
0xac: {  	[sflag:s28] =	ssyncset.done $0x0;
	s15 =	sshrl.u32 s15, $0x2  }
0xad: {  	s11 =	smul.u32 $0x50, s11;
	[sflag:s28] =	ssyncadd.s32 $0xFFFFFFB0;
	s15 =	sor.u32 $0x140, s15  }
0xae: {  	[tilespmem:s15], [sflag:$0x1] =	stream.linear.gather [hbm4b:s23+s3], $0xA00, $0x38;
	[tilespmem:$0x1DC40] =	vst v63  }
0xaf: {  	v2 =	vld [tilespmem:s11+$0x0]  }
0xb0: {  	v3 =	vld [tilespmem:s11+$0x10]  }
0xb1: {  	v4 =	vld [tilespmem:s11+$0x20]  }
0xb2: {  	v5 =	vld [tilespmem:s11+$0x30]  }
0xb3: {  	v6 =	vld [tilespmem:s11+$0x40]  }
0xb4: {  	v2 =	vsub.s32 v2, v0  }
0xb5: {  	v3 =	vsub.s32 v3, v0;
	v2 =	vmin.u32 v2, $0xC350  }
0xb6: {  	[tilespmem:s11+$0xA0] =	vst v2;
	v2 =	vmin.u32 v3, $0xC350;
	v3 =	vsub.s32 v4, v0  }
.Ltmp6:
0xb7: {  	p1 =	sgt.u32 s1, $0x4DF;
	[tilespmem:s11+$0xB0] =	vst v2;
	v2 =	vmin.u32 v3, $0xC350;
	v3 =	vsub.s32 v5, v0;
	(pc) =	sbr.rel .LBB2_6-.Ltmp6, $4  }
0xb8: {  	s1 =	smul.u32 @!p1 $0x140, s14;
	[tilespmem:s11+$0xC0] =	vst v2;
	v2 =	vmin.u32 v3, $0xC350;
	v3 =	vsub.s32 v6, v0  }
0xb9: {  	[tilespmem:s11+$0xD0] =	vst v2;
	v2 =	vmin.u32 v3, $0xC350  }
0xba: {  	s1 =	sshrl.u32 @!p1 s1, $0x2;
	[tilespmem:s11+$0xE0] =	vst v2;
	s11 =	simm.s32 @!p1 $0x0  }
0xbb: {  	[tilespmem:s1], [sflag:$0x3] =	stream.linear.gather @!p1 [hbm4b:s22+s11], $0x50, $0x38;
	[tilespmem:$0x1DC40] =	vst v63  }
.LBB2_8:
0xbc: {  	_ =	sfence.sel $0x180000  }
0xbd: {  	[bflag:$0x0] =	sbarrier.arrive $0xFFFF  }
0xbe: {  	_ =	strace $0x9000004A  }
0xbf: {  	s0 =	stileid.u32;
	[bflag:$0x2] =	sbarrier.arrive $0xFFFF  }
0xc0: {  	p0 =	sne.s32 s0, $0x0;
	s0 =	rddreg [dreg:$0x3]  }
0xc1: {  	s0 =	sadd.s32 @!p0 $0x100000, s0  }
0xc2: {  	[sflag:s0] =	ssyncadd.tile.s32 @!p0 $0x1;
	_ =	shalt  }
.Lfunc_end2:
_tile_overlayer_lowered:
.L_overlay_start_2:
0xc3: {  	(tag) =	ssettag $0x2  }
0xc4: {  	s0 =	rddreg [dreg:$0x0];
	s2 =	stileid.u32  }
0xc5: {  	s1 =	rddreg [dreg:$0x1];
	p0 =	sne.s32 s2, $0x0  }
0xc6: {  	s3 =	rddreg [dreg:$0x2];
	[bflag:$0x3] =	sbarrier.arrive $0xFFFF;
	s2 =	simm.s32 @!p0 $0x1C04  }
0xc7: {  	[timem:s3], [sflag:s2] =	dma.local @!p0 [hbm:s0], s1  }
0xc8: {  	s0 =	simm.s32 @!p0 $0x4  }
0xc9: {  	_ =	swait.ge @!p0 [sflag:s0], s1  }
0xca: {  	s1 =	ssub.s32 @!p0 $0x0, s1;
	[sflag:s0] =	ssyncset.done @!p0 $0x0  }
0xcb: {  	[sflag:s0] =	ssyncadd.s32 @!p0 s1  }
0xcc: {  	[bflag:$0x3] =	sbarrier.arrive $0xFFFF  }
0xcd: {  	_ =	shalt  }

// kernel: sparse-core-data-format-call.cloned.1.call-start
scs
called_computation_lowered:
.L_overlay_start_0:
0x0: {  	s2 =	sld [smem:$0x3FD9]  }
0x1: {  	s3 =	sld [smem:$0x3FFE];
	_ =	sdelay $0x1  }
0x2: {  	s1 =	srdreg.scid  }
0x3: {  	s0 =	sand.u32 $0x1, s1  }
0x4: {  	s16 =	sshll.u32 s0, $0xA;
	s2 =	sadd.s32 s3, s2  }
0x5: {  	s2 =	sadd.s32 s2, s16  }
0x6: {  	[smem:$0x3FBC] =	sst s2  }
0x7: {  	_ = 	snop  }
0x8: {  	s2 =	sld [smem:$0x3FD0];
	_ =	sdelay $0x2  }
0x9: {  	s17 =	simm.s32 $0xB;
	s4 =	simm.s32 $0x10  }
0xa: {  	[smem:s4], [sflag:s17] =	dma.local [hbm:s2], $0x1  }
0xb: {  	_ =	swait.eq [sflag:s17], $0x1  }
0xc: {  	[sflag:s17] =	ssyncset.done $0x0  }
0xd: {  	[sflag:s17] =	ssyncadd.s32 $0xFFFFFFFF  }
0xe: {  	s18 =	sld [smem:$0x11];
	(tm) =	ssettm $0x1  }
0xf: {  	s19 =	sld [smem:$0x3FFB];
	_ =	sdelay $0x3  }
0x10: {  	_ =	strace s19  }
0x11: {  	s2 =	sld [smem:$0x3FFC];
	_ =	sdelay $0x3  }
0x12: {  	_ =	strace s2  }
0x13: {  	s2 =	sld [smem:$0x3FFD];
	_ =	sdelay $0x3  }
0x14: {  	_ =	strace s2  }
0x15: {  	_ =	strace $0x8FFFFFFF  }
0x16: {  	s20 =	sld [smem:$0x3FDB];
	_ =	sdelay $0x1  }
0x17: {  	s21 =	simm.s32 $_scs_section_size  }
0x18: {  	s5 =	simm.s32 $_size__tile_overlayer_lowered;
	s6 =	simm.s32 $_tile_overlayer_lowered  }
0x19: {  	s7 =	simm.s32 $0x1BFF;
	s22 =	sshll.u32 s6, $0x1;
	s4 =	sadd.s32 s21, s20  }
0x1a: {  	s23 =	simm.s32 $0x0;
	s5 =	sshll.u32 s5, $0x1;
	s6 =	sadd.s32 s22, s4  }
0x1b: {  	[timem:s23], [sflag:s7] =	dma.local [hbm:s6], s5  }
0x1c: {  	_ =	swait.ge [sflag:s7], s5  }
0x1d: {  	s5 =	ssub.s32 $0x0, s5;
	[sflag:s7] =	ssyncset.done $0x0  }
0x1e: {  	[sflag:s7] =	ssyncadd.s32 s5;
	_ =	sdelay $0x1  }
0x1f: {  	s24 =	simm.s32 $0x1B8B  }
0x20: {  	_ =	swait.ge [sflag:s24], $0x1  }
0x21: {  	[sflag:s24] =	ssyncset.done $0x0  }
0x22: {  	[sflag:s24] =	ssyncadd.s32 $0xFFFFFFFF  }
0x23: {  	s5 =	sld [smem:$0x0]  }
0x24: {  	s6 =	sand.u32 $0xFFFFFFFE, s1  }
0x25: {  	p0 =	sne.s32 s1, s6  }
0x26: {  	s6 =	sshll.u32 @p0 s6, $0xE  }
0x27: {  	s6 =	sadd.s32 @p0 $0x11B8D, s6;
	s7 =	sshll.u32 @p0 s5, $0x11  }
0x28: {  	s6 =	sor.u32 @p0 s7, s6  }
0x29: {  	[sflag:s6] =	ssyncadd.remote.s32 @p0 $0x1;
	_ =	sdelay $0x1  }
0x2a: {  	s6 =	simm.s32 @p0 $0x1B8D  }
0x2b: {  	_ =	swait.eq @p0 [sflag:s6], $0x1  }
0x2c: {  	[sflag:s6] =	ssyncadd.s32 @p0 $0xFFFFFFFF  }
0x2d: {  	s7 =	sshll.u32 @!p0 s1, $0xE  }
0x2e: {  	s7 =	sor.u32 @!p0 $0x4000, s7;
	s6 =	simm.s32 @!p0 $0x1B8D  }
0x2f: {  	s5 =	sshll.u32 @!p0 s5, $0x11;
	s7 =	sadd.s32 @!p0 $0x11B8D, s7;
	_ =	swait.eq @!p0 [sflag:s6], $0x1  }
0x30: {  	s5 =	sor.u32 @!p0 s5, s7;
	[sflag:s6] =	ssyncadd.s32 @!p0 $0xFFFFFFFF  }
0x31: {  	s26 =	simm.s32 $0x1B8E;
	s25 =	sld [smem:$0x3FFE];
	[sflag:s5] =	ssyncadd.remote.s32 @!p0 $0x1  }
0x32: {  	s27 =	simm.s32 $execute0_lowered;
	[smem:$0x3FD2] =	sst s26  }
0x33: {  	s6 =	sshll.u32 s27, $0x1;
	_ =	strace $0x8000004C;
	[dreg:$0x1] =	wrdreg $0xFFFFFFFF  }
0x34: {  	s28 =	simm.s32 $_size_execute0_lowered;
	s4 =	sadd.s32 s4, s6;
	[dreg:$0x0] =	wrdreg $0x0  }
0x35: {  	s6 =	sshll.u32 s28, $0x1;
	[dreg:$0x2] =	wrdreg s4  }
0x36: {  	[dreg:$0x3] =	wrdreg s6  }
0x37: {  	[dreg:$0x4] =	wrdreg $0xC0  }
0x38: {  	_ =	task [dreg:s23], $0x5FFFF  }
0x39: {  	[dreg:$0x1] =	wrdreg $0xFFFFFFFF  }
0x3a: {  	[dreg:$0x0] =	wrdreg $0x60  }
0x3b: {  	[dreg:$0x2] =	wrdreg s25  }
0x3c: {  	[dreg:$0x3] =	wrdreg s18  }
0x3d: {  	[dreg:$0x4] =	wrdreg $0x9  }
0x3e: {  	_ =	task.clear_ibuf [dreg:s23], $0x5FFFF;
	_ =	strace $0x9000004C  }
0x3f: {  	s29 =	simm.s32 $0x9;
	_ =	strace $0x8000004E  }
0x40: {  	_ =	swait.ge [sflag:s29], $0x1  }
0x41: {  	[sflag:s29] =	ssyncadd.s32 $0xFFFFFFFF  }
0x42: {  	_ =	strace $0x9000004E  }
0x43: {  	_ =	sfence  }
0x44: {  	s30 =	sld [smem:$0x0];
	_ =	sdelay $0x2  }
0x45: {  	s31 =	sshll.u32 s1, $0xD;
	s1 =	sshrl.u32 s1, $0x2  }
0x46: {  	s4 =	sand.u32 $0x4000, s31;
	s1 =	sadd.s32 s1, s30  }
0x47: {  	s0 =	sor.u32 s4, s0;
	s1 =	sshll.u32 s1, $0x11  }
0x48: {  	s0 =	sor.u32 s1, s0  }
0x49: {  	s0 =	sadd.s32 $0x8F2B, s0  }
0x4a: {  	[sflag:s0] =	ssyncadd.remote.s32 $0x1  }
0x4b: {  	_ =	sfence.sel $0xFFFF  }
0x4c: {  	[dreg:$0x0] =	wrdreg $0xFFFFFFFF;
	(pc) =	sbr.abs _section_cstart, $3  }
0x4d: {  	[dreg:$0x1] =	wrdreg $0xFFFFFFFF  }
0x4e: {  	_ =	task.clear_ibuf [dreg:s23], $0x2FFFF;
	_ =	strace $0x9FFFFFFF  }
0x4f: {  	(tm) =	ssettm $0x7FFFFFFF  }
tec
execute0_lowered:
.L_overlay_start_1:
0x0: {  	(tag) =	ssettag $0x1  }
0x1: {  	s0 =	srdreg.scid  }
0x2: {  	s1 =	sshll.u32 s0, $0x4  }
0x3: {  	s6 =	rddreg [dreg:$0x0];
	s0 =	stileid.u32;
	s1 =	sand.u32 $0x10, s1  }
0x4: {  	s3 =	rddreg [dreg:$0x1];
	s1 =	sor.u32 s0, s1  }
0x5: {  	s7 =	simm.s32 $0x1;
	s8 =	simm.s32 $0x2;
	s2 =	sshll.u32 s1, $0x7  }
0x6: {  	s10 =	simm.s32 $0x0;
	s9 =	simm.s32 $0x0;
	s5 =	ssub.s32 $0x186A00, s2  }
.Ltmp0:
0x7: {  	s6 =	sadd.s32 $0x1930E00, s6;
	s4 =	sand.u32 $0xF80, s5;
	(pc) =	sbr.rel .LBB1_1-.Ltmp0, $4  }
0x8: {  	s1 =	rddreg [dreg:$0x2];
	_ =	strace $0x8000004D;
	p0 =	sne.s32 s4, $0x0  }
0x9: {  	s5 =	sshrl.u32 s5, $0xC;
	s4 =	simm.s32 $0x1;
	s7 =	simm.s32 @!p0 $0x0  }
0xa: {  	[sflag:s4] =	ssyncpa.u1 $0x0;
	p0 =	por $0x0, $0x0;
	s5 =	sadd.s32 s7, s5  }
0xb: {  	[sflag:s8] =	ssyncpa.u1 $0x0;
	s8 =	smov.u32 s2;
	s7 =	sadd.s32 $0x1, s5  }
.LBB1_4:
0xc: {  	[tilespmem:s20+$0xFFFFFFFA ss:$0x81] =	vst.msk $0xff, v4  }
0xd: {  	v4 =	vld.msk [tilespmem:s21+$0xFFFFFFF0], $0xff;
	_ =	sdelay $0x3  }
0xe: {  	[tilespmem:s18+$0xFFFFFFFB ss:$0x81] =	vst.msk $0xff, v3  }
0xf: {  	v3 =	vld.msk [tilespmem:s19+$0xFFFFFFF8], $0xff;
	[tilespmem:s20+$0xFFFFFFFB ss:$0x81] =	vst.msk $0xff, v4  }
0x10: {  	v4 =	vld.msk [tilespmem:s21+$0xFFFFFFF8], $0xff;
	_ =	sdelay $0x3  }
0x11: {  	v5 =	vld.msk [tilespmem:s17+$0x0], $0xff;
	[tilespmem:s18+$0xFFFFFFFC ss:$0x81] =	vst.msk $0xff, v3  }
0x12: {  	v3 =	vld.msk [tilespmem:s19+$0x0], $0xff;
	[tilespmem:s20+$0xFFFFFFFC ss:$0x81] =	vst.msk $0xff, v4  }
0x13: {  	v4 =	vld.msk [tilespmem:s21+$0x0], $0xff;
	_ =	sdelay $0x2  }
0x14: {  	[tilespmem:s16+$0xFFFFFFFD ss:$0x81] =	vst.msk $0xff, v5  }
0x15: {  	v5 =	vld.msk [tilespmem:s17+$0x8], $0xff;
	[tilespmem:s18+$0xFFFFFFFD ss:$0x81] =	vst.msk $0xff, v3  }
0x16: {  	v3 =	vld.msk [tilespmem:s19+$0x8], $0xff;
	[tilespmem:s20+$0xFFFFFFFD ss:$0x81] =	vst.msk $0xff, v4  }
0x17: {  	v4 =	vld.msk [tilespmem:s21+$0x8], $0xff;
	_ =	sdelay $0x1  }
0x18: {  	[tilespmem:s13+$0xFFFFFFFE ss:$0x81] =	vst.msk $0xff, v2  }
0x19: {  	v2 =	vld.msk [tilespmem:s15+$0x10], $0xff;
	[tilespmem:s16+$0xFFFFFFFE ss:$0x81] =	vst.msk $0xff, v5  }
0x1a: {  	v5 =	vld.msk [tilespmem:s17+$0x10], $0xff;
	[tilespmem:s18+$0xFFFFFFFE ss:$0x81] =	vst.msk $0xff, v3  }
0x1b: {  	v3 =	vld.msk [tilespmem:s19+$0x10], $0xff;
	[tilespmem:s20+$0xFFFFFFFE ss:$0x81] =	vst.msk $0xff, v4  }
0x1c: {  	s23 =	sshll.u32 s10, $0x3;
	v4 =	vld.msk [tilespmem:s21+$0x10], $0xff  }
0x1d: {  	[tilespmem:s12+$0xFFFFFFFF ss:$0x81] =	vst.msk $0xff, v1;
	s23 =	sand.u32 $0xFFFFFC00, s23  }
0x1e: {  	v1 =	vld.msk [tilespmem:s14+$0x18], $0xff;
	s27 =	sshrl.u32 s23, $0x9;
	[tilespmem:s13+$0xFFFFFFFF ss:$0x81] =	vst.msk $0xff, v2  }
0x1f: {  	s14 =	smulhi.u32 $0xA7C5AD, s27;
	v2 =	vld.msk [tilespmem:s15+$0x18], $0xff;
	[tilespmem:s16+$0xFFFFFFFF ss:$0x81] =	vst.msk $0xff, v5  }
0x20: {  	v61 =	vld.msk [tilespmem:s17+$0x18], $0xff;
	[tilespmem:s18+$0xFFFFFFFF ss:$0x81] =	vst.msk $0xff, v3  }
0x21: {  	s14 =	sshrl.u32 s14, $0x3;
	v62 =	vld.msk [tilespmem:s19+$0x18], $0xff;
	[tilespmem:s20+$0xFFFFFFFF ss:$0x81] =	vst.msk $0xff, v4  }
0x22: {  	[tilespmem:s11+$0x0 ss:$0x81] =	vst.msk $0xff, v0;
	s28 =	sand.u32 $0x7F, s10;
	s29 =	smul.u32 $0x186A00, s14;
	v63 =	vld.msk [tilespmem:s21+$0x18], $0xff  }
0x23: {  	s10 =	sor.u32 s28, s23;
	[tilespmem:s12+$0x0 ss:$0x81] =	vst.msk $0xff, v1  }
0x24: {  	s30 =	sand.u32 $0x7, s14;
	s10 =	ssub.s32 s10, s29;
	[tilespmem:s13+$0x0 ss:$0x81] =	vst.msk $0xff, v2  }
0x25: {  	s11 =	smul.u32 $0x30D40, s30;
	s31 =	sshrl.u32 s10, $0x3;
	[tilespmem:s16+$0x0 ss:$0x81] =	vst.msk $0xff, v61  }
0x26: {  	s12 =	sadd.s32 s3, s31;
	[tilespmem:s18+$0x0 ss:$0x81] =	vst.msk $0xff, v62  }
0x27: {  	s10 =	sand.u32 $0x7, s10;
	s11 =	sadd.s32 s11, s12;
	[tilespmem:s20+$0x0 ss:$0x81] =	vst.msk $0xff, v63  }
0x28: {  	[hbm4b:s11+s10] =	stream.linear.scatter [tilespmem:s22], [sflag:$0x2], $0x400, $0x20;
	[tilespmem:$0x1010] =	vst v63  }
.LBB1_5:
0x29: {  	s12 =	sadd.s32 $0x1000, s8  }
0x2a: {  	p2 =	sgt.s32 s12, $0x1869FF  }
0x2b: {  	s12 =	smov.u32 @p2 s2;
	p2 =	sne.s32 s9, s7  }
.Ltmp1:
0x2c: {  	p1 =	slt.u32 s9, $0x2;
	(pc) =	sbr.rel @!p2 .LBB1_6-.Ltmp1, $4  }
0x2d: {  	s11 =	simm.s32 @!p1 $0x2  }
0x2e: {  	s13 =	sadd.s32 $0x1, s9;
	_ =	swait.ge @!p1 [sflag:s11], $0x400  }
0x2f: {  	s10 =	smov.u32 s8;
	p0 =	por !p0, !p0;
	[sflag:s11] =	ssyncset.done @!p1 $0x0  }
0x30: {  	s9 =	smov.u32 s13;
	s8 =	smov.u32 s12;
	[sflag:s11] =	ssyncadd.s32 @!p1 $0xFFFFFC00  }
.LBB1_1:
0x31: {  	p1 =	sge.u32 s9, s5  }
0x32: {  	s11 =	sand.u32 @!p1 $0x1FFFFFF, s8  }
0x33: {  	s12 =	smulhi.u32 @!p1 $0x14F8B59, s11;
	_ =	sdelay $0x1  }
0x34: {  	s12 =	sshrl.u32 @!p1 s12, $0xD  }
0x35: {  	s12 =	smul.u32 @!p1 $0x186A00, s12;
	_ =	sdelay $0x1  }
0x36: {  	s31 =	sadd.s32 $0xFFFFFFFF, s9;
	s13 =	sxor.u32 @!p1 $0xFFFFFFFF, s9;
	s11 =	ssub.s32 @!p1 s11, s12  }
0x37: {  	s14 =	simm.s32 @!p1 $0x80;
	s13 =	sshll.u32 @!p1 s13, $0xA;
	s11 =	sshll.u32 @!p1 s11, $0x4  }
0x38: {  	s12 =	sand.u32 @!p1 $0x400, s13;
	s13 =	simm.s32 @!p1 $0x8;
	s11 =	sadd.s32 @!p1 s6, s11  }
0x39: {  	[tilespmem:s12], [sflag:$0x1] =	stream.strided.gather @!p1 [hbm4b:s11+s13], $0x400, s14, s13, $0x38;
	[tilespmem:$0x1010] =	vst v63  }
0x3a: {  	p1 =	sge.u32 s31, s5  }
.Ltmp2:
0x3b: {  	_ = 	snop;
	(pc) =	sbr.rel @p1 .LBB1_5-.Ltmp2, $1  }
0x3c: {  	_ =	sdelay $0x3  }
0x3d: {  	s11 =	simm.s32 $0x1  }
0x3e: {  	_ =	swait.ge [sflag:s4], $0x400;
	s11 =	simm.s32 @!p0 $0x0  }
0x3f: {  	[sflag:s4] =	ssyncset.done $0x0;
	s12 =	sshll.u32 s11, $0xA  }
0x40: {  	[sflag:s4] =	ssyncadd.s32 $0xFFFFFC00;
	s20 =	sor.u32 $0x20, s12  }
0x41: {  	v0 =	vld.msk [tilespmem:s20+$0xFFFFFFE0], $0xff  }
0x42: {  	s11 =	smul.u32 $0x1020, s11;
	_ =	sdelay $0x1  }
0x43: {  	s11 =	sshrl.u32 s11, $0x2  }
0x44: {  	s11 =	sor.u32 $0x807, s11  }
0x45: {  	[tilespmem:s11+$0xFFFFFFF9 ss:$0x81] =	vst.msk $0xff, v0  }
0x46: {  	v0 =	vld.msk [tilespmem:s20+$0xFFFFFFE8], $0xff  }
0x47: {  	s14 =	sadd.s32 $0x40, s20  }
0x48: {  	v1 =	vld.msk [tilespmem:s14+$0xFFFFFFE0], $0xff;
	_ =	sdelay $0x2  }
0x49: {  	[tilespmem:s11+$0xFFFFFFFA ss:$0x81] =	vst.msk $0xff, v0  }
0x4a: {  	s12 =	sadd.s32 $0x8, s11;
	v0 =	vld.msk [tilespmem:s20+$0xFFFFFFF0], $0xff  }
0x4b: {  	[tilespmem:s12+$0xFFFFFFF9 ss:$0x81] =	vst.msk $0xff, v1  }
0x4c: {  	v1 =	vld.msk [tilespmem:s14+$0xFFFFFFE8], $0xff  }
0x4d: {  	s15 =	sadd.s32 $0x40, s14  }
0x4e: {  	v2 =	vld.msk [tilespmem:s15+$0xFFFFFFE0], $0xff  }
0x4f: {  	[tilespmem:s11+$0xFFFFFFFB ss:$0x81] =	vst.msk $0xff, v0  }
0x50: {  	v0 =	vld.msk [tilespmem:s20+$0xFFFFFFF8], $0xff  }
0x51: {  	[tilespmem:s12+$0xFFFFFFFA ss:$0x81] =	vst.msk $0xff, v1  }
0x52: {  	s13 =	sadd.s32 $0x8, s12;
	v1 =	vld.msk [tilespmem:s14+$0xFFFFFFF0], $0xff  }
0x53: {  	[tilespmem:s13+$0xFFFFFFF9 ss:$0x81] =	vst.msk $0xff, v2  }
0x54: {  	s17 =	sadd.s32 $0x40, s15;
	v2 =	vld.msk [tilespmem:s15+$0xFFFFFFE8], $0xff  }
0x55: {  	[tilespmem:s11+$0xFFFFFFFC ss:$0x81] =	vst.msk $0xff, v0;
	v0 =	vld.msk [tilespmem:s17+$0xFFFFFFE0], $0xff  }
0x56: {  	v3 =	vld.msk [tilespmem:s20+$0x0], $0xff  }
0x57: {  	[tilespmem:s12+$0xFFFFFFFB ss:$0x81] =	vst.msk $0xff, v1  }
0x58: {  	v1 =	vld.msk [tilespmem:s14+$0xFFFFFFF8], $0xff  }
0x59: {  	s16 =	sadd.s32 $0x8, s13;
	[tilespmem:s13+$0xFFFFFFFA ss:$0x81] =	vst.msk $0xff, v2  }
0x5a: {  	v2 =	vld.msk [tilespmem:s15+$0xFFFFFFF0], $0xff;
	[tilespmem:s16+$0xFFFFFFF9 ss:$0x81] =	vst.msk $0xff, v0  }
0x5b: {  	v0 =	vld.msk [tilespmem:s17+$0xFFFFFFE8], $0xff;
	[tilespmem:s11+$0xFFFFFFFD ss:$0x81] =	vst.msk $0xff, v3  }
0x5c: {  	s19 =	sadd.s32 $0x40, s17;
	v3 =	vld.msk [tilespmem:s20+$0x8], $0xff  }
0x5d: {  	[tilespmem:s12+$0xFFFFFFFC ss:$0x81] =	vst.msk $0xff, v1;
	v1 =	vld.msk [tilespmem:s19+$0xFFFFFFE0], $0xff  }
0x5e: {  	v4 =	vld.msk [tilespmem:s14+$0x0], $0xff  }
0x5f: {  	[tilespmem:s13+$0xFFFFFFFB ss:$0x81] =	vst.msk $0xff, v2  }
0x60: {  	v2 =	vld.msk [tilespmem:s15+$0xFFFFFFF8], $0xff;
	[tilespmem:s16+$0xFFFFFFFA ss:$0x81] =	vst.msk $0xff, v0  }
0x61: {  	s18 =	sadd.s32 $0x8, s16;
	v0 =	vld.msk [tilespmem:s17+$0xFFFFFFF0], $0xff;
	[tilespmem:s11+$0xFFFFFFFE ss:$0x81] =	vst.msk $0xff, v3  }
0x62: {  	[tilespmem:s18+$0xFFFFFFF9 ss:$0x81] =	vst.msk $0xff, v1;
	v1 =	vld.msk [tilespmem:s20+$0x10], $0xff  }
0x63: {  	[tilespmem:s12+$0xFFFFFFFD ss:$0x81] =	vst.msk $0xff, v4;
	v3 =	vld.msk [tilespmem:s19+$0xFFFFFFE8], $0xff  }
0x64: {  	s21 =	sadd.s32 $0x40, s19;
	v4 =	vld.msk [tilespmem:s14+$0x8], $0xff  }
0x65: {  	[tilespmem:s13+$0xFFFFFFFC ss:$0x81] =	vst.msk $0xff, v2;
	v2 =	vld.msk [tilespmem:s21+$0xFFFFFFE0], $0xff  }
0x66: {  	v5 =	vld.msk [tilespmem:s15+$0x0], $0xff;
	[tilespmem:s16+$0xFFFFFFFB ss:$0x81] =	vst.msk $0xff, v0  }
0x67: {  	v6 =	vld.msk [tilespmem:s17+$0xFFFFFFF8], $0xff;
	[tilespmem:s11+$0xFFFFFFFF ss:$0x81] =	vst.msk $0xff, v1  }
0x68: {  	s22 =	sand.u32 $0x1, s9;
	[tilespmem:s18+$0xFFFFFFFA ss:$0x81] =	vst.msk $0xff, v3;
	v0 =	vld.msk [tilespmem:s20+$0x18], $0xff  }
0x69: {  	s22 =	smul.u32 $0x1020, s22;
	[tilespmem:s12+$0xFFFFFFFE ss:$0x81] =	vst.msk $0xff, v4;
	v3 =	vld.msk [tilespmem:s19+$0xFFFFFFF0], $0xff;
	s20 =	sadd.s32 $0x8, s18  }
0x6a: {  	v1 =	vld.msk [tilespmem:s14+$0x10], $0xff;
	[tilespmem:s20+$0xFFFFFFF9 ss:$0x81] =	vst.msk $0xff, v2  }
0x6b: {  	s22 =	sshrl.u32 s22, $0x2;
	[tilespmem:s13+$0xFFFFFFFD ss:$0x81] =	vst.msk $0xff, v5;
	v4 =	vld.msk [tilespmem:s21+$0xFFFFFFE8], $0xff  }
0x6c: {  	s23 =	simm.s32 $0x28;
	s22 =	sor.u32 $0x800, s22;
	s24 =	sadd.s32 $0x40, s21;
	v2 =	vld.msk [tilespmem:s15+$0x8], $0xff;
	[tilespmem:s16+$0xFFFFFFFC ss:$0x81] =	vst.msk $0xff, v6  }
.LBB1_3:
0x6d: {  	v5 =	vld.msk [tilespmem:s24+$0xFFFFFFE0], $0xff;
	[tilespmem:s11+$0x0 ss:$0x81] =	vst.msk $0xff, v0;
	s11 =	smov.u32 s12;
	s12 =	smov.u32 s13;
	s13 =	smov.u32 s16  }
0x6e: {  	s23 =	sadd.s32 $0x8, s23;
	s16 =	smov.u32 s18;
	[tilespmem:s18+$0xFFFFFFFB ss:$0x81] =	vst.msk $0xff, v3;
	v6 =	vld.msk [tilespmem:s17+$0x0], $0xff;
	s18 =	smov.u32 s20  }
0x6f: {  	p1 =	slt.u32 s23, $0x78;
	v7 =	vld.msk [tilespmem:s19+$0xFFFFFFF8], $0xff;
	[tilespmem:s11+$0xFFFFFFFF ss:$0x81] =	vst.msk $0xff, v1  }
.Ltmp3:
0x70: {  	[tilespmem:s20+$0xFFFFFFFA ss:$0x81] =	vst.msk $0xff, v4;
	v0 =	vld.msk [tilespmem:s14+$0x18], $0xff;
	s14 =	smov.u32 s15;
	s15 =	smov.u32 s17;
	(pc) =	sbr.rel @p1 .LBB1_3-.Ltmp3, $4  }
0x71: {  	s20 =	sadd.s32 $0x8, s20;
	s17 =	smov.u32 s19;
	s19 =	smov.u32 s21;
	v3 =	vld.msk [tilespmem:s21+$0xFFFFFFF0], $0xff;
	[tilespmem:s12+$0xFFFFFFFE ss:$0x81] =	vst.msk $0xff, v2  }
0x72: {  	s21 =	smov.u32 s24;
	[tilespmem:s20+$0xFFFFFFF9 ss:$0x81] =	vst.msk $0xff, v5;
	v1 =	vld.msk [tilespmem:s14+$0x10], $0xff  }
0x73: {  	v4 =	vld.msk [tilespmem:s24+$0xFFFFFFE8], $0xff;
	[tilespmem:s13+$0xFFFFFFFD ss:$0x81] =	vst.msk $0xff, v6  }
0x74: {  	s24 =	sadd.s32 $0x40, s24;
	[tilespmem:s16+$0xFFFFFFFC ss:$0x81] =	vst.msk $0xff, v7;
	v2 =	vld.msk [tilespmem:s15+$0x8], $0xff  }
.Ltmp4:
0x75: {  	_ = 	snop;
	(pc) =	sbr.rel .LBB1_4-.Ltmp4, $1  }
0x76: {  	_ =	sdelay $0x3  }
.LBB1_6:
0x77: {  	_ =	sfence.sel $0x180000  }
0x78: {  	s2 =	simm.s32 $0x1;
	[bflag:$0x0] =	sbarrier.arrive $0xFFFF  }
0x79: {  	s31 =	simm.s32 $0x2;
	[sflag:s2] =	ssyncpa.u1 $0x1  }
0x7a: {  	[sflag:s31] =	ssyncpa.u1 $0x1  }
0x7b: {  	p0 =	sne.s32 s0, $0x0;
	_ =	strace $0x9000004D  }
0x7c: {  	s0 =	sadd.s32 @!p0 $0x100000, s1;
	[bflag:$0x2] =	sbarrier.arrive $0xFFFF  }
0x7d: {  	[sflag:s0] =	ssyncadd.tile.s32 @!p0 $0x1;
	_ =	shalt  }
.Lfunc_end1:
_tile_overlayer_lowered:
.L_overlay_start_2:
0x7e: {  	(tag) =	ssettag $0x2  }
0x7f: {  	s0 =	rddreg [dreg:$0x0];
	s2 =	stileid.u32  }
0x80: {  	s1 =	rddreg [dreg:$0x1];
	p0 =	sne.s32 s2, $0x0  }
0x81: {  	s3 =	rddreg [dreg:$0x2];
	[bflag:$0x3] =	sbarrier.arrive $0xFFFF;
	s2 =	simm.s32 @!p0 $0x1C01  }
0x82: {  	[timem:s3], [sflag:s2] =	dma.local @!p0 [hbm:s0], s1  }
0x83: {  	s0 =	simm.s32 @!p0 $0x1  }
0x84: {  	_ =	swait.ge @!p0 [sflag:s0], s1  }
0x85: {  	s1 =	ssub.s32 @!p0 $0x0, s1;
	[sflag:s0] =	ssyncset.done @!p0 $0x0  }
0x86: {  	[sflag:s0] =	ssyncadd.s32 @!p0 s1  }
0x87: {  	[bflag:$0x3] =	sbarrier.arrive $0xFFFF  }
0x88: {  	_ =	shalt  }

</sc_bundles>
